<compile_context>
chip_gen: v7x
topology: tpu7x:2x2x1
jax: 0.10.2.dev20260603
libtpu: 0.0.44.dev20260713+nightly
codegen_flags: <defaults>
</compile_context>

<pallas_src>
import functools

import jax
import jax.numpy as jnp
from jax import lax
from jax.experimental import pallas as pl
from jax.experimental.pallas import tpu as pltpu
from jax.experimental.pallas import tpu_sc as plsc

F32 = jnp.float32

_NC = 2
_NS = 16
_NW = _NC * _NS
_CH = 80
_NBUF = 5


@functools.lru_cache(maxsize=None)
def _make_agg(n, e, w):
    ew = e // _NW
    nch = ew // _CH
    rpt = n // _NS
    mesh = plsc.VectorSubcoreMesh(
        core_axis_name="c", subcore_axis_name="s", num_cores=_NC,
        num_subcores=_NS)

    ngrp = nch // _NBUF

    @functools.partial(
        pl.kernel,
        out_type=jax.ShapeDtypeStruct((_NC, n, w), F32),
        mesh=mesh,
        compiler_params=pltpu.CompilerParams(use_tc_tiling_on_sc=False),
        scratch_types=[
            pltpu.VMEM((nch, _CH), jnp.int32),
            pltpu.VMEM((nch, _CH), jnp.int32),
            pltpu.VMEM((_NBUF, _CH, w), F32),
            pltpu.VMEM_SHARED((n, w), F32),
        ] + [pltpu.SemaphoreType.DMA] * (2 * _NBUF),
    )
    def agg(table, ei3, zeros, out, srcv, dstv, rows, acc, *sems):
        gsem = sems[:_NBUF]
        ssem = sems[_NBUF:]
        c = lax.axis_index("c")
        s = lax.axis_index("s")
        wid = s * _NC + c
        pltpu.sync_copy(zeros.at[pl.ds(s * rpt, rpt)],
                        acc.at[pl.ds(s * rpt, rpt)])
        pltpu.sync_copy(ei3.at[0, pl.ds(wid * nch, nch)], srcv)
        pltpu.sync_copy(ei3.at[1, pl.ds(wid * nch, nch)], dstv)
        for b in range(_NBUF):
            pltpu.async_copy(table.at[srcv.at[b]], rows.at[b], gsem[b])
        plsc.subcore_barrier()

        def group(g, carry):
            g0 = g * _NBUF
            for b in range(_NBUF):
                j = g0 + b
                pltpu.make_async_copy(table.at[srcv.at[j]], rows.at[b],
                                      gsem[b]).wait()
                pltpu.async_copy(rows.at[b], acc.at[dstv.at[j]], ssem[b],
                                 add=True)
            for b in range(_NBUF):
                j = g0 + b

                @pl.when(g < ngrp - 1)
                def _():
                    pltpu.make_async_copy(rows.at[b], acc.at[dstv.at[j]],
                                          ssem[b]).wait()
                    pltpu.async_copy(table.at[srcv.at[j + _NBUF]],
                                     rows.at[b], gsem[b])
            return carry

        lax.fori_loop(0, ngrp, group, 0)
        for b in range(_NBUF):
            j = (ngrp - 1) * _NBUF + b
            pltpu.make_async_copy(rows.at[b], acc.at[dstv.at[j]],
                                  ssem[b]).wait()
        plsc.subcore_barrier()
        pltpu.sync_copy(acc.at[pl.ds(s * rpt, rpt)],
                        out.at[c, pl.ds(s * rpt, rpt)])

    return agg


def _pre_body(x_ref, wl_ref, t_ref):
    t = jnp.dot(x_ref[...], wl_ref[...], preferred_element_type=F32)
    col = lax.broadcasted_iota(jnp.int32, t.shape, 1)
    h = wl_ref.shape[1] - 16
    t_ref[0:t.shape[0], :] = jnp.where(col == h, 1.0, t)


def _rmat_body(h_ref, wr_ref, bl_ref, r_ref):
    r_ref[...] = jnp.dot(h_ref[...], wr_ref[...],
                         preferred_element_type=F32) + bl_ref[...]


def _bn(v, g, b):
    mu = jnp.mean(v, axis=0, keepdims=True)
    var = jnp.mean((v - mu) ** 2, axis=0, keepdims=True)
    return (v - mu) / jnp.sqrt(var + 1e-5) * g + b


def _post_common(p_ref, cnt, r_ref, g_ref, b_ref):
    h = g_ref.shape[1]
    n = r_ref.shape[0]
    ssum = p_ref[0, 0:n, 0:h] + p_ref[1, 0:n, 0:h]
    mean = ssum / jnp.maximum(cnt, 1.0)
    pre = mean + r_ref[...]
    return jax.nn.relu(_bn(pre, g_ref[...], b_ref[...]))


def _post0_body(p_ref, r_ref, g_ref, b_ref, wln_ref, wrn_ref, bln_ref,
                t_ref, rn_ref, cnt_ref):
    n = r_ref.shape[0]
    cnt = p_ref[0, 0:n, 64:65] + p_ref[1, 0:n, 64:65]
    hnew = _post_common(p_ref, cnt, r_ref, g_ref, b_ref)
    cnt_ref[...] = cnt
    t_ref[0:n, :] = jnp.dot(hnew, wln_ref[...], preferred_element_type=F32)
    rn_ref[...] = jnp.dot(hnew, wrn_ref[...],
                          preferred_element_type=F32) + bln_ref[...]


def _post1_body(p_ref, cnt_ref, r_ref, g_ref, b_ref, wln_ref, wrn_ref,
                bln_ref, t_ref, rn_ref):
    hnew = _post_common(p_ref, cnt_ref[...], r_ref, g_ref, b_ref)
    t_ref[0:r_ref.shape[0], :] = jnp.dot(hnew, wln_ref[...],
                                         preferred_element_type=F32)
    rn_ref[...] = jnp.dot(hnew, wrn_ref[...],
                          preferred_element_type=F32) + bln_ref[...]


def _final_body(p_ref, cnt_ref, r_ref, g_ref, b_ref,
                batch_ref, rad_ref, radg_ref, radb_ref,
                cw1a_ref, cw1b_ref, cb1_ref, cw2_ref, cb2_ref,
                cw3_ref, cb3_ref, ewa_ref, ewb_ref, eb_ref,
                logits_ref, emb_ref, node_ref):
    h3 = _post_common(p_ref, cnt_ref[...], r_ref, g_ref, b_ref)
    node_ref[...] = h3
    nb = ewa_ref.shape[0]
    n = h3.shape[0]
    gid = lax.broadcasted_iota(jnp.int32, (nb, n), 0)
    onehot = jnp.where(gid == batch_ref[...], 1.0, 0.0)
    pooled = jnp.dot(onehot, h3, preferred_element_type=F32)
    cntb = jnp.sum(onehot, axis=1, keepdims=True)
    gemb = pooled / jnp.maximum(cntb, 1.0)
    rbn = _bn(rad_ref[...], radg_ref[...], radb_ref[...])
    z = jax.nn.relu(
        jnp.dot(gemb, cw1a_ref[...], preferred_element_type=F32)
        + jnp.dot(rbn, cw1b_ref[...], preferred_element_type=F32)
        + cb1_ref[...])
    z = jax.nn.relu(jnp.dot(z, cw2_ref[...], preferred_element_type=F32)
                    + cb2_ref[...])
    logits_ref[...] = jnp.dot(z, cw3_ref[...],
                              preferred_element_type=F32) + cb3_ref[...]
    emb_ref[...] = (
        jnp.dot(gemb, ewa_ref[...], preferred_element_type=F32)
        + jnp.dot(rbn, ewb_ref[...], preferred_element_type=F32)
        + eb_ref[...])


def _row(v):
    return v.reshape(1, -1)


def kernel(x, edge_index, batch, radiomics, Wl0, bl0, Wr0, bn0_g, bn0_b,
           Wl1, bl1, Wr1, bn1_g, bn1_b, Wl2, bl2, Wr2, bn2_g, bn2_b,
           rad_g, rad_b, cW1, cb1, cW2, cb2, cW3, cb3, eW, eb):
    n, din = x.shape
    e = edge_index.shape[1]
    h = Wl0.shape[1]
    nb, rad = radiomics.shape
    w0 = h + 16
    npad = -(-n // 128) * 128

    ei3 = edge_index.reshape(2, e // _CH, _CH)

    wl0p = jnp.concatenate([Wl0, jnp.zeros((din, 16), F32)], axis=1)
    t0 = pl.pallas_call(
        _pre_body,
        out_shape=jax.ShapeDtypeStruct((npad, w0), F32),
    )(x, wl0p)

    z80 = jnp.zeros((npad, w0), F32)
    z64 = jnp.zeros((npad, h), F32)

    def rmat(hin, wr, bl):
        return pl.pallas_call(
            _rmat_body,
            out_shape=jax.ShapeDtypeStruct((n, h), F32),
        )(hin, wr, _row(bl))

    p0 = _make_agg(npad, e, w0)(t0, ei3, z80)
    r0 = rmat(x, Wr0, bl0)

    t1, r1, cnt = pl.pallas_call(
        _post0_body,
        out_shape=(
            jax.ShapeDtypeStruct((npad, h), F32),
            jax.ShapeDtypeStruct((n, h), F32),
            jax.ShapeDtypeStruct((n, 1), F32),
        ),
    )(p0, r0, _row(bn0_g), _row(bn0_b), Wl1, Wr1, _row(bl1))

    p1 = _make_agg(npad, e, h)(t1, ei3, z64)

    t2, r2 = pl.pallas_call(
        _post1_body,
        out_shape=(
            jax.ShapeDtypeStruct((npad, h), F32),
            jax.ShapeDtypeStruct((n, h), F32),
        ),
    )(p1, cnt, r1, _row(bn1_g), _row(bn1_b), Wl2, Wr2, _row(bl2))

    p2 = _make_agg(npad, e, h)(t2, ei3, z64)

    logits, emb, node_emb = pl.pallas_call(
        _final_body,
        out_shape=(
            jax.ShapeDtypeStruct((nb, 2), F32),
            jax.ShapeDtypeStruct((nb, h + rad), F32),
            jax.ShapeDtypeStruct((n, h), F32),
        ),
    )(p2, cnt, r2, _row(bn2_g), _row(bn2_b),
      _row(batch), radiomics, _row(rad_g), _row(rad_b),
      cW1[:h], cW1[h:], _row(cb1), cW2, _row(cb2), cW3, _row(cb3),
      eW[:h], eW[h:], _row(eb))

    return logits, emb, node_emb

# --- scband reference (transcript-rebuilt; emitter-appended) ---
"""Pipeline reference for scband-hybrid-gcn-75505525063863 (READ-ONLY COPY).

The authoritative reference and input builder live on the scoring server;
editing this copy changes nothing except your own understanding.
"""

import jax, jax.numpy as jnp
import numpy as np

N = 10000
E = 320000
DIN = 128
H = 64
B = 64
RAD = 45
FUSED = H + RAD


def setup_inputs(seed: int = 0) -> dict:
    key = jax.random.key(seed)
    ks = jax.random.split(key, 32)
    inp = {}
    inp['x'] = jax.random.normal(ks[0], (N, DIN), dtype=jnp.float32)
    inp['edge_index'] = jax.random.randint(ks[1], (2, E), 0, N, dtype=jnp.int32)
    inp['batch'] = jnp.sort(jax.random.randint(ks[2], (N,), 0, B, dtype=jnp.int32))
    inp['radiomics'] = jax.random.normal(ks[3], (B, RAD), dtype=jnp.float32)
    dims = [(DIN, H), (H, H), (H, H)]
    for i, (di, do) in enumerate(dims):
        inp['Wl%d' % i] = jax.random.normal(ks[4 + 3 * i], (di, do), dtype=jnp.float32) * 0.05
        inp['bl%d' % i] = jnp.zeros((do,), dtype=jnp.float32)
        inp['Wr%d' % i] = jax.random.normal(ks[5 + 3 * i], (di, do), dtype=jnp.float32) * 0.05
        inp['bn%d_g' % i] = jnp.ones((do,), dtype=jnp.float32)
        inp['bn%d_b' % i] = jnp.zeros((do,), dtype=jnp.float32)
    inp['rad_g'] = jnp.ones((RAD,), dtype=jnp.float32)
    inp['rad_b'] = jnp.zeros((RAD,), dtype=jnp.float32)
    inp['cW1'] = jax.random.normal(ks[14], (FUSED, 64), dtype=jnp.float32) * 0.05
    inp['cb1'] = jnp.zeros((64,), dtype=jnp.float32)
    inp['cW2'] = jax.random.normal(ks[15], (64, 32), dtype=jnp.float32) * 0.05
    inp['cb2'] = jnp.zeros((32,), dtype=jnp.float32)
    inp['cW3'] = jax.random.normal(ks[16], (32, 2), dtype=jnp.float32) * 0.05
    inp['cb3'] = jnp.zeros((2,), dtype=jnp.float32)
    inp['eW'] = jax.random.normal(ks[17], (FUSED, FUSED), dtype=jnp.float32) * 0.05
    inp['eb'] = jnp.zeros((FUSED,), dtype=jnp.float32)
    return inp


def _bn(x, g, b):
    mu = x.mean(0)
    var = ((x - mu) ** 2).mean(0)
    return (x - mu) / jnp.sqrt(var + 1e-5) * g + b


def _sage(x, src, dst, Wl, bl, Wr):
    msg = x[src]
    s = jax.ops.segment_sum(msg, dst, num_segments=N)
    cnt = jax.ops.segment_sum(jnp.ones((src.shape[0],), x.dtype), dst, num_segments=N)
    mean = s / jnp.clip(cnt, 1.0)[:, None]
    return mean @ Wl + bl + x @ Wr


def _forward(x, radiomics, params, edge_index, batch):
    src = edge_index[0]
    dst = edge_index[1]
    h = x
    for i in range(3):
        Wl, bl, Wr, g, b = params['layers'][i]
        h = _sage(h, src, dst, Wl, bl, Wr)
        h = _bn(h, g, b)
        h = jax.nn.relu(h)
    node_emb = h
    s = jax.ops.segment_sum(h, batch, num_segments=B)
    c = jax.ops.segment_sum(jnp.ones((N,), h.dtype), batch, num_segments=B)
    graph_emb = s / jnp.clip(c, 1.0)[:, None]
    rad = _bn(radiomics, params['rad_g'], params['rad_b'])
    fused = jnp.concatenate([graph_emb, rad], axis=1)
    z = jax.nn.relu(fused @ params['cW1'] + params['cb1'])
    z = jax.nn.relu(z @ params['cW2'] + params['cb2'])
    logits = z @ params['cW3'] + params['cb3']
    emb = fused @ params['eW'] + params['eb']
    return logits, emb, node_emb


def reference(x, edge_index, batch, radiomics, Wl0, bl0, Wr0, bn0_g, bn0_b, Wl1, bl1, Wr1, bn1_g, bn1_b, Wl2, bl2, Wr2, bn2_g, bn2_b, rad_g, rad_b, cW1, cb1, cW2, cb2, cW3, cb3, eW, eb):
    params = {'layers': [(Wl0, bl0, Wr0, bn0_g, bn0_b), (Wl1, bl1, Wr1, bn1_g, bn1_b), (Wl2, bl2, Wr2, bn2_g, bn2_b)], 'rad_g': rad_g, 'rad_b': rad_b, 'cW1': cW1, 'cb1': cb1, 'cW2': cW2, 'cb2': cb2, 'cW3': cW3, 'cb3': cb3, 'eW': eW, 'eb': eb}
    return _forward(x, radiomics, params, edge_index, batch)

if __name__ == "__main__":
    import jax
    _d = setup_inputs()
    print(jax.jit(kernel)(*tuple(_d.values())))

</pallas_src>

<mosaic_0001>
#map = affine_map<(d0, d1) -> (0, 0)>
#map1 = affine_map<(d0, d1) -> (0, 0, 0)>
module attributes {stable_mosaic.version = 14 : i64} {
  func.func @agg(%arg0: i32, %arg1: i32, %arg2: memref<10112x64xf32, #tpu.memory_space<hbm>>, %arg3: memref<2x4000x80xi32, #tpu.memory_space<hbm>>, %arg4: memref<10112x64xf32, #tpu.memory_space<hbm>>, %arg5: memref<2x10112x64xf32, #tpu.memory_space<hbm>>, %arg6: memref<125x80xi32, #tpu.memory_space<vmem>>, %arg7: memref<125x80xi32, #tpu.memory_space<vmem>>, %arg8: memref<5x80x64xf32, #tpu.memory_space<vmem>>, %arg9: memref<10112x64xf32, #tpu.memory_space<vmem_shared>>, %arg10: memref<!tpu.dma_semaphore, #tpu.memory_space<semaphore_mem>>, %arg11: memref<!tpu.dma_semaphore, #tpu.memory_space<semaphore_mem>>, %arg12: memref<!tpu.dma_semaphore, #tpu.memory_space<semaphore_mem>>, %arg13: memref<!tpu.dma_semaphore, #tpu.memory_space<semaphore_mem>>, %arg14: memref<!tpu.dma_semaphore, #tpu.memory_space<semaphore_mem>>, %arg15: memref<!tpu.dma_semaphore, #tpu.memory_space<semaphore_mem>>, %arg16: memref<!tpu.dma_semaphore, #tpu.memory_space<semaphore_mem>>, %arg17: memref<!tpu.dma_semaphore, #tpu.memory_space<semaphore_mem>>, %arg18: memref<!tpu.dma_semaphore, #tpu.memory_space<semaphore_mem>>, %arg19: memref<!tpu.dma_semaphore, #tpu.memory_space<semaphore_mem>>) attributes {dimension_semantics = [#tpu.dimension_semantics<core_parallel>, #tpu.dimension_semantics<subcore_parallel>], iteration_bounds = array<i64: 2, 16>, scalar_prefetch = 0 : i64, scratch_operands = 14 : i64, tpu.core_type = #tpu.core_type<sc_vector_subcore>, window_params = [{transform_indices = #map}, {transform_indices = #map1}, {transform_indices = #map}, {transform_indices = #map1}]} {
    %mul3A = arith.constant 2 : i32
    %mul3A_0 = arith.muli %arg1, %mul3A : i32
    %add3A = arith.addi %mul3A_0, %arg0 : i32
    %mul3A_1 = arith.constant 632 : i32
    %mul3A_2 = arith.muli %arg1, %mul3A_1 : i32
    %mul3A_3 = arith.constant 632 : i32
    %mul3A_4 = arith.muli %arg1, %mul3A_3 : i32
    "tpu.region"() ({
      %run_scoped3A_138 = tpu.sem_alloc : memref<!tpu.dma_semaphore, #tpu.memory_space<semaphore_mem>>
      %dma_start3A_139 = arith.constant 0 : i32
      %dma_start3A_140 = tpu.memref_slice %arg9[%mul3A_4, %dma_start3A_139] : memref<10112x64xf32, #tpu.memory_space<vmem_shared>> -> memref<632x64xf32, #tpu.memory_space<vmem_shared>>
      %dma_start3A_141 = arith.constant 0 : i32
      %dma_start3A_142 = tpu.memref_slice %arg4[%mul3A_2, %dma_start3A_141] : memref<10112x64xf32, #tpu.memory_space<hbm>> -> memref<632x64xf32, #tpu.memory_space<hbm>>
      tpu.enqueue_dma source(%dma_start3A_142 : memref<632x64xf32, #tpu.memory_space<hbm>>) target(%dma_start3A_140 : memref<632x64xf32, #tpu.memory_space<vmem_shared>>) target_semaphore(%run_scoped3A_138 : memref<!tpu.dma_semaphore, #tpu.memory_space<semaphore_mem>>)
      %dma_wait3A_143 = arith.constant 0 : i32
      %dma_wait3A_144 = tpu.memref_slice %arg9[%mul3A_4, %dma_wait3A_143] : memref<10112x64xf32, #tpu.memory_space<vmem_shared>> -> memref<632x64xf32, #tpu.memory_space<vmem_shared>>
      %dma_wait3A_145 = arith.constant 0 : i32
      %dma_wait3A_146 = tpu.memref_slice %arg4[%mul3A_2, %dma_wait3A_145] : memref<10112x64xf32, #tpu.memory_space<hbm>> -> memref<632x64xf32, #tpu.memory_space<hbm>>
      tpu.wait_dma2 semaphore(%run_scoped3A_138 : memref<!tpu.dma_semaphore, #tpu.memory_space<semaphore_mem>>) src(%dma_wait3A_146 : memref<632x64xf32, #tpu.memory_space<hbm>>) dst(%dma_wait3A_144 : memref<632x64xf32, #tpu.memory_space<vmem_shared>>)
      tpu.yield
    }) : () -> ()
    %mul3A_5 = arith.constant 125 : i32
    %mul3A_6 = arith.muli %add3A, %mul3A_5 : i32
    %run_scoped3A = arith.constant 0 : i32
    "tpu.region"() ({
      %run_scoped3A_138 = tpu.sem_alloc : memref<!tpu.dma_semaphore, #tpu.memory_space<semaphore_mem>>
      %dma_start3A_139 = arith.constant 0 : i32
      %dma_start3A_140 = tpu.memref_slice %arg3[%run_scoped3A, %mul3A_6, %dma_start3A_139] : memref<2x4000x80xi32, #tpu.memory_space<hbm>> -> memref<1x125x80xi32, #tpu.memory_space<hbm>>
      %dma_start3A_141 = tpu.memref_squeeze %dma_start3A_140 : memref<1x125x80xi32, #tpu.memory_space<hbm>> -> memref<125x80xi32, #tpu.memory_space<hbm>>
      %dma_start3A_142 = arith.constant 0 : i32
      %dma_start3A_143 = tpu.memref_slice %arg3[%run_scoped3A, %mul3A_6, %dma_start3A_142] : memref<2x4000x80xi32, #tpu.memory_space<hbm>> -> memref<1x125x80xi32, #tpu.memory_space<hbm>>
      %dma_start3A_144 = tpu.memref_squeeze %dma_start3A_143 : memref<1x125x80xi32, #tpu.memory_space<hbm>> -> memref<125x80xi32, #tpu.memory_space<hbm>>
      tpu.enqueue_dma source(%dma_start3A_144 : memref<125x80xi32, #tpu.memory_space<hbm>>) target(%arg6 : memref<125x80xi32, #tpu.memory_space<vmem>>) target_semaphore(%run_scoped3A_138 : memref<!tpu.dma_semaphore, #tpu.memory_space<semaphore_mem>>)
      %dma_wait3A_145 = arith.constant 0 : i32
      %dma_wait3A_146 = tpu.memref_slice %arg3[%run_scoped3A, %mul3A_6, %dma_wait3A_145] : memref<2x4000x80xi32, #tpu.memory_space<hbm>> -> memref<1x125x80xi32, #tpu.memory_space<hbm>>
      %dma_wait3A_147 = tpu.memref_squeeze %dma_wait3A_146 : memref<1x125x80xi32, #tpu.memory_space<hbm>> -> memref<125x80xi32, #tpu.memory_space<hbm>>
      %dma_wait3A_148 = arith.constant 0 : i32
      %dma_wait3A_149 = tpu.memref_slice %arg3[%run_scoped3A, %mul3A_6, %dma_wait3A_148] : memref<2x4000x80xi32, #tpu.memory_space<hbm>> -> memref<1x125x80xi32, #tpu.memory_space<hbm>>
      %dma_wait3A_150 = tpu.memref_squeeze %dma_wait3A_149 : memref<1x125x80xi32, #tpu.memory_space<hbm>> -> memref<125x80xi32, #tpu.memory_space<hbm>>
      tpu.wait_dma2 semaphore(%run_scoped3A_138 : memref<!tpu.dma_semaphore, #tpu.memory_space<semaphore_mem>>) src(%dma_wait3A_150 : memref<125x80xi32, #tpu.memory_space<hbm>>) dst(%arg6 : memref<125x80xi32, #tpu.memory_space<vmem>>)
      tpu.yield
    }) : () -> ()
    %mul3A_7 = arith.constant 125 : i32
    %mul3A_8 = arith.muli %add3A, %mul3A_7 : i32
    %run_scoped3A_9 = arith.constant 1 : i32
    "tpu.region"() ({
      %run_scoped3A_138 = tpu.sem_alloc : memref<!tpu.dma_semaphore, #tpu.memory_space<semaphore_mem>>
      %dma_start3A_139 = arith.constant 0 : i32
      %dma_start3A_140 = tpu.memref_slice %arg3[%run_scoped3A_9, %mul3A_8, %dma_start3A_139] : memref<2x4000x80xi32, #tpu.memory_space<hbm>> -> memref<1x125x80xi32, #tpu.memory_space<hbm>>
      %dma_start3A_141 = tpu.memref_squeeze %dma_start3A_140 : memref<1x125x80xi32, #tpu.memory_space<hbm>> -> memref<125x80xi32, #tpu.memory_space<hbm>>
      %dma_start3A_142 = arith.constant 0 : i32
      %dma_start3A_143 = tpu.memref_slice %arg3[%run_scoped3A_9, %mul3A_8, %dma_start3A_142] : memref<2x4000x80xi32, #tpu.memory_space<hbm>> -> memref<1x125x80xi32, #tpu.memory_space<hbm>>
      %dma_start3A_144 = tpu.memref_squeeze %dma_start3A_143 : memref<1x125x80xi32, #tpu.memory_space<hbm>> -> memref<125x80xi32, #tpu.memory_space<hbm>>
      tpu.enqueue_dma source(%dma_start3A_144 : memref<125x80xi32, #tpu.memory_space<hbm>>) target(%arg7 : memref<125x80xi32, #tpu.memory_space<vmem>>) target_semaphore(%run_scoped3A_138 : memref<!tpu.dma_semaphore, #tpu.memory_space<semaphore_mem>>)
      %dma_wait3A_145 = arith.constant 0 : i32
      %dma_wait3A_146 = tpu.memref_slice %arg3[%run_scoped3A_9, %mul3A_8, %dma_wait3A_145] : memref<2x4000x80xi32, #tpu.memory_space<hbm>> -> memref<1x125x80xi32, #tpu.memory_space<hbm>>
      %dma_wait3A_147 = tpu.memref_squeeze %dma_wait3A_146 : memref<1x125x80xi32, #tpu.memory_space<hbm>> -> memref<125x80xi32, #tpu.memory_space<hbm>>
      %dma_wait3A_148 = arith.constant 0 : i32
      %dma_wait3A_149 = tpu.memref_slice %arg3[%run_scoped3A_9, %mul3A_8, %dma_wait3A_148] : memref<2x4000x80xi32, #tpu.memory_space<hbm>> -> memref<1x125x80xi32, #tpu.memory_space<hbm>>
      %dma_wait3A_150 = tpu.memref_squeeze %dma_wait3A_149 : memref<1x125x80xi32, #tpu.memory_space<hbm>> -> memref<125x80xi32, #tpu.memory_space<hbm>>
      tpu.wait_dma2 semaphore(%run_scoped3A_138 : memref<!tpu.dma_semaphore, #tpu.memory_space<semaphore_mem>>) src(%dma_wait3A_150 : memref<125x80xi32, #tpu.memory_space<hbm>>) dst(%arg7 : memref<125x80xi32, #tpu.memory_space<vmem>>)
      tpu.yield
    }) : () -> ()
    %dma_start3A = arith.constant 0 : i32
    %dma_start3A_10 = arith.constant 0 : i32
    %dma_start3A_11 = arith.constant 0 : i32
    %dma_start3A_12 = arith.constant 0 : i32
    %dma_start3A_13 = tpu.memref_slice %arg8[%dma_start3A_10, %dma_start3A_11, %dma_start3A_12] : memref<5x80x64xf32, #tpu.memory_space<vmem>> -> memref<1x80x64xf32, #tpu.memory_space<vmem>>
    %dma_start3A_14 = tpu.memref_squeeze %dma_start3A_13 : memref<1x80x64xf32, #tpu.memory_space<vmem>> -> memref<80x64xf32, #tpu.memory_space<vmem>>
    %dma_start3A_15 = arith.constant 0 : i32
    %dma_start3A_16 = tpu.memref_slice %arg6[%dma_start3A, %dma_start3A_15] : memref<125x80xi32, #tpu.memory_space<vmem>> -> memref<1x80xi32, #tpu.memory_space<vmem>>
    %dma_start3A_17 = tpu.memref_squeeze %dma_start3A_16 : memref<1x80xi32, #tpu.memory_space<vmem>> -> memref<80xi32, #tpu.memory_space<vmem>>
    %dma_start3A_18 = arith.constant 0 : i32
    %dma_start3A_19 = arith.constant 0 : i32
    %dma_start3A_20 = tpu.memref_slice %arg2[%dma_start3A_18, %dma_start3A_19] : memref<10112x64xf32, #tpu.memory_space<hbm>> -> memref<10112x64xf32, #tpu.memory_space<hbm>>
    tpu.enqueue_indirect_dma source(%dma_start3A_20 : memref<10112x64xf32, #tpu.memory_space<hbm>>) target(%dma_start3A_14 : memref<80x64xf32, #tpu.memory_space<vmem>>) offsets(%dma_start3A_17 : memref<80xi32, #tpu.memory_space<vmem>>) semaphore(%arg10 : memref<!tpu.dma_semaphore, #tpu.memory_space<semaphore_mem>>)
    %dma_start3A_21 = arith.constant 1 : i32
    %dma_start3A_22 = arith.constant 1 : i32
    %dma_start3A_23 = arith.constant 0 : i32
    %dma_start3A_24 = arith.constant 0 : i32
    %dma_start3A_25 = tpu.memref_slice %arg8[%dma_start3A_22, %dma_start3A_23, %dma_start3A_24] : memref<5x80x64xf32, #tpu.memory_space<vmem>> -> memref<1x80x64xf32, #tpu.memory_space<vmem>>
    %dma_start3A_26 = tpu.memref_squeeze %dma_start3A_25 : memref<1x80x64xf32, #tpu.memory_space<vmem>> -> memref<80x64xf32, #tpu.memory_space<vmem>>
    %dma_start3A_27 = arith.constant 0 : i32
    %dma_start3A_28 = tpu.memref_slice %arg6[%dma_start3A_21, %dma_start3A_27] : memref<125x80xi32, #tpu.memory_space<vmem>> -> memref<1x80xi32, #tpu.memory_space<vmem>>
    %dma_start3A_29 = tpu.memref_squeeze %dma_start3A_28 : memref<1x80xi32, #tpu.memory_space<vmem>> -> memref<80xi32, #tpu.memory_space<vmem>>
    %dma_start3A_30 = arith.constant 0 : i32
    %dma_start3A_31 = arith.constant 0 : i32
    %dma_start3A_32 = tpu.memref_slice %arg2[%dma_start3A_30, %dma_start3A_31] : memref<10112x64xf32, #tpu.memory_space<hbm>> -> memref<10112x64xf32, #tpu.memory_space<hbm>>
    tpu.enqueue_indirect_dma source(%dma_start3A_32 : memref<10112x64xf32, #tpu.memory_space<hbm>>) target(%dma_start3A_26 : memref<80x64xf32, #tpu.memory_space<vmem>>) offsets(%dma_start3A_29 : memref<80xi32, #tpu.memory_space<vmem>>) semaphore(%arg11 : memref<!tpu.dma_semaphore, #tpu.memory_space<semaphore_mem>>)
    %dma_start3A_33 = arith.constant 2 : i32
    %dma_start3A_34 = arith.constant 2 : i32
    %dma_start3A_35 = arith.constant 0 : i32
    %dma_start3A_36 = arith.constant 0 : i32
    %dma_start3A_37 = tpu.memref_slice %arg8[%dma_start3A_34, %dma_start3A_35, %dma_start3A_36] : memref<5x80x64xf32, #tpu.memory_space<vmem>> -> memref<1x80x64xf32, #tpu.memory_space<vmem>>
    %dma_start3A_38 = tpu.memref_squeeze %dma_start3A_37 : memref<1x80x64xf32, #tpu.memory_space<vmem>> -> memref<80x64xf32, #tpu.memory_space<vmem>>
    %dma_start3A_39 = arith.constant 0 : i32
    %dma_start3A_40 = tpu.memref_slice %arg6[%dma_start3A_33, %dma_start3A_39] : memref<125x80xi32, #tpu.memory_space<vmem>> -> memref<1x80xi32, #tpu.memory_space<vmem>>
    %dma_start3A_41 = tpu.memref_squeeze %dma_start3A_40 : memref<1x80xi32, #tpu.memory_space<vmem>> -> memref<80xi32, #tpu.memory_space<vmem>>
    %dma_start3A_42 = arith.constant 0 : i32
    %dma_start3A_43 = arith.constant 0 : i32
    %dma_start3A_44 = tpu.memref_slice %arg2[%dma_start3A_42, %dma_start3A_43] : memref<10112x64xf32, #tpu.memory_space<hbm>> -> memref<10112x64xf32, #tpu.memory_space<hbm>>
    tpu.enqueue_indirect_dma source(%dma_start3A_44 : memref<10112x64xf32, #tpu.memory_space<hbm>>) target(%dma_start3A_38 : memref<80x64xf32, #tpu.memory_space<vmem>>) offsets(%dma_start3A_41 : memref<80xi32, #tpu.memory_space<vmem>>) semaphore(%arg12 : memref<!tpu.dma_semaphore, #tpu.memory_space<semaphore_mem>>)
    %dma_start3A_45 = arith.constant 3 : i32
    %dma_start3A_46 = arith.constant 3 : i32
    %dma_start3A_47 = arith.constant 0 : i32
    %dma_start3A_48 = arith.constant 0 : i32
    %dma_start3A_49 = tpu.memref_slice %arg8[%dma_start3A_46, %dma_start3A_47, %dma_start3A_48] : memref<5x80x64xf32, #tpu.memory_space<vmem>> -> memref<1x80x64xf32, #tpu.memory_space<vmem>>
    %dma_start3A_50 = tpu.memref_squeeze %dma_start3A_49 : memref<1x80x64xf32, #tpu.memory_space<vmem>> -> memref<80x64xf32, #tpu.memory_space<vmem>>
    %dma_start3A_51 = arith.constant 0 : i32
    %dma_start3A_52 = tpu.memref_slice %arg6[%dma_start3A_45, %dma_start3A_51] : memref<125x80xi32, #tpu.memory_space<vmem>> -> memref<1x80xi32, #tpu.memory_space<vmem>>
    %dma_start3A_53 = tpu.memref_squeeze %dma_start3A_52 : memref<1x80xi32, #tpu.memory_space<vmem>> -> memref<80xi32, #tpu.memory_space<vmem>>
    %dma_start3A_54 = arith.constant 0 : i32
    %dma_start3A_55 = arith.constant 0 : i32
    %dma_start3A_56 = tpu.memref_slice %arg2[%dma_start3A_54, %dma_start3A_55] : memref<10112x64xf32, #tpu.memory_space<hbm>> -> memref<10112x64xf32, #tpu.memory_space<hbm>>
    tpu.enqueue_indirect_dma source(%dma_start3A_56 : memref<10112x64xf32, #tpu.memory_space<hbm>>) target(%dma_start3A_50 : memref<80x64xf32, #tpu.memory_space<vmem>>) offsets(%dma_start3A_53 : memref<80xi32, #tpu.memory_space<vmem>>) semaphore(%arg13 : memref<!tpu.dma_semaphore, #tpu.memory_space<semaphore_mem>>)
    %dma_start3A_57 = arith.constant 4 : i32
    %dma_start3A_58 = arith.constant 4 : i32
    %dma_start3A_59 = arith.constant 0 : i32
    %dma_start3A_60 = arith.constant 0 : i32
    %dma_start3A_61 = tpu.memref_slice %arg8[%dma_start3A_58, %dma_start3A_59, %dma_start3A_60] : memref<5x80x64xf32, #tpu.memory_space<vmem>> -> memref<1x80x64xf32, #tpu.memory_space<vmem>>
    %dma_start3A_62 = tpu.memref_squeeze %dma_start3A_61 : memref<1x80x64xf32, #tpu.memory_space<vmem>> -> memref<80x64xf32, #tpu.memory_space<vmem>>
    %dma_start3A_63 = arith.constant 0 : i32
    %dma_start3A_64 = tpu.memref_slice %arg6[%dma_start3A_57, %dma_start3A_63] : memref<125x80xi32, #tpu.memory_space<vmem>> -> memref<1x80xi32, #tpu.memory_space<vmem>>
    %dma_start3A_65 = tpu.memref_squeeze %dma_start3A_64 : memref<1x80xi32, #tpu.memory_space<vmem>> -> memref<80xi32, #tpu.memory_space<vmem>>
    %dma_start3A_66 = arith.constant 0 : i32
    %dma_start3A_67 = arith.constant 0 : i32
    %dma_start3A_68 = tpu.memref_slice %arg2[%dma_start3A_66, %dma_start3A_67] : memref<10112x64xf32, #tpu.memory_space<hbm>> -> memref<10112x64xf32, #tpu.memory_space<hbm>>
    tpu.enqueue_indirect_dma source(%dma_start3A_68 : memref<10112x64xf32, #tpu.memory_space<hbm>>) target(%dma_start3A_62 : memref<80x64xf32, #tpu.memory_space<vmem>>) offsets(%dma_start3A_65 : memref<80xi32, #tpu.memory_space<vmem>>) semaphore(%arg14 : memref<!tpu.dma_semaphore, #tpu.memory_space<semaphore_mem>>)
    %barrier3A = arith.constant 0 : index
    tpu.barrier barrier_id(%barrier3A)
    %scan3A = arith.constant 0 : i32
    %scan3A_69 = arith.constant 0 : i32
    %scan3A_70 = arith.constant 25 : i32
    %scan3A_71 = arith.addi %scan3A_69, %scan3A_70 : i32
    %scan3A_72 = arith.constant 1 : i32
    scf.for %scan3A_138 = %scan3A_69 to %scan3A_71 step %scan3A_72  : i32 {
      %mul3A_139 = arith.constant 5 : i32
      %mul3A_140 = arith.muli %scan3A_138, %mul3A_139 : i32
      %add3A_141 = arith.constant 0 : i32
      %add3A_142 = arith.addi %mul3A_140, %add3A_141 : i32
      %dma_wait3A_143 = arith.constant 0 : i32
      %dma_wait3A_144 = arith.constant 0 : i32
      %dma_wait3A_145 = arith.constant 0 : i32
      %dma_wait3A_146 = tpu.memref_slice %arg8[%dma_wait3A_143, %dma_wait3A_144, %dma_wait3A_145] : memref<5x80x64xf32, #tpu.memory_space<vmem>> -> memref<1x80x64xf32, #tpu.memory_space<vmem>>
      %dma_wait3A_147 = tpu.memref_squeeze %dma_wait3A_146 : memref<1x80x64xf32, #tpu.memory_space<vmem>> -> memref<80x64xf32, #tpu.memory_space<vmem>>
      %dma_wait3A_148 = arith.constant 0 : i32
      %dma_wait3A_149 = tpu.memref_slice %arg6[%add3A_142, %dma_wait3A_148] : memref<125x80xi32, #tpu.memory_space<vmem>> -> memref<1x80xi32, #tpu.memory_space<vmem>>
      %dma_wait3A_150 = tpu.memref_squeeze %dma_wait3A_149 : memref<1x80xi32, #tpu.memory_space<vmem>> -> memref<80xi32, #tpu.memory_space<vmem>>
      %dma_wait3A_151 = arith.constant 0 : i32
      %dma_wait3A_152 = arith.constant 0 : i32
      %dma_wait3A_153 = tpu.memref_slice %arg2[%dma_wait3A_151, %dma_wait3A_152] : memref<10112x64xf32, #tpu.memory_space<hbm>> -> memref<10112x64xf32, #tpu.memory_space<hbm>>
      tpu.wait_indirect_dma semaphore(%arg10 : memref<!tpu.dma_semaphore, #tpu.memory_space<semaphore_mem>>) src(%dma_wait3A_153 : memref<10112x64xf32, #tpu.memory_space<hbm>>) dst(%dma_wait3A_147 : memref<80x64xf32, #tpu.memory_space<vmem>>)
      %dma_start3A_154 = arith.constant 0 : i32
      %dma_start3A_155 = arith.constant 0 : i32
      %dma_start3A_156 = arith.constant 0 : i32
      %dma_start3A_157 = tpu.memref_slice %arg8[%dma_start3A_154, %dma_start3A_155, %dma_start3A_156] : memref<5x80x64xf32, #tpu.memory_space<vmem>> -> memref<1x80x64xf32, #tpu.memory_space<vmem>>
      %dma_start3A_158 = tpu.memref_squeeze %dma_start3A_157 : memref<1x80x64xf32, #tpu.memory_space<vmem>> -> memref<80x64xf32, #tpu.memory_space<vmem>>
      %dma_start3A_159 = arith.constant 0 : i32
      %dma_start3A_160 = tpu.memref_slice %arg7[%add3A_142, %dma_start3A_159] : memref<125x80xi32, #tpu.memory_space<vmem>> -> memref<1x80xi32, #tpu.memory_space<vmem>>
      %dma_start3A_161 = tpu.memref_squeeze %dma_start3A_160 : memref<1x80xi32, #tpu.memory_space<vmem>> -> memref<80xi32, #tpu.memory_space<vmem>>
      %dma_start3A_162 = arith.constant 0 : i32
      %dma_start3A_163 = arith.constant 0 : i32
      %dma_start3A_164 = tpu.memref_slice %arg9[%dma_start3A_162, %dma_start3A_163] : memref<10112x64xf32, #tpu.memory_space<vmem_shared>> -> memref<10112x64xf32, #tpu.memory_space<vmem_shared>>
      tpu.enqueue_indirect_dma source(%dma_start3A_158 : memref<80x64xf32, #tpu.memory_space<vmem>>) target(%dma_start3A_164 : memref<10112x64xf32, #tpu.memory_space<vmem_shared>>) offsets(%dma_start3A_161 : memref<80xi32, #tpu.memory_space<vmem>>) semaphore(%arg15 : memref<!tpu.dma_semaphore, #tpu.memory_space<semaphore_mem>>) {add = true}
      %add3A_165 = arith.constant 1 : i32
      %add3A_166 = arith.addi %mul3A_140, %add3A_165 : i32
      %dma_wait3A_167 = arith.constant 1 : i32
      %dma_wait3A_168 = arith.constant 0 : i32
      %dma_wait3A_169 = arith.constant 0 : i32
      %dma_wait3A_170 = tpu.memref_slice %arg8[%dma_wait3A_167, %dma_wait3A_168, %dma_wait3A_169] : memref<5x80x64xf32, #tpu.memory_space<vmem>> -> memref<1x80x64xf32, #tpu.memory_space<vmem>>
      %dma_wait3A_171 = tpu.memref_squeeze %dma_wait3A_170 : memref<1x80x64xf32, #tpu.memory_space<vmem>> -> memref<80x64xf32, #tpu.memory_space<vmem>>
      %dma_wait3A_172 = arith.constant 0 : i32
      %dma_wait3A_173 = tpu.memref_slice %arg6[%add3A_166, %dma_wait3A_172] : memref<125x80xi32, #tpu.memory_space<vmem>> -> memref<1x80xi32, #tpu.memory_space<vmem>>
      %dma_wait3A_174 = tpu.memref_squeeze %dma_wait3A_173 : memref<1x80xi32, #tpu.memory_space<vmem>> -> memref<80xi32, #tpu.memory_space<vmem>>
      %dma_wait3A_175 = arith.constant 0 : i32
      %dma_wait3A_176 = arith.constant 0 : i32
      %dma_wait3A_177 = tpu.memref_slice %arg2[%dma_wait3A_175, %dma_wait3A_176] : memref<10112x64xf32, #tpu.memory_space<hbm>> -> memref<10112x64xf32, #tpu.memory_space<hbm>>
      tpu.wait_indirect_dma semaphore(%arg11 : memref<!tpu.dma_semaphore, #tpu.memory_space<semaphore_mem>>) src(%dma_wait3A_177 : memref<10112x64xf32, #tpu.memory_space<hbm>>) dst(%dma_wait3A_171 : memref<80x64xf32, #tpu.memory_space<vmem>>)
      %dma_start3A_178 = arith.constant 1 : i32
      %dma_start3A_179 = arith.constant 0 : i32
      %dma_start3A_180 = arith.constant 0 : i32
      %dma_start3A_181 = tpu.memref_slice %arg8[%dma_start3A_178, %dma_start3A_179, %dma_start3A_180] : memref<5x80x64xf32, #tpu.memory_space<vmem>> -> memref<1x80x64xf32, #tpu.memory_space<vmem>>
      %dma_start3A_182 = tpu.memref_squeeze %dma_start3A_181 : memref<1x80x64xf32, #tpu.memory_space<vmem>> -> memref<80x64xf32, #tpu.memory_space<vmem>>
      %dma_start3A_183 = arith.constant 0 : i32
      %dma_start3A_184 = tpu.memref_slice %arg7[%add3A_166, %dma_start3A_183] : memref<125x80xi32, #tpu.memory_space<vmem>> -> memref<1x80xi32, #tpu.memory_space<vmem>>
      %dma_start3A_185 = tpu.memref_squeeze %dma_start3A_184 : memref<1x80xi32, #tpu.memory_space<vmem>> -> memref<80xi32, #tpu.memory_space<vmem>>
      %dma_start3A_186 = arith.constant 0 : i32
      %dma_start3A_187 = arith.constant 0 : i32
      %dma_start3A_188 = tpu.memref_slice %arg9[%dma_start3A_186, %dma_start3A_187] : memref<10112x64xf32, #tpu.memory_space<vmem_shared>> -> memref<10112x64xf32, #tpu.memory_space<vmem_shared>>
      tpu.enqueue_indirect_dma source(%dma_start3A_182 : memref<80x64xf32, #tpu.memory_space<vmem>>) target(%dma_start3A_188 : memref<10112x64xf32, #tpu.memory_space<vmem_shared>>) offsets(%dma_start3A_185 : memref<80xi32, #tpu.memory_space<vmem>>) semaphore(%arg16 : memref<!tpu.dma_semaphore, #tpu.memory_space<semaphore_mem>>) {add = true}
      %add3A_189 = arith.constant 2 : i32
      %add3A_190 = arith.addi %mul3A_140, %add3A_189 : i32
      %dma_wait3A_191 = arith.constant 2 : i32
      %dma_wait3A_192 = arith.constant 0 : i32
      %dma_wait3A_193 = arith.constant 0 : i32
      %dma_wait3A_194 = tpu.memref_slice %arg8[%dma_wait3A_191, %dma_wait3A_192, %dma_wait3A_193] : memref<5x80x64xf32, #tpu.memory_space<vmem>> -> memref<1x80x64xf32, #tpu.memory_space<vmem>>
      %dma_wait3A_195 = tpu.memref_squeeze %dma_wait3A_194 : memref<1x80x64xf32, #tpu.memory_space<vmem>> -> memref<80x64xf32, #tpu.memory_space<vmem>>
      %dma_wait3A_196 = arith.constant 0 : i32
      %dma_wait3A_197 = tpu.memref_slice %arg6[%add3A_190, %dma_wait3A_196] : memref<125x80xi32, #tpu.memory_space<vmem>> -> memref<1x80xi32, #tpu.memory_space<vmem>>
      %dma_wait3A_198 = tpu.memref_squeeze %dma_wait3A_197 : memref<1x80xi32, #tpu.memory_space<vmem>> -> memref<80xi32, #tpu.memory_space<vmem>>
      %dma_wait3A_199 = arith.constant 0 : i32
      %dma_wait3A_200 = arith.constant 0 : i32
      %dma_wait3A_201 = tpu.memref_slice %arg2[%dma_wait3A_199, %dma_wait3A_200] : memref<10112x64xf32, #tpu.memory_space<hbm>> -> memref<10112x64xf32, #tpu.memory_space<hbm>>
      tpu.wait_indirect_dma semaphore(%arg12 : memref<!tpu.dma_semaphore, #tpu.memory_space<semaphore_mem>>) src(%dma_wait3A_201 : memref<10112x64xf32, #tpu.memory_space<hbm>>) dst(%dma_wait3A_195 : memref<80x64xf32, #tpu.memory_space<vmem>>)
      %dma_start3A_202 = arith.constant 2 : i32
      %dma_start3A_203 = arith.constant 0 : i32
      %dma_start3A_204 = arith.constant 0 : i32
      %dma_start3A_205 = tpu.memref_slice %arg8[%dma_start3A_202, %dma_start3A_203, %dma_start3A_204] : memref<5x80x64xf32, #tpu.memory_space<vmem>> -> memref<1x80x64xf32, #tpu.memory_space<vmem>>
      %dma_start3A_206 = tpu.memref_squeeze %dma_start3A_205 : memref<1x80x64xf32, #tpu.memory_space<vmem>> -> memref<80x64xf32, #tpu.memory_space<vmem>>
      %dma_start3A_207 = arith.constant 0 : i32
      %dma_start3A_208 = tpu.memref_slice %arg7[%add3A_190, %dma_start3A_207] : memref<125x80xi32, #tpu.memory_space<vmem>> -> memref<1x80xi32, #tpu.memory_space<vmem>>
      %dma_start3A_209 = tpu.memref_squeeze %dma_start3A_208 : memref<1x80xi32, #tpu.memory_space<vmem>> -> memref<80xi32, #tpu.memory_space<vmem>>
      %dma_start3A_210 = arith.constant 0 : i32
      %dma_start3A_211 = arith.constant 0 : i32
      %dma_start3A_212 = tpu.memref_slice %arg9[%dma_start3A_210, %dma_start3A_211] : memref<10112x64xf32, #tpu.memory_space<vmem_shared>> -> memref<10112x64xf32, #tpu.memory_space<vmem_shared>>
      tpu.enqueue_indirect_dma source(%dma_start3A_206 : memref<80x64xf32, #tpu.memory_space<vmem>>) target(%dma_start3A_212 : memref<10112x64xf32, #tpu.memory_space<vmem_shared>>) offsets(%dma_start3A_209 : memref<80xi32, #tpu.memory_space<vmem>>) semaphore(%arg17 : memref<!tpu.dma_semaphore, #tpu.memory_space<semaphore_mem>>) {add = true}
      %add3A_213 = arith.constant 3 : i32
      %add3A_214 = arith.addi %mul3A_140, %add3A_213 : i32
      %dma_wait3A_215 = arith.constant 3 : i32
      %dma_wait3A_216 = arith.constant 0 : i32
      %dma_wait3A_217 = arith.constant 0 : i32
      %dma_wait3A_218 = tpu.memref_slice %arg8[%dma_wait3A_215, %dma_wait3A_216, %dma_wait3A_217] : memref<5x80x64xf32, #tpu.memory_space<vmem>> -> memref<1x80x64xf32, #tpu.memory_space<vmem>>
      %dma_wait3A_219 = tpu.memref_squeeze %dma_wait3A_218 : memref<1x80x64xf32, #tpu.memory_space<vmem>> -> memref<80x64xf32, #tpu.memory_space<vmem>>
      %dma_wait3A_220 = arith.constant 0 : i32
      %dma_wait3A_221 = tpu.memref_slice %arg6[%add3A_214, %dma_wait3A_220] : memref<125x80xi32, #tpu.memory_space<vmem>> -> memref<1x80xi32, #tpu.memory_space<vmem>>
      %dma_wait3A_222 = tpu.memref_squeeze %dma_wait3A_221 : memref<1x80xi32, #tpu.memory_space<vmem>> -> memref<80xi32, #tpu.memory_space<vmem>>
      %dma_wait3A_223 = arith.constant 0 : i32
      %dma_wait3A_224 = arith.constant 0 : i32
      %dma_wait3A_225 = tpu.memref_slice %arg2[%dma_wait3A_223, %dma_wait3A_224] : memref<10112x64xf32, #tpu.memory_space<hbm>> -> memref<10112x64xf32, #tpu.memory_space<hbm>>
      tpu.wait_indirect_dma semaphore(%arg13 : memref<!tpu.dma_semaphore, #tpu.memory_space<semaphore_mem>>) src(%dma_wait3A_225 : memref<10112x64xf32, #tpu.memory_space<hbm>>) dst(%dma_wait3A_219 : memref<80x64xf32, #tpu.memory_space<vmem>>)
      %dma_start3A_226 = arith.constant 3 : i32
      %dma_start3A_227 = arith.constant 0 : i32
      %dma_start3A_228 = arith.constant 0 : i32
      %dma_start3A_229 = tpu.memref_slice %arg8[%dma_start3A_226, %dma_start3A_227, %dma_start3A_228] : memref<5x80x64xf32, #tpu.memory_space<vmem>> -> memref<1x80x64xf32, #tpu.memory_space<vmem>>
      %dma_start3A_230 = tpu.memref_squeeze %dma_start3A_229 : memref<1x80x64xf32, #tpu.memory_space<vmem>> -> memref<80x64xf32, #tpu.memory_space<vmem>>
      %dma_start3A_231 = arith.constant 0 : i32
      %dma_start3A_232 = tpu.memref_slice %arg7[%add3A_214, %dma_start3A_231] : memref<125x80xi32, #tpu.memory_space<vmem>> -> memref<1x80xi32, #tpu.memory_space<vmem>>
      %dma_start3A_233 = tpu.memref_squeeze %dma_start3A_232 : memref<1x80xi32, #tpu.memory_space<vmem>> -> memref<80xi32, #tpu.memory_space<vmem>>
      %dma_start3A_234 = arith.constant 0 : i32
      %dma_start3A_235 = arith.constant 0 : i32
      %dma_start3A_236 = tpu.memref_slice %arg9[%dma_start3A_234, %dma_start3A_235] : memref<10112x64xf32, #tpu.memory_space<vmem_shared>> -> memref<10112x64xf32, #tpu.memory_space<vmem_shared>>
      tpu.enqueue_indirect_dma source(%dma_start3A_230 : memref<80x64xf32, #tpu.memory_space<vmem>>) target(%dma_start3A_236 : memref<10112x64xf32, #tpu.memory_space<vmem_shared>>) offsets(%dma_start3A_233 : memref<80xi32, #tpu.memory_space<vmem>>) semaphore(%arg18 : memref<!tpu.dma_semaphore, #tpu.memory_space<semaphore_mem>>) {add = true}
      %add3A_237 = arith.constant 4 : i32
      %add3A_238 = arith.addi %mul3A_140, %add3A_237 : i32
      %dma_wait3A_239 = arith.constant 4 : i32
      %dma_wait3A_240 = arith.constant 0 : i32
      %dma_wait3A_241 = arith.constant 0 : i32
      %dma_wait3A_242 = tpu.memref_slice %arg8[%dma_wait3A_239, %dma_wait3A_240, %dma_wait3A_241] : memref<5x80x64xf32, #tpu.memory_space<vmem>> -> memref<1x80x64xf32, #tpu.memory_space<vmem>>
      %dma_wait3A_243 = tpu.memref_squeeze %dma_wait3A_242 : memref<1x80x64xf32, #tpu.memory_space<vmem>> -> memref<80x64xf32, #tpu.memory_space<vmem>>
      %dma_wait3A_244 = arith.constant 0 : i32
      %dma_wait3A_245 = tpu.memref_slice %arg6[%add3A_238, %dma_wait3A_244] : memref<125x80xi32, #tpu.memory_space<vmem>> -> memref<1x80xi32, #tpu.memory_space<vmem>>
      %dma_wait3A_246 = tpu.memref_squeeze %dma_wait3A_245 : memref<1x80xi32, #tpu.memory_space<vmem>> -> memref<80xi32, #tpu.memory_space<vmem>>
      %dma_wait3A_247 = arith.constant 0 : i32
      %dma_wait3A_248 = arith.constant 0 : i32
      %dma_wait3A_249 = tpu.memref_slice %arg2[%dma_wait3A_247, %dma_wait3A_248] : memref<10112x64xf32, #tpu.memory_space<hbm>> -> memref<10112x64xf32, #tpu.memory_space<hbm>>
      tpu.wait_indirect_dma semaphore(%arg14 : memref<!tpu.dma_semaphore, #tpu.memory_space<semaphore_mem>>) src(%dma_wait3A_249 : memref<10112x64xf32, #tpu.memory_space<hbm>>) dst(%dma_wait3A_243 : memref<80x64xf32, #tpu.memory_space<vmem>>)
      %dma_start3A_250 = arith.constant 4 : i32
      %dma_start3A_251 = arith.constant 0 : i32
      %dma_start3A_252 = arith.constant 0 : i32
      %dma_start3A_253 = tpu.memref_slice %arg8[%dma_start3A_250, %dma_start3A_251, %dma_start3A_252] : memref<5x80x64xf32, #tpu.memory_space<vmem>> -> memref<1x80x64xf32, #tpu.memory_space<vmem>>
      %dma_start3A_254 = tpu.memref_squeeze %dma_start3A_253 : memref<1x80x64xf32, #tpu.memory_space<vmem>> -> memref<80x64xf32, #tpu.memory_space<vmem>>
      %dma_start3A_255 = arith.constant 0 : i32
      %dma_start3A_256 = tpu.memref_slice %arg7[%add3A_238, %dma_start3A_255] : memref<125x80xi32, #tpu.memory_space<vmem>> -> memref<1x80xi32, #tpu.memory_space<vmem>>
      %dma_start3A_257 = tpu.memref_squeeze %dma_start3A_256 : memref<1x80xi32, #tpu.memory_space<vmem>> -> memref<80xi32, #tpu.memory_space<vmem>>
      %dma_start3A_258 = arith.constant 0 : i32
      %dma_start3A_259 = arith.constant 0 : i32
      %dma_start3A_260 = tpu.memref_slice %arg9[%dma_start3A_258, %dma_start3A_259] : memref<10112x64xf32, #tpu.memory_space<vmem_shared>> -> memref<10112x64xf32, #tpu.memory_space<vmem_shared>>
      tpu.enqueue_indirect_dma source(%dma_start3A_254 : memref<80x64xf32, #tpu.memory_space<vmem>>) target(%dma_start3A_260 : memref<10112x64xf32, #tpu.memory_space<vmem_shared>>) offsets(%dma_start3A_257 : memref<80xi32, #tpu.memory_space<vmem>>) semaphore(%arg19 : memref<!tpu.dma_semaphore, #tpu.memory_space<semaphore_mem>>) {add = true}
      %add3A_261 = arith.constant 0 : i32
      %add3A_262 = arith.addi %mul3A_140, %add3A_261 : i32
      %lt3A = arith.constant 24 : i32
      %lt3A_263 = arith.cmpi slt, %scan3A_138, %lt3A : i32
      %convert_element_type3A = arith.extui %lt3A_263 : i1 to i32
      %cond3A = arith.constant 0 : i32
      %cond3A_264 = arith.cmpi ne, %convert_element_type3A, %cond3A : i32
      scf.if %cond3A_264 {
        %dma_wait3A_293 = arith.constant 0 : i32
        %dma_wait3A_294 = arith.constant 0 : i32
        %dma_wait3A_295 = arith.constant 0 : i32
        %dma_wait3A_296 = tpu.memref_slice %arg8[%dma_wait3A_293, %dma_wait3A_294, %dma_wait3A_295] : memref<5x80x64xf32, #tpu.memory_space<vmem>> -> memref<1x80x64xf32, #tpu.memory_space<vmem>>
        %dma_wait3A_297 = tpu.memref_squeeze %dma_wait3A_296 : memref<1x80x64xf32, #tpu.memory_space<vmem>> -> memref<80x64xf32, #tpu.memory_space<vmem>>
        %dma_wait3A_298 = arith.constant 0 : i32
        %dma_wait3A_299 = tpu.memref_slice %arg7[%add3A_262, %dma_wait3A_298] : memref<125x80xi32, #tpu.memory_space<vmem>> -> memref<1x80xi32, #tpu.memory_space<vmem>>
        %dma_wait3A_300 = tpu.memref_squeeze %dma_wait3A_299 : memref<1x80xi32, #tpu.memory_space<vmem>> -> memref<80xi32, #tpu.memory_space<vmem>>
        %dma_wait3A_301 = arith.constant 0 : i32
        %dma_wait3A_302 = arith.constant 0 : i32
        %dma_wait3A_303 = tpu.memref_slice %arg9[%dma_wait3A_301, %dma_wait3A_302] : memref<10112x64xf32, #tpu.memory_space<vmem_shared>> -> memref<10112x64xf32, #tpu.memory_space<vmem_shared>>
        tpu.wait_indirect_dma semaphore(%arg15 : memref<!tpu.dma_semaphore, #tpu.memory_space<semaphore_mem>>) src(%dma_wait3A_297 : memref<80x64xf32, #tpu.memory_space<vmem>>) dst(%dma_wait3A_303 : memref<10112x64xf32, #tpu.memory_space<vmem_shared>>)
        %add3A_304 = arith.constant 5 : i32
        %add3A_305 = arith.addi %add3A_262, %add3A_304 : i32
        %dma_start3A_306 = arith.constant 0 : i32
        %dma_start3A_307 = arith.constant 0 : i32
        %dma_start3A_308 = arith.constant 0 : i32
        %dma_start3A_309 = tpu.memref_slice %arg8[%dma_start3A_306, %dma_start3A_307, %dma_start3A_308] : memref<5x80x64xf32, #tpu.memory_space<vmem>> -> memref<1x80x64xf32, #tpu.memory_space<vmem>>
        %dma_start3A_310 = tpu.memref_squeeze %dma_start3A_309 : memref<1x80x64xf32, #tpu.memory_space<vmem>> -> memref<80x64xf32, #tpu.memory_space<vmem>>
        %dma_start3A_311 = arith.constant 0 : i32
        %dma_start3A_312 = tpu.memref_slice %arg6[%add3A_305, %dma_start3A_311] : memref<125x80xi32, #tpu.memory_space<vmem>> -> memref<1x80xi32, #tpu.memory_space<vmem>>
        %dma_start3A_313 = tpu.memref_squeeze %dma_start3A_312 : memref<1x80xi32, #tpu.memory_space<vmem>> -> memref<80xi32, #tpu.memory_space<vmem>>
        %dma_start3A_314 = arith.constant 0 : i32
        %dma_start3A_315 = arith.constant 0 : i32
        %dma_start3A_316 = tpu.memref_slice %arg2[%dma_start3A_314, %dma_start3A_315] : memref<10112x64xf32, #tpu.memory_space<hbm>> -> memref<10112x64xf32, #tpu.memory_space<hbm>>
        tpu.enqueue_indirect_dma source(%dma_start3A_316 : memref<10112x64xf32, #tpu.memory_space<hbm>>) target(%dma_start3A_310 : memref<80x64xf32, #tpu.memory_space<vmem>>) offsets(%dma_start3A_313 : memref<80xi32, #tpu.memory_space<vmem>>) semaphore(%arg10 : memref<!tpu.dma_semaphore, #tpu.memory_space<semaphore_mem>>)
      } else {
      }
      %add3A_265 = arith.constant 1 : i32
      %add3A_266 = arith.addi %mul3A_140, %add3A_265 : i32
      %lt3A_267 = arith.constant 24 : i32
      %lt3A_268 = arith.cmpi slt, %scan3A_138, %lt3A_267 : i32
      %convert_element_type3A_269 = arith.extui %lt3A_268 : i1 to i32
      %cond3A_270 = arith.constant 0 : i32
      %cond3A_271 = arith.cmpi ne, %convert_element_type3A_269, %cond3A_270 : i32
      scf.if %cond3A_271 {
        %dma_wait3A_293 = arith.constant 1 : i32
        %dma_wait3A_294 = arith.constant 0 : i32
        %dma_wait3A_295 = arith.constant 0 : i32
        %dma_wait3A_296 = tpu.memref_slice %arg8[%dma_wait3A_293, %dma_wait3A_294, %dma_wait3A_295] : memref<5x80x64xf32, #tpu.memory_space<vmem>> -> memref<1x80x64xf32, #tpu.memory_space<vmem>>
        %dma_wait3A_297 = tpu.memref_squeeze %dma_wait3A_296 : memref<1x80x64xf32, #tpu.memory_space<vmem>> -> memref<80x64xf32, #tpu.memory_space<vmem>>
        %dma_wait3A_298 = arith.constant 0 : i32
        %dma_wait3A_299 = tpu.memref_slice %arg7[%add3A_266, %dma_wait3A_298] : memref<125x80xi32, #tpu.memory_space<vmem>> -> memref<1x80xi32, #tpu.memory_space<vmem>>
        %dma_wait3A_300 = tpu.memref_squeeze %dma_wait3A_299 : memref<1x80xi32, #tpu.memory_space<vmem>> -> memref<80xi32, #tpu.memory_space<vmem>>
        %dma_wait3A_301 = arith.constant 0 : i32
        %dma_wait3A_302 = arith.constant 0 : i32
        %dma_wait3A_303 = tpu.memref_slice %arg9[%dma_wait3A_301, %dma_wait3A_302] : memref<10112x64xf32, #tpu.memory_space<vmem_shared>> -> memref<10112x64xf32, #tpu.memory_space<vmem_shared>>
        tpu.wait_indirect_dma semaphore(%arg16 : memref<!tpu.dma_semaphore, #tpu.memory_space<semaphore_mem>>) src(%dma_wait3A_297 : memref<80x64xf32, #tpu.memory_space<vmem>>) dst(%dma_wait3A_303 : memref<10112x64xf32, #tpu.memory_space<vmem_shared>>)
        %add3A_304 = arith.constant 5 : i32
        %add3A_305 = arith.addi %add3A_266, %add3A_304 : i32
        %dma_start3A_306 = arith.constant 1 : i32
        %dma_start3A_307 = arith.constant 0 : i32
        %dma_start3A_308 = arith.constant 0 : i32
        %dma_start3A_309 = tpu.memref_slice %arg8[%dma_start3A_306, %dma_start3A_307, %dma_start3A_308] : memref<5x80x64xf32, #tpu.memory_space<vmem>> -> memref<1x80x64xf32, #tpu.memory_space<vmem>>
        %dma_start3A_310 = tpu.memref_squeeze %dma_start3A_309 : memref<1x80x64xf32, #tpu.memory_space<vmem>> -> memref<80x64xf32, #tpu.memory_space<vmem>>
        %dma_start3A_311 = arith.constant 0 : i32
        %dma_start3A_312 = tpu.memref_slice %arg6[%add3A_305, %dma_start3A_311] : memref<125x80xi32, #tpu.memory_space<vmem>> -> memref<1x80xi32, #tpu.memory_space<vmem>>
        %dma_start3A_313 = tpu.memref_squeeze %dma_start3A_312 : memref<1x80xi32, #tpu.memory_space<vmem>> -> memref<80xi32, #tpu.memory_space<vmem>>
        %dma_start3A_314 = arith.constant 0 : i32
        %dma_start3A_315 = arith.constant 0 : i32
        %dma_start3A_316 = tpu.memref_slice %arg2[%dma_start3A_314, %dma_start3A_315] : memref<10112x64xf32, #tpu.memory_space<hbm>> -> memref<10112x64xf32, #tpu.memory_space<hbm>>
        tpu.enqueue_indirect_dma source(%dma_start3A_316 : memref<10112x64xf32, #tpu.memory_space<hbm>>) target(%dma_start3A_310 : memref<80x64xf32, #tpu.memory_space<vmem>>) offsets(%dma_start3A_313 : memref<80xi32, #tpu.memory_space<vmem>>) semaphore(%arg11 : memref<!tpu.dma_semaphore, #tpu.memory_space<semaphore_mem>>)
      } else {
      }
      %add3A_272 = arith.constant 2 : i32
      %add3A_273 = arith.addi %mul3A_140, %add3A_272 : i32
      %lt3A_274 = arith.constant 24 : i32
      %lt3A_275 = arith.cmpi slt, %scan3A_138, %lt3A_274 : i32
      %convert_element_type3A_276 = arith.extui %lt3A_275 : i1 to i32
      %cond3A_277 = arith.constant 0 : i32
      %cond3A_278 = arith.cmpi ne, %convert_element_type3A_276, %cond3A_277 : i32
      scf.if %cond3A_278 {
        %dma_wait3A_293 = arith.constant 2 : i32
        %dma_wait3A_294 = arith.constant 0 : i32
        %dma_wait3A_295 = arith.constant 0 : i32
        %dma_wait3A_296 = tpu.memref_slice %arg8[%dma_wait3A_293, %dma_wait3A_294, %dma_wait3A_295] : memref<5x80x64xf32, #tpu.memory_space<vmem>> -> memref<1x80x64xf32, #tpu.memory_space<vmem>>
        %dma_wait3A_297 = tpu.memref_squeeze %dma_wait3A_296 : memref<1x80x64xf32, #tpu.memory_space<vmem>> -> memref<80x64xf32, #tpu.memory_space<vmem>>
        %dma_wait3A_298 = arith.constant 0 : i32
        %dma_wait3A_299 = tpu.memref_slice %arg7[%add3A_273, %dma_wait3A_298] : memref<125x80xi32, #tpu.memory_space<vmem>> -> memref<1x80xi32, #tpu.memory_space<vmem>>
        %dma_wait3A_300 = tpu.memref_squeeze %dma_wait3A_299 : memref<1x80xi32, #tpu.memory_space<vmem>> -> memref<80xi32, #tpu.memory_space<vmem>>
        %dma_wait3A_301 = arith.constant 0 : i32
        %dma_wait3A_302 = arith.constant 0 : i32
        %dma_wait3A_303 = tpu.memref_slice %arg9[%dma_wait3A_301, %dma_wait3A_302] : memref<10112x64xf32, #tpu.memory_space<vmem_shared>> -> memref<10112x64xf32, #tpu.memory_space<vmem_shared>>
        tpu.wait_indirect_dma semaphore(%arg17 : memref<!tpu.dma_semaphore, #tpu.memory_space<semaphore_mem>>) src(%dma_wait3A_297 : memref<80x64xf32, #tpu.memory_space<vmem>>) dst(%dma_wait3A_303 : memref<10112x64xf32, #tpu.memory_space<vmem_shared>>)
        %add3A_304 = arith.constant 5 : i32
        %add3A_305 = arith.addi %add3A_273, %add3A_304 : i32
        %dma_start3A_306 = arith.constant 2 : i32
        %dma_start3A_307 = arith.constant 0 : i32
        %dma_start3A_308 = arith.constant 0 : i32
        %dma_start3A_309 = tpu.memref_slice %arg8[%dma_start3A_306, %dma_start3A_307, %dma_start3A_308] : memref<5x80x64xf32, #tpu.memory_space<vmem>> -> memref<1x80x64xf32, #tpu.memory_space<vmem>>
        %dma_start3A_310 = tpu.memref_squeeze %dma_start3A_309 : memref<1x80x64xf32, #tpu.memory_space<vmem>> -> memref<80x64xf32, #tpu.memory_space<vmem>>
        %dma_start3A_311 = arith.constant 0 : i32
        %dma_start3A_312 = tpu.memref_slice %arg6[%add3A_305, %dma_start3A_311] : memref<125x80xi32, #tpu.memory_space<vmem>> -> memref<1x80xi32, #tpu.memory_space<vmem>>
        %dma_start3A_313 = tpu.memref_squeeze %dma_start3A_312 : memref<1x80xi32, #tpu.memory_space<vmem>> -> memref<80xi32, #tpu.memory_space<vmem>>
        %dma_start3A_314 = arith.constant 0 : i32
        %dma_start3A_315 = arith.constant 0 : i32
        %dma_start3A_316 = tpu.memref_slice %arg2[%dma_start3A_314, %dma_start3A_315] : memref<10112x64xf32, #tpu.memory_space<hbm>> -> memref<10112x64xf32, #tpu.memory_space<hbm>>
        tpu.enqueue_indirect_dma source(%dma_start3A_316 : memref<10112x64xf32, #tpu.memory_space<hbm>>) target(%dma_start3A_310 : memref<80x64xf32, #tpu.memory_space<vmem>>) offsets(%dma_start3A_313 : memref<80xi32, #tpu.memory_space<vmem>>) semaphore(%arg12 : memref<!tpu.dma_semaphore, #tpu.memory_space<semaphore_mem>>)
      } else {
      }
      %add3A_279 = arith.constant 3 : i32
      %add3A_280 = arith.addi %mul3A_140, %add3A_279 : i32
      %lt3A_281 = arith.constant 24 : i32
      %lt3A_282 = arith.cmpi slt, %scan3A_138, %lt3A_281 : i32
      %convert_element_type3A_283 = arith.extui %lt3A_282 : i1 to i32
      %cond3A_284 = arith.constant 0 : i32
      %cond3A_285 = arith.cmpi ne, %convert_element_type3A_283, %cond3A_284 : i32
      scf.if %cond3A_285 {
        %dma_wait3A_293 = arith.constant 3 : i32
        %dma_wait3A_294 = arith.constant 0 : i32
        %dma_wait3A_295 = arith.constant 0 : i32
        %dma_wait3A_296 = tpu.memref_slice %arg8[%dma_wait3A_293, %dma_wait3A_294, %dma_wait3A_295] : memref<5x80x64xf32, #tpu.memory_space<vmem>> -> memref<1x80x64xf32, #tpu.memory_space<vmem>>
        %dma_wait3A_297 = tpu.memref_squeeze %dma_wait3A_296 : memref<1x80x64xf32, #tpu.memory_space<vmem>> -> memref<80x64xf32, #tpu.memory_space<vmem>>
        %dma_wait3A_298 = arith.constant 0 : i32
        %dma_wait3A_299 = tpu.memref_slice %arg7[%add3A_280, %dma_wait3A_298] : memref<125x80xi32, #tpu.memory_space<vmem>> -> memref<1x80xi32, #tpu.memory_space<vmem>>
        %dma_wait3A_300 = tpu.memref_squeeze %dma_wait3A_299 : memref<1x80xi32, #tpu.memory_space<vmem>> -> memref<80xi32, #tpu.memory_space<vmem>>
        %dma_wait3A_301 = arith.constant 0 : i32
        %dma_wait3A_302 = arith.constant 0 : i32
        %dma_wait3A_303 = tpu.memref_slice %arg9[%dma_wait3A_301, %dma_wait3A_302] : memref<10112x64xf32, #tpu.memory_space<vmem_shared>> -> memref<10112x64xf32, #tpu.memory_space<vmem_shared>>
        tpu.wait_indirect_dma semaphore(%arg18 : memref<!tpu.dma_semaphore, #tpu.memory_space<semaphore_mem>>) src(%dma_wait3A_297 : memref<80x64xf32, #tpu.memory_space<vmem>>) dst(%dma_wait3A_303 : memref<10112x64xf32, #tpu.memory_space<vmem_shared>>)
        %add3A_304 = arith.constant 5 : i32
        %add3A_305 = arith.addi %add3A_280, %add3A_304 : i32
        %dma_start3A_306 = arith.constant 3 : i32
        %dma_start3A_307 = arith.constant 0 : i32
        %dma_start3A_308 = arith.constant 0 : i32
        %dma_start3A_309 = tpu.memref_slice %arg8[%dma_start3A_306, %dma_start3A_307, %dma_start3A_308] : memref<5x80x64xf32, #tpu.memory_space<vmem>> -> memref<1x80x64xf32, #tpu.memory_space<vmem>>
        %dma_start3A_310 = tpu.memref_squeeze %dma_start3A_309 : memref<1x80x64xf32, #tpu.memory_space<vmem>> -> memref<80x64xf32, #tpu.memory_space<vmem>>
        %dma_start3A_311 = arith.constant 0 : i32
        %dma_start3A_312 = tpu.memref_slice %arg6[%add3A_305, %dma_start3A_311] : memref<125x80xi32, #tpu.memory_space<vmem>> -> memref<1x80xi32, #tpu.memory_space<vmem>>
        %dma_start3A_313 = tpu.memref_squeeze %dma_start3A_312 : memref<1x80xi32, #tpu.memory_space<vmem>> -> memref<80xi32, #tpu.memory_space<vmem>>
        %dma_start3A_314 = arith.constant 0 : i32
        %dma_start3A_315 = arith.constant 0 : i32
        %dma_start3A_316 = tpu.memref_slice %arg2[%dma_start3A_314, %dma_start3A_315] : memref<10112x64xf32, #tpu.memory_space<hbm>> -> memref<10112x64xf32, #tpu.memory_space<hbm>>
        tpu.enqueue_indirect_dma source(%dma_start3A_316 : memref<10112x64xf32, #tpu.memory_space<hbm>>) target(%dma_start3A_310 : memref<80x64xf32, #tpu.memory_space<vmem>>) offsets(%dma_start3A_313 : memref<80xi32, #tpu.memory_space<vmem>>) semaphore(%arg13 : memref<!tpu.dma_semaphore, #tpu.memory_space<semaphore_mem>>)
      } else {
      }
      %add3A_286 = arith.constant 4 : i32
      %add3A_287 = arith.addi %mul3A_140, %add3A_286 : i32
      %lt3A_288 = arith.constant 24 : i32
      %lt3A_289 = arith.cmpi slt, %scan3A_138, %lt3A_288 : i32
      %convert_element_type3A_290 = arith.extui %lt3A_289 : i1 to i32
      %cond3A_291 = arith.constant 0 : i32
      %cond3A_292 = arith.cmpi ne, %convert_element_type3A_290, %cond3A_291 : i32
      scf.if %cond3A_292 {
        %dma_wait3A_293 = arith.constant 4 : i32
        %dma_wait3A_294 = arith.constant 0 : i32
        %dma_wait3A_295 = arith.constant 0 : i32
        %dma_wait3A_296 = tpu.memref_slice %arg8[%dma_wait3A_293, %dma_wait3A_294, %dma_wait3A_295] : memref<5x80x64xf32, #tpu.memory_space<vmem>> -> memref<1x80x64xf32, #tpu.memory_space<vmem>>
        %dma_wait3A_297 = tpu.memref_squeeze %dma_wait3A_296 : memref<1x80x64xf32, #tpu.memory_space<vmem>> -> memref<80x64xf32, #tpu.memory_space<vmem>>
        %dma_wait3A_298 = arith.constant 0 : i32
        %dma_wait3A_299 = tpu.memref_slice %arg7[%add3A_287, %dma_wait3A_298] : memref<125x80xi32, #tpu.memory_space<vmem>> -> memref<1x80xi32, #tpu.memory_space<vmem>>
        %dma_wait3A_300 = tpu.memref_squeeze %dma_wait3A_299 : memref<1x80xi32, #tpu.memory_space<vmem>> -> memref<80xi32, #tpu.memory_space<vmem>>
        %dma_wait3A_301 = arith.constant 0 : i32
        %dma_wait3A_302 = arith.constant 0 : i32
        %dma_wait3A_303 = tpu.memref_slice %arg9[%dma_wait3A_301, %dma_wait3A_302] : memref<10112x64xf32, #tpu.memory_space<vmem_shared>> -> memref<10112x64xf32, #tpu.memory_space<vmem_shared>>
        tpu.wait_indirect_dma semaphore(%arg19 : memref<!tpu.dma_semaphore, #tpu.memory_space<semaphore_mem>>) src(%dma_wait3A_297 : memref<80x64xf32, #tpu.memory_space<vmem>>) dst(%dma_wait3A_303 : memref<10112x64xf32, #tpu.memory_space<vmem_shared>>)
        %add3A_304 = arith.constant 5 : i32
        %add3A_305 = arith.addi %add3A_287, %add3A_304 : i32
        %dma_start3A_306 = arith.constant 4 : i32
        %dma_start3A_307 = arith.constant 0 : i32
        %dma_start3A_308 = arith.constant 0 : i32
        %dma_start3A_309 = tpu.memref_slice %arg8[%dma_start3A_306, %dma_start3A_307, %dma_start3A_308] : memref<5x80x64xf32, #tpu.memory_space<vmem>> -> memref<1x80x64xf32, #tpu.memory_space<vmem>>
        %dma_start3A_310 = tpu.memref_squeeze %dma_start3A_309 : memref<1x80x64xf32, #tpu.memory_space<vmem>> -> memref<80x64xf32, #tpu.memory_space<vmem>>
        %dma_start3A_311 = arith.constant 0 : i32
        %dma_start3A_312 = tpu.memref_slice %arg6[%add3A_305, %dma_start3A_311] : memref<125x80xi32, #tpu.memory_space<vmem>> -> memref<1x80xi32, #tpu.memory_space<vmem>>
        %dma_start3A_313 = tpu.memref_squeeze %dma_start3A_312 : memref<1x80xi32, #tpu.memory_space<vmem>> -> memref<80xi32, #tpu.memory_space<vmem>>
        %dma_start3A_314 = arith.constant 0 : i32
        %dma_start3A_315 = arith.constant 0 : i32
        %dma_start3A_316 = tpu.memref_slice %arg2[%dma_start3A_314, %dma_start3A_315] : memref<10112x64xf32, #tpu.memory_space<hbm>> -> memref<10112x64xf32, #tpu.memory_space<hbm>>
        tpu.enqueue_indirect_dma source(%dma_start3A_316 : memref<10112x64xf32, #tpu.memory_space<hbm>>) target(%dma_start3A_310 : memref<80x64xf32, #tpu.memory_space<vmem>>) offsets(%dma_start3A_313 : memref<80xi32, #tpu.memory_space<vmem>>) semaphore(%arg14 : memref<!tpu.dma_semaphore, #tpu.memory_space<semaphore_mem>>)
      } else {
      }
    }
    %scan3A_73 = arith.constant 25 : i32
    %dma_wait3A = arith.constant 0 : i32
    %dma_wait3A_74 = arith.constant 120 : i32
    %dma_wait3A_75 = arith.constant 0 : i32
    %dma_wait3A_76 = arith.constant 0 : i32
    %dma_wait3A_77 = tpu.memref_slice %arg8[%dma_wait3A, %dma_wait3A_75, %dma_wait3A_76] : memref<5x80x64xf32, #tpu.memory_space<vmem>> -> memref<1x80x64xf32, #tpu.memory_space<vmem>>
    %dma_wait3A_78 = tpu.memref_squeeze %dma_wait3A_77 : memref<1x80x64xf32, #tpu.memory_space<vmem>> -> memref<80x64xf32, #tpu.memory_space<vmem>>
    %dma_wait3A_79 = arith.constant 0 : i32
    %dma_wait3A_80 = tpu.memref_slice %arg7[%dma_wait3A_74, %dma_wait3A_79] : memref<125x80xi32, #tpu.memory_space<vmem>> -> memref<1x80xi32, #tpu.memory_space<vmem>>
    %dma_wait3A_81 = tpu.memref_squeeze %dma_wait3A_80 : memref<1x80xi32, #tpu.memory_space<vmem>> -> memref<80xi32, #tpu.memory_space<vmem>>
    %dma_wait3A_82 = arith.constant 0 : i32
    %dma_wait3A_83 = arith.constant 0 : i32
    %dma_wait3A_84 = tpu.memref_slice %arg9[%dma_wait3A_82, %dma_wait3A_83] : memref<10112x64xf32, #tpu.memory_space<vmem_shared>> -> memref<10112x64xf32, #tpu.memory_space<vmem_shared>>
    tpu.wait_indirect_dma semaphore(%arg15 : memref<!tpu.dma_semaphore, #tpu.memory_space<semaphore_mem>>) src(%dma_wait3A_78 : memref<80x64xf32, #tpu.memory_space<vmem>>) dst(%dma_wait3A_84 : memref<10112x64xf32, #tpu.memory_space<vmem_shared>>)
    %dma_wait3A_85 = arith.constant 1 : i32
    %dma_wait3A_86 = arith.constant 121 : i32
    %dma_wait3A_87 = arith.constant 0 : i32
    %dma_wait3A_88 = arith.constant 0 : i32
    %dma_wait3A_89 = tpu.memref_slice %arg8[%dma_wait3A_85, %dma_wait3A_87, %dma_wait3A_88] : memref<5x80x64xf32, #tpu.memory_space<vmem>> -> memref<1x80x64xf32, #tpu.memory_space<vmem>>
    %dma_wait3A_90 = tpu.memref_squeeze %dma_wait3A_89 : memref<1x80x64xf32, #tpu.memory_space<vmem>> -> memref<80x64xf32, #tpu.memory_space<vmem>>
    %dma_wait3A_91 = arith.constant 0 : i32
    %dma_wait3A_92 = tpu.memref_slice %arg7[%dma_wait3A_86, %dma_wait3A_91] : memref<125x80xi32, #tpu.memory_space<vmem>> -> memref<1x80xi32, #tpu.memory_space<vmem>>
    %dma_wait3A_93 = tpu.memref_squeeze %dma_wait3A_92 : memref<1x80xi32, #tpu.memory_space<vmem>> -> memref<80xi32, #tpu.memory_space<vmem>>
    %dma_wait3A_94 = arith.constant 0 : i32
    %dma_wait3A_95 = arith.constant 0 : i32
    %dma_wait3A_96 = tpu.memref_slice %arg9[%dma_wait3A_94, %dma_wait3A_95] : memref<10112x64xf32, #tpu.memory_space<vmem_shared>> -> memref<10112x64xf32, #tpu.memory_space<vmem_shared>>
    tpu.wait_indirect_dma semaphore(%arg16 : memref<!tpu.dma_semaphore, #tpu.memory_space<semaphore_mem>>) src(%dma_wait3A_90 : memref<80x64xf32, #tpu.memory_space<vmem>>) dst(%dma_wait3A_96 : memref<10112x64xf32, #tpu.memory_space<vmem_shared>>)
    %dma_wait3A_97 = arith.constant 2 : i32
    %dma_wait3A_98 = arith.constant 122 : i32
    %dma_wait3A_99 = arith.constant 0 : i32
    %dma_wait3A_100 = arith.constant 0 : i32
    %dma_wait3A_101 = tpu.memref_slice %arg8[%dma_wait3A_97, %dma_wait3A_99, %dma_wait3A_100] : memref<5x80x64xf32, #tpu.memory_space<vmem>> -> memref<1x80x64xf32, #tpu.memory_space<vmem>>
    %dma_wait3A_102 = tpu.memref_squeeze %dma_wait3A_101 : memref<1x80x64xf32, #tpu.memory_space<vmem>> -> memref<80x64xf32, #tpu.memory_space<vmem>>
    %dma_wait3A_103 = arith.constant 0 : i32
    %dma_wait3A_104 = tpu.memref_slice %arg7[%dma_wait3A_98, %dma_wait3A_103] : memref<125x80xi32, #tpu.memory_space<vmem>> -> memref<1x80xi32, #tpu.memory_space<vmem>>
    %dma_wait3A_105 = tpu.memref_squeeze %dma_wait3A_104 : memref<1x80xi32, #tpu.memory_space<vmem>> -> memref<80xi32, #tpu.memory_space<vmem>>
    %dma_wait3A_106 = arith.constant 0 : i32
    %dma_wait3A_107 = arith.constant 0 : i32
    %dma_wait3A_108 = tpu.memref_slice %arg9[%dma_wait3A_106, %dma_wait3A_107] : memref<10112x64xf32, #tpu.memory_space<vmem_shared>> -> memref<10112x64xf32, #tpu.memory_space<vmem_shared>>
    tpu.wait_indirect_dma semaphore(%arg17 : memref<!tpu.dma_semaphore, #tpu.memory_space<semaphore_mem>>) src(%dma_wait3A_102 : memref<80x64xf32, #tpu.memory_space<vmem>>) dst(%dma_wait3A_108 : memref<10112x64xf32, #tpu.memory_space<vmem_shared>>)
    %dma_wait3A_109 = arith.constant 3 : i32
    %dma_wait3A_110 = arith.constant 123 : i32
    %dma_wait3A_111 = arith.constant 0 : i32
    %dma_wait3A_112 = arith.constant 0 : i32
    %dma_wait3A_113 = tpu.memref_slice %arg8[%dma_wait3A_109, %dma_wait3A_111, %dma_wait3A_112] : memref<5x80x64xf32, #tpu.memory_space<vmem>> -> memref<1x80x64xf32, #tpu.memory_space<vmem>>
    %dma_wait3A_114 = tpu.memref_squeeze %dma_wait3A_113 : memref<1x80x64xf32, #tpu.memory_space<vmem>> -> memref<80x64xf32, #tpu.memory_space<vmem>>
    %dma_wait3A_115 = arith.constant 0 : i32
    %dma_wait3A_116 = tpu.memref_slice %arg7[%dma_wait3A_110, %dma_wait3A_115] : memref<125x80xi32, #tpu.memory_space<vmem>> -> memref<1x80xi32, #tpu.memory_space<vmem>>
    %dma_wait3A_117 = tpu.memref_squeeze %dma_wait3A_116 : memref<1x80xi32, #tpu.memory_space<vmem>> -> memref<80xi32, #tpu.memory_space<vmem>>
    %dma_wait3A_118 = arith.constant 0 : i32
    %dma_wait3A_119 = arith.constant 0 : i32
    %dma_wait3A_120 = tpu.memref_slice %arg9[%dma_wait3A_118, %dma_wait3A_119] : memref<10112x64xf32, #tpu.memory_space<vmem_shared>> -> memref<10112x64xf32, #tpu.memory_space<vmem_shared>>
    tpu.wait_indirect_dma semaphore(%arg18 : memref<!tpu.dma_semaphore, #tpu.memory_space<semaphore_mem>>) src(%dma_wait3A_114 : memref<80x64xf32, #tpu.memory_space<vmem>>) dst(%dma_wait3A_120 : memref<10112x64xf32, #tpu.memory_space<vmem_shared>>)
    %dma_wait3A_121 = arith.constant 4 : i32
    %dma_wait3A_122 = arith.constant 124 : i32
    %dma_wait3A_123 = arith.constant 0 : i32
    %dma_wait3A_124 = arith.constant 0 : i32
    %dma_wait3A_125 = tpu.memref_slice %arg8[%dma_wait3A_121, %dma_wait3A_123, %dma_wait3A_124] : memref<5x80x64xf32, #tpu.memory_space<vmem>> -> memref<1x80x64xf32, #tpu.memory_space<vmem>>
    %dma_wait3A_126 = tpu.memref_squeeze %dma_wait3A_125 : memref<1x80x64xf32, #tpu.memory_space<vmem>> -> memref<80x64xf32, #tpu.memory_space<vmem>>
    %dma_wait3A_127 = arith.constant 0 : i32
    %dma_wait3A_128 = tpu.memref_slice %arg7[%dma_wait3A_122, %dma_wait3A_127] : memref<125x80xi32, #tpu.memory_space<vmem>> -> memref<1x80xi32, #tpu.memory_space<vmem>>
    %dma_wait3A_129 = tpu.memref_squeeze %dma_wait3A_128 : memref<1x80xi32, #tpu.memory_space<vmem>> -> memref<80xi32, #tpu.memory_space<vmem>>
    %dma_wait3A_130 = arith.constant 0 : i32
    %dma_wait3A_131 = arith.constant 0 : i32
    %dma_wait3A_132 = tpu.memref_slice %arg9[%dma_wait3A_130, %dma_wait3A_131] : memref<10112x64xf32, #tpu.memory_space<vmem_shared>> -> memref<10112x64xf32, #tpu.memory_space<vmem_shared>>
    tpu.wait_indirect_dma semaphore(%arg19 : memref<!tpu.dma_semaphore, #tpu.memory_space<semaphore_mem>>) src(%dma_wait3A_126 : memref<80x64xf32, #tpu.memory_space<vmem>>) dst(%dma_wait3A_132 : memref<10112x64xf32, #tpu.memory_space<vmem_shared>>)
    %barrier3A_133 = arith.constant 0 : index
    tpu.barrier barrier_id(%barrier3A_133)
    %mul3A_134 = arith.constant 632 : i32
    %mul3A_135 = arith.muli %arg1, %mul3A_134 : i32
    %mul3A_136 = arith.constant 632 : i32
    %mul3A_137 = arith.muli %arg1, %mul3A_136 : i32
    "tpu.region"() ({
      %run_scoped3A_138 = tpu.sem_alloc : memref<!tpu.dma_semaphore, #tpu.memory_space<semaphore_mem>>
      %dma_start3A_139 = arith.constant 0 : i32
      %dma_start3A_140 = tpu.memref_slice %arg5[%arg0, %mul3A_137, %dma_start3A_139] : memref<2x10112x64xf32, #tpu.memory_space<hbm>> -> memref<1x632x64xf32, #tpu.memory_space<hbm>>
      %dma_start3A_141 = tpu.memref_squeeze %dma_start3A_140 : memref<1x632x64xf32, #tpu.memory_space<hbm>> -> memref<632x64xf32, #tpu.memory_space<hbm>>
      %dma_start3A_142 = arith.constant 0 : i32
      %dma_start3A_143 = tpu.memref_slice %arg9[%mul3A_135, %dma_start3A_142] : memref<10112x64xf32, #tpu.memory_space<vmem_shared>> -> memref<632x64xf32, #tpu.memory_space<vmem_shared>>
      tpu.enqueue_dma source(%dma_start3A_143 : memref<632x64xf32, #tpu.memory_space<vmem_shared>>) target(%dma_start3A_141 : memref<632x64xf32, #tpu.memory_space<hbm>>) target_semaphore(%run_scoped3A_138 : memref<!tpu.dma_semaphore, #tpu.memory_space<semaphore_mem>>)
      %dma_wait3A_144 = arith.constant 0 : i32
      %dma_wait3A_145 = tpu.memref_slice %arg5[%arg0, %mul3A_137, %dma_wait3A_144] : memref<2x10112x64xf32, #tpu.memory_space<hbm>> -> memref<1x632x64xf32, #tpu.memory_space<hbm>>
      %dma_wait3A_146 = tpu.memref_squeeze %dma_wait3A_145 : memref<1x632x64xf32, #tpu.memory_space<hbm>> -> memref<632x64xf32, #tpu.memory_space<hbm>>
      %dma_wait3A_147 = arith.constant 0 : i32
      %dma_wait3A_148 = tpu.memref_slice %arg9[%mul3A_135, %dma_wait3A_147] : memref<10112x64xf32, #tpu.memory_space<vmem_shared>> -> memref<632x64xf32, #tpu.memory_space<vmem_shared>>
      tpu.wait_dma2 semaphore(%run_scoped3A_138 : memref<!tpu.dma_semaphore, #tpu.memory_space<semaphore_mem>>) src(%dma_wait3A_148 : memref<632x64xf32, #tpu.memory_space<vmem_shared>>) dst(%dma_wait3A_146 : memref<632x64xf32, #tpu.memory_space<hbm>>)
      tpu.yield
    }) : () -> ()
    return
  }
}

#map = affine_map<(d0, d1) -> (0, 0)>
#map1 = affine_map<(d0, d1) -> (0, 0, 0)>
module attributes {stable_mosaic.version = 14 : i64} {
  func.func @agg(%arg0: i32, %arg1: i32, %arg2: memref<10112x80xf32, #tpu.memory_space<hbm>>, %arg3: memref<2x4000x80xi32, #tpu.memory_space<hbm>>, %arg4: memref<10112x80xf32, #tpu.memory_space<hbm>>, %arg5: memref<2x10112x80xf32, #tpu.memory_space<hbm>>, %arg6: memref<125x80xi32, #tpu.memory_space<vmem>>, %arg7: memref<125x80xi32, #tpu.memory_space<vmem>>, %arg8: memref<5x80x80xf32, #tpu.memory_space<vmem>>, %arg9: memref<10112x80xf32, #tpu.memory_space<vmem_shared>>, %arg10: memref<!tpu.dma_semaphore, #tpu.memory_space<semaphore_mem>>, %arg11: memref<!tpu.dma_semaphore, #tpu.memory_space<semaphore_mem>>, %arg12: memref<!tpu.dma_semaphore, #tpu.memory_space<semaphore_mem>>, %arg13: memref<!tpu.dma_semaphore, #tpu.memory_space<semaphore_mem>>, %arg14: memref<!tpu.dma_semaphore, #tpu.memory_space<semaphore_mem>>, %arg15: memref<!tpu.dma_semaphore, #tpu.memory_space<semaphore_mem>>, %arg16: memref<!tpu.dma_semaphore, #tpu.memory_space<semaphore_mem>>, %arg17: memref<!tpu.dma_semaphore, #tpu.memory_space<semaphore_mem>>, %arg18: memref<!tpu.dma_semaphore, #tpu.memory_space<semaphore_mem>>, %arg19: memref<!tpu.dma_semaphore, #tpu.memory_space<semaphore_mem>>) attributes {dimension_semantics = [#tpu.dimension_semantics<core_parallel>, #tpu.dimension_semantics<subcore_parallel>], iteration_bounds = array<i64: 2, 16>, scalar_prefetch = 0 : i64, scratch_operands = 14 : i64, tpu.core_type = #tpu.core_type<sc_vector_subcore>, window_params = [{transform_indices = #map}, {transform_indices = #map1}, {transform_indices = #map}, {transform_indices = #map1}]} {
    %mul3A = arith.constant 2 : i32
    %mul3A_0 = arith.muli %arg1, %mul3A : i32
    %add3A = arith.addi %mul3A_0, %arg0 : i32
    %mul3A_1 = arith.constant 632 : i32
    %mul3A_2 = arith.muli %arg1, %mul3A_1 : i32
    %mul3A_3 = arith.constant 632 : i32
    %mul3A_4 = arith.muli %arg1, %mul3A_3 : i32
    "tpu.region"() ({
      %run_scoped3A_138 = tpu.sem_alloc : memref<!tpu.dma_semaphore, #tpu.memory_space<semaphore_mem>>
      %dma_start3A_139 = arith.constant 0 : i32
      %dma_start3A_140 = tpu.memref_slice %arg9[%mul3A_4, %dma_start3A_139] : memref<10112x80xf32, #tpu.memory_space<vmem_shared>> -> memref<632x80xf32, #tpu.memory_space<vmem_shared>>
      %dma_start3A_141 = arith.constant 0 : i32
      %dma_start3A_142 = tpu.memref_slice %arg4[%mul3A_2, %dma_start3A_141] : memref<10112x80xf32, #tpu.memory_space<hbm>> -> memref<632x80xf32, #tpu.memory_space<hbm>>
      tpu.enqueue_dma source(%dma_start3A_142 : memref<632x80xf32, #tpu.memory_space<hbm>>) target(%dma_start3A_140 : memref<632x80xf32, #tpu.memory_space<vmem_shared>>) target_semaphore(%run_scoped3A_138 : memref<!tpu.dma_semaphore, #tpu.memory_space<semaphore_mem>>)
      %dma_wait3A_143 = arith.constant 0 : i32
      %dma_wait3A_144 = tpu.memref_slice %arg9[%mul3A_4, %dma_wait3A_143] : memref<10112x80xf32, #tpu.memory_space<vmem_shared>> -> memref<632x80xf32, #tpu.memory_space<vmem_shared>>
      %dma_wait3A_145 = arith.constant 0 : i32
      %dma_wait3A_146 = tpu.memref_slice %arg4[%mul3A_2, %dma_wait3A_145] : memref<10112x80xf32, #tpu.memory_space<hbm>> -> memref<632x80xf32, #tpu.memory_space<hbm>>
      tpu.wait_dma2 semaphore(%run_scoped3A_138 : memref<!tpu.dma_semaphore, #tpu.memory_space<semaphore_mem>>) src(%dma_wait3A_146 : memref<632x80xf32, #tpu.memory_space<hbm>>) dst(%dma_wait3A_144 : memref<632x80xf32, #tpu.memory_space<vmem_shared>>)
      tpu.yield
    }) : () -> ()
    %mul3A_5 = arith.constant 125 : i32
    %mul3A_6 = arith.muli %add3A, %mul3A_5 : i32
    %run_scoped3A = arith.constant 0 : i32
    "tpu.region"() ({
      %run_scoped3A_138 = tpu.sem_alloc : memref<!tpu.dma_semaphore, #tpu.memory_space<semaphore_mem>>
      %dma_start3A_139 = arith.constant 0 : i32
      %dma_start3A_140 = tpu.memref_slice %arg3[%run_scoped3A, %mul3A_6, %dma_start3A_139] : memref<2x4000x80xi32, #tpu.memory_space<hbm>> -> memref<1x125x80xi32, #tpu.memory_space<hbm>>
      %dma_start3A_141 = tpu.memref_squeeze %dma_start3A_140 : memref<1x125x80xi32, #tpu.memory_space<hbm>> -> memref<125x80xi32, #tpu.memory_space<hbm>>
      %dma_start3A_142 = arith.constant 0 : i32
      %dma_start3A_143 = tpu.memref_slice %arg3[%run_scoped3A, %mul3A_6, %dma_start3A_142] : memref<2x4000x80xi32, #tpu.memory_space<hbm>> -> memref<1x125x80xi32, #tpu.memory_space<hbm>>
      %dma_start3A_144 = tpu.memref_squeeze %dma_start3A_143 : memref<1x125x80xi32, #tpu.memory_space<hbm>> -> memref<125x80xi32, #tpu.memory_space<hbm>>
      tpu.enqueue_dma source(%dma_start3A_144 : memref<125x80xi32, #tpu.memory_space<hbm>>) target(%arg6 : memref<125x80xi32, #tpu.memory_space<vmem>>) target_semaphore(%run_scoped3A_138 : memref<!tpu.dma_semaphore, #tpu.memory_space<semaphore_mem>>)
      %dma_wait3A_145 = arith.constant 0 : i32
      %dma_wait3A_146 = tpu.memref_slice %arg3[%run_scoped3A, %mul3A_6, %dma_wait3A_145] : memref<2x4000x80xi32, #tpu.memory_space<hbm>> -> memref<1x125x80xi32, #tpu.memory_space<hbm>>
      %dma_wait3A_147 = tpu.memref_squeeze %dma_wait3A_146 : memref<1x125x80xi32, #tpu.memory_space<hbm>> -> memref<125x80xi32, #tpu.memory_space<hbm>>
      %dma_wait3A_148 = arith.constant 0 : i32
      %dma_wait3A_149 = tpu.memref_slice %arg3[%run_scoped3A, %mul3A_6, %dma_wait3A_148] : memref<2x4000x80xi32, #tpu.memory_space<hbm>> -> memref<1x125x80xi32, #tpu.memory_space<hbm>>
      %dma_wait3A_150 = tpu.memref_squeeze %dma_wait3A_149 : memref<1x125x80xi32, #tpu.memory_space<hbm>> -> memref<125x80xi32, #tpu.memory_space<hbm>>
      tpu.wait_dma2 semaphore(%run_scoped3A_138 : memref<!tpu.dma_semaphore, #tpu.memory_space<semaphore_mem>>) src(%dma_wait3A_150 : memref<125x80xi32, #tpu.memory_space<hbm>>) dst(%arg6 : memref<125x80xi32, #tpu.memory_space<vmem>>)
      tpu.yield
    }) : () -> ()
    %mul3A_7 = arith.constant 125 : i32
    %mul3A_8 = arith.muli %add3A, %mul3A_7 : i32
    %run_scoped3A_9 = arith.constant 1 : i32
    "tpu.region"() ({
      %run_scoped3A_138 = tpu.sem_alloc : memref<!tpu.dma_semaphore, #tpu.memory_space<semaphore_mem>>
      %dma_start3A_139 = arith.constant 0 : i32
      %dma_start3A_140 = tpu.memref_slice %arg3[%run_scoped3A_9, %mul3A_8, %dma_start3A_139] : memref<2x4000x80xi32, #tpu.memory_space<hbm>> -> memref<1x125x80xi32, #tpu.memory_space<hbm>>
      %dma_start3A_141 = tpu.memref_squeeze %dma_start3A_140 : memref<1x125x80xi32, #tpu.memory_space<hbm>> -> memref<125x80xi32, #tpu.memory_space<hbm>>
      %dma_start3A_142 = arith.constant 0 : i32
      %dma_start3A_143 = tpu.memref_slice %arg3[%run_scoped3A_9, %mul3A_8, %dma_start3A_142] : memref<2x4000x80xi32, #tpu.memory_space<hbm>> -> memref<1x125x80xi32, #tpu.memory_space<hbm>>
      %dma_start3A_144 = tpu.memref_squeeze %dma_start3A_143 : memref<1x125x80xi32, #tpu.memory_space<hbm>> -> memref<125x80xi32, #tpu.memory_space<hbm>>
      tpu.enqueue_dma source(%dma_start3A_144 : memref<125x80xi32, #tpu.memory_space<hbm>>) target(%arg7 : memref<125x80xi32, #tpu.memory_space<vmem>>) target_semaphore(%run_scoped3A_138 : memref<!tpu.dma_semaphore, #tpu.memory_space<semaphore_mem>>)
      %dma_wait3A_145 = arith.constant 0 : i32
      %dma_wait3A_146 = tpu.memref_slice %arg3[%run_scoped3A_9, %mul3A_8, %dma_wait3A_145] : memref<2x4000x80xi32, #tpu.memory_space<hbm>> -> memref<1x125x80xi32, #tpu.memory_space<hbm>>
      %dma_wait3A_147 = tpu.memref_squeeze %dma_wait3A_146 : memref<1x125x80xi32, #tpu.memory_space<hbm>> -> memref<125x80xi32, #tpu.memory_space<hbm>>
      %dma_wait3A_148 = arith.constant 0 : i32
      %dma_wait3A_149 = tpu.memref_slice %arg3[%run_scoped3A_9, %mul3A_8, %dma_wait3A_148] : memref<2x4000x80xi32, #tpu.memory_space<hbm>> -> memref<1x125x80xi32, #tpu.memory_space<hbm>>
      %dma_wait3A_150 = tpu.memref_squeeze %dma_wait3A_149 : memref<1x125x80xi32, #tpu.memory_space<hbm>> -> memref<125x80xi32, #tpu.memory_space<hbm>>
      tpu.wait_dma2 semaphore(%run_scoped3A_138 : memref<!tpu.dma_semaphore, #tpu.memory_space<semaphore_mem>>) src(%dma_wait3A_150 : memref<125x80xi32, #tpu.memory_space<hbm>>) dst(%arg7 : memref<125x80xi32, #tpu.memory_space<vmem>>)
      tpu.yield
    }) : () -> ()
    %dma_start3A = arith.constant 0 : i32
    %dma_start3A_10 = arith.constant 0 : i32
    %dma_start3A_11 = arith.constant 0 : i32
    %dma_start3A_12 = arith.constant 0 : i32
    %dma_start3A_13 = tpu.memref_slice %arg8[%dma_start3A_10, %dma_start3A_11, %dma_start3A_12] : memref<5x80x80xf32, #tpu.memory_space<vmem>> -> memref<1x80x80xf32, #tpu.memory_space<vmem>>
    %dma_start3A_14 = tpu.memref_squeeze %dma_start3A_13 : memref<1x80x80xf32, #tpu.memory_space<vmem>> -> memref<80x80xf32, #tpu.memory_space<vmem>>
    %dma_start3A_15 = arith.constant 0 : i32
    %dma_start3A_16 = tpu.memref_slice %arg6[%dma_start3A, %dma_start3A_15] : memref<125x80xi32, #tpu.memory_space<vmem>> -> memref<1x80xi32, #tpu.memory_space<vmem>>
    %dma_start3A_17 = tpu.memref_squeeze %dma_start3A_16 : memref<1x80xi32, #tpu.memory_space<vmem>> -> memref<80xi32, #tpu.memory_space<vmem>>
    %dma_start3A_18 = arith.constant 0 : i32
    %dma_start3A_19 = arith.constant 0 : i32
    %dma_start3A_20 = tpu.memref_slice %arg2[%dma_start3A_18, %dma_start3A_19] : memref<10112x80xf32, #tpu.memory_space<hbm>> -> memref<10112x80xf32, #tpu.memory_space<hbm>>
    tpu.enqueue_indirect_dma source(%dma_start3A_20 : memref<10112x80xf32, #tpu.memory_space<hbm>>) target(%dma_start3A_14 : memref<80x80xf32, #tpu.memory_space<vmem>>) offsets(%dma_start3A_17 : memref<80xi32, #tpu.memory_space<vmem>>) semaphore(%arg10 : memref<!tpu.dma_semaphore, #tpu.memory_space<semaphore_mem>>)
    %dma_start3A_21 = arith.constant 1 : i32
    %dma_start3A_22 = arith.constant 1 : i32
    %dma_start3A_23 = arith.constant 0 : i32
    %dma_start3A_24 = arith.constant 0 : i32
    %dma_start3A_25 = tpu.memref_slice %arg8[%dma_start3A_22, %dma_start3A_23, %dma_start3A_24] : memref<5x80x80xf32, #tpu.memory_space<vmem>> -> memref<1x80x80xf32, #tpu.memory_space<vmem>>
    %dma_start3A_26 = tpu.memref_squeeze %dma_start3A_25 : memref<1x80x80xf32, #tpu.memory_space<vmem>> -> memref<80x80xf32, #tpu.memory_space<vmem>>
    %dma_start3A_27 = arith.constant 0 : i32
    %dma_start3A_28 = tpu.memref_slice %arg6[%dma_start3A_21, %dma_start3A_27] : memref<125x80xi32, #tpu.memory_space<vmem>> -> memref<1x80xi32, #tpu.memory_space<vmem>>
    %dma_start3A_29 = tpu.memref_squeeze %dma_start3A_28 : memref<1x80xi32, #tpu.memory_space<vmem>> -> memref<80xi32, #tpu.memory_space<vmem>>
    %dma_start3A_30 = arith.constant 0 : i32
    %dma_start3A_31 = arith.constant 0 : i32
    %dma_start3A_32 = tpu.memref_slice %arg2[%dma_start3A_30, %dma_start3A_31] : memref<10112x80xf32, #tpu.memory_space<hbm>> -> memref<10112x80xf32, #tpu.memory_space<hbm>>
    tpu.enqueue_indirect_dma source(%dma_start3A_32 : memref<10112x80xf32, #tpu.memory_space<hbm>>) target(%dma_start3A_26 : memref<80x80xf32, #tpu.memory_space<vmem>>) offsets(%dma_start3A_29 : memref<80xi32, #tpu.memory_space<vmem>>) semaphore(%arg11 : memref<!tpu.dma_semaphore, #tpu.memory_space<semaphore_mem>>)
    %dma_start3A_33 = arith.constant 2 : i32
    %dma_start3A_34 = arith.constant 2 : i32
    %dma_start3A_35 = arith.constant 0 : i32
    %dma_start3A_36 = arith.constant 0 : i32
    %dma_start3A_37 = tpu.memref_slice %arg8[%dma_start3A_34, %dma_start3A_35, %dma_start3A_36] : memref<5x80x80xf32, #tpu.memory_space<vmem>> -> memref<1x80x80xf32, #tpu.memory_space<vmem>>
    %dma_start3A_38 = tpu.memref_squeeze %dma_start3A_37 : memref<1x80x80xf32, #tpu.memory_space<vmem>> -> memref<80x80xf32, #tpu.memory_space<vmem>>
    %dma_start3A_39 = arith.constant 0 : i32
    %dma_start3A_40 = tpu.memref_slice %arg6[%dma_start3A_33, %dma_start3A_39] : memref<125x80xi32, #tpu.memory_space<vmem>> -> memref<1x80xi32, #tpu.memory_space<vmem>>
    %dma_start3A_41 = tpu.memref_squeeze %dma_start3A_40 : memref<1x80xi32, #tpu.memory_space<vmem>> -> memref<80xi32, #tpu.memory_space<vmem>>
    %dma_start3A_42 = arith.constant 0 : i32
    %dma_start3A_43 = arith.constant 0 : i32
    %dma_start3A_44 = tpu.memref_slice %arg2[%dma_start3A_42, %dma_start3A_43] : memref<10112x80xf32, #tpu.memory_space<hbm>> -> memref<10112x80xf32, #tpu.memory_space<hbm>>
    tpu.enqueue_indirect_dma source(%dma_start3A_44 : memref<10112x80xf32, #tpu.memory_space<hbm>>) target(%dma_start3A_38 : memref<80x80xf32, #tpu.memory_space<vmem>>) offsets(%dma_start3A_41 : memref<80xi32, #tpu.memory_space<vmem>>) semaphore(%arg12 : memref<!tpu.dma_semaphore, #tpu.memory_space<semaphore_mem>>)
    %dma_start3A_45 = arith.constant 3 : i32
    %dma_start3A_46 = arith.constant 3 : i32
    %dma_start3A_47 = arith.constant 0 : i32
    %dma_start3A_48 = arith.constant 0 : i32
    %dma_start3A_49 = tpu.memref_slice %arg8[%dma_start3A_46, %dma_start3A_47, %dma_start3A_48] : memref<5x80x80xf32, #tpu.memory_space<vmem>> -> memref<1x80x80xf32, #tpu.memory_space<vmem>>
    %dma_start3A_50 = tpu.memref_squeeze %dma_start3A_49 : memref<1x80x80xf32, #tpu.memory_space<vmem>> -> memref<80x80xf32, #tpu.memory_space<vmem>>
    %dma_start3A_51 = arith.constant 0 : i32
    %dma_start3A_52 = tpu.memref_slice %arg6[%dma_start3A_45, %dma_start3A_51] : memref<125x80xi32, #tpu.memory_space<vmem>> -> memref<1x80xi32, #tpu.memory_space<vmem>>
    %dma_start3A_53 = tpu.memref_squeeze %dma_start3A_52 : memref<1x80xi32, #tpu.memory_space<vmem>> -> memref<80xi32, #tpu.memory_space<vmem>>
    %dma_start3A_54 = arith.constant 0 : i32
    %dma_start3A_55 = arith.constant 0 : i32
    %dma_start3A_56 = tpu.memref_slice %arg2[%dma_start3A_54, %dma_start3A_55] : memref<10112x80xf32, #tpu.memory_space<hbm>> -> memref<10112x80xf32, #tpu.memory_space<hbm>>
    tpu.enqueue_indirect_dma source(%dma_start3A_56 : memref<10112x80xf32, #tpu.memory_space<hbm>>) target(%dma_start3A_50 : memref<80x80xf32, #tpu.memory_space<vmem>>) offsets(%dma_start3A_53 : memref<80xi32, #tpu.memory_space<vmem>>) semaphore(%arg13 : memref<!tpu.dma_semaphore, #tpu.memory_space<semaphore_mem>>)
    %dma_start3A_57 = arith.constant 4 : i32
    %dma_start3A_58 = arith.constant 4 : i32
    %dma_start3A_59 = arith.constant 0 : i32
    %dma_start3A_60 = arith.constant 0 : i32
    %dma_start3A_61 = tpu.memref_slice %arg8[%dma_start3A_58, %dma_start3A_59, %dma_start3A_60] : memref<5x80x80xf32, #tpu.memory_space<vmem>> -> memref<1x80x80xf32, #tpu.memory_space<vmem>>
    %dma_start3A_62 = tpu.memref_squeeze %dma_start3A_61 : memref<1x80x80xf32, #tpu.memory_space<vmem>> -> memref<80x80xf32, #tpu.memory_space<vmem>>
    %dma_start3A_63 = arith.constant 0 : i32
    %dma_start3A_64 = tpu.memref_slice %arg6[%dma_start3A_57, %dma_start3A_63] : memref<125x80xi32, #tpu.memory_space<vmem>> -> memref<1x80xi32, #tpu.memory_space<vmem>>
    %dma_start3A_65 = tpu.memref_squeeze %dma_start3A_64 : memref<1x80xi32, #tpu.memory_space<vmem>> -> memref<80xi32, #tpu.memory_space<vmem>>
    %dma_start3A_66 = arith.constant 0 : i32
    %dma_start3A_67 = arith.constant 0 : i32
    %dma_start3A_68 = tpu.memref_slice %arg2[%dma_start3A_66, %dma_start3A_67] : memref<10112x80xf32, #tpu.memory_space<hbm>> -> memref<10112x80xf32, #tpu.memory_space<hbm>>
    tpu.enqueue_indirect_dma source(%dma_start3A_68 : memref<10112x80xf32, #tpu.memory_space<hbm>>) target(%dma_start3A_62 : memref<80x80xf32, #tpu.memory_space<vmem>>) offsets(%dma_start3A_65 : memref<80xi32, #tpu.memory_space<vmem>>) semaphore(%arg14 : memref<!tpu.dma_semaphore, #tpu.memory_space<semaphore_mem>>)
    %barrier3A = arith.constant 0 : index
    tpu.barrier barrier_id(%barrier3A)
    %scan3A = arith.constant 0 : i32
    %scan3A_69 = arith.constant 0 : i32
    %scan3A_70 = arith.constant 25 : i32
    %scan3A_71 = arith.addi %scan3A_69, %scan3A_70 : i32
    %scan3A_72 = arith.constant 1 : i32
    scf.for %scan3A_138 = %scan3A_69 to %scan3A_71 step %scan3A_72  : i32 {
      %mul3A_139 = arith.constant 5 : i32
      %mul3A_140 = arith.muli %scan3A_138, %mul3A_139 : i32
      %add3A_141 = arith.constant 0 : i32
      %add3A_142 = arith.addi %mul3A_140, %add3A_141 : i32
      %dma_wait3A_143 = arith.constant 0 : i32
      %dma_wait3A_144 = arith.constant 0 : i32
      %dma_wait3A_145 = arith.constant 0 : i32
      %dma_wait3A_146 = tpu.memref_slice %arg8[%dma_wait3A_143, %dma_wait3A_144, %dma_wait3A_145] : memref<5x80x80xf32, #tpu.memory_space<vmem>> -> memref<1x80x80xf32, #tpu.memory_space<vmem>>
      %dma_wait3A_147 = tpu.memref_squeeze %dma_wait3A_146 : memref<1x80x80xf32, #tpu.memory_space<vmem>> -> memref<80x80xf32, #tpu.memory_space<vmem>>
      %dma_wait3A_148 = arith.constant 0 : i32
      %dma_wait3A_149 = tpu.memref_slice %arg6[%add3A_142, %dma_wait3A_148] : memref<125x80xi32, #tpu.memory_space<vmem>> -> memref<1x80xi32, #tpu.memory_space<vmem>>
      %dma_wait3A_150 = tpu.memref_squeeze %dma_wait3A_149 : memref<1x80xi32, #tpu.memory_space<vmem>> -> memref<80xi32, #tpu.memory_space<vmem>>
      %dma_wait3A_151 = arith.constant 0 : i32
      %dma_wait3A_152 = arith.constant 0 : i32
      %dma_wait3A_153 = tpu.memref_slice %arg2[%dma_wait3A_151, %dma_wait3A_152] : memref<10112x80xf32, #tpu.memory_space<hbm>> -> memref<10112x80xf32, #tpu.memory_space<hbm>>
      tpu.wait_indirect_dma semaphore(%arg10 : memref<!tpu.dma_semaphore, #tpu.memory_space<semaphore_mem>>) src(%dma_wait3A_153 : memref<10112x80xf32, #tpu.memory_space<hbm>>) dst(%dma_wait3A_147 : memref<80x80xf32, #tpu.memory_space<vmem>>)
      %dma_start3A_154 = arith.constant 0 : i32
      %dma_start3A_155 = arith.constant 0 : i32
      %dma_start3A_156 = arith.constant 0 : i32
      %dma_start3A_157 = tpu.memref_slice %arg8[%dma_start3A_154, %dma_start3A_155, %dma_start3A_156] : memref<5x80x80xf32, #tpu.memory_space<vmem>> -> memref<1x80x80xf32, #tpu.memory_space<vmem>>
      %dma_start3A_158 = tpu.memref_squeeze %dma_start3A_157 : memref<1x80x80xf32, #tpu.memory_space<vmem>> -> memref<80x80xf32, #tpu.memory_space<vmem>>
      %dma_start3A_159 = arith.constant 0 : i32
      %dma_start3A_160 = tpu.memref_slice %arg7[%add3A_142, %dma_start3A_159] : memref<125x80xi32, #tpu.memory_space<vmem>> -> memref<1x80xi32, #tpu.memory_space<vmem>>
      %dma_start3A_161 = tpu.memref_squeeze %dma_start3A_160 : memref<1x80xi32, #tpu.memory_space<vmem>> -> memref<80xi32, #tpu.memory_space<vmem>>
      %dma_start3A_162 = arith.constant 0 : i32
      %dma_start3A_163 = arith.constant 0 : i32
      %dma_start3A_164 = tpu.memref_slice %arg9[%dma_start3A_162, %dma_start3A_163] : memref<10112x80xf32, #tpu.memory_space<vmem_shared>> -> memref<10112x80xf32, #tpu.memory_space<vmem_shared>>
      tpu.enqueue_indirect_dma source(%dma_start3A_158 : memref<80x80xf32, #tpu.memory_space<vmem>>) target(%dma_start3A_164 : memref<10112x80xf32, #tpu.memory_space<vmem_shared>>) offsets(%dma_start3A_161 : memref<80xi32, #tpu.memory_space<vmem>>) semaphore(%arg15 : memref<!tpu.dma_semaphore, #tpu.memory_space<semaphore_mem>>) {add = true}
      %add3A_165 = arith.constant 1 : i32
      %add3A_166 = arith.addi %mul3A_140, %add3A_165 : i32
      %dma_wait3A_167 = arith.constant 1 : i32
      %dma_wait3A_168 = arith.constant 0 : i32
      %dma_wait3A_169 = arith.constant 0 : i32
      %dma_wait3A_170 = tpu.memref_slice %arg8[%dma_wait3A_167, %dma_wait3A_168, %dma_wait3A_169] : memref<5x80x80xf32, #tpu.memory_space<vmem>> -> memref<1x80x80xf32, #tpu.memory_space<vmem>>
      %dma_wait3A_171 = tpu.memref_squeeze %dma_wait3A_170 : memref<1x80x80xf32, #tpu.memory_space<vmem>> -> memref<80x80xf32, #tpu.memory_space<vmem>>
      %dma_wait3A_172 = arith.constant 0 : i32
      %dma_wait3A_173 = tpu.memref_slice %arg6[%add3A_166, %dma_wait3A_172] : memref<125x80xi32, #tpu.memory_space<vmem>> -> memref<1x80xi32, #tpu.memory_space<vmem>>
      %dma_wait3A_174 = tpu.memref_squeeze %dma_wait3A_173 : memref<1x80xi32, #tpu.memory_space<vmem>> -> memref<80xi32, #tpu.memory_space<vmem>>
      %dma_wait3A_175 = arith.constant 0 : i32
      %dma_wait3A_176 = arith.constant 0 : i32
      %dma_wait3A_177 = tpu.memref_slice %arg2[%dma_wait3A_175, %dma_wait3A_176] : memref<10112x80xf32, #tpu.memory_space<hbm>> -> memref<10112x80xf32, #tpu.memory_space<hbm>>
      tpu.wait_indirect_dma semaphore(%arg11 : memref<!tpu.dma_semaphore, #tpu.memory_space<semaphore_mem>>) src(%dma_wait3A_177 : memref<10112x80xf32, #tpu.memory_space<hbm>>) dst(%dma_wait3A_171 : memref<80x80xf32, #tpu.memory_space<vmem>>)
      %dma_start3A_178 = arith.constant 1 : i32
      %dma_start3A_179 = arith.constant 0 : i32
      %dma_start3A_180 = arith.constant 0 : i32
      %dma_start3A_181 = tpu.memref_slice %arg8[%dma_start3A_178, %dma_start3A_179, %dma_start3A_180] : memref<5x80x80xf32, #tpu.memory_space<vmem>> -> memref<1x80x80xf32, #tpu.memory_space<vmem>>
      %dma_start3A_182 = tpu.memref_squeeze %dma_start3A_181 : memref<1x80x80xf32, #tpu.memory_space<vmem>> -> memref<80x80xf32, #tpu.memory_space<vmem>>
      %dma_start3A_183 = arith.constant 0 : i32
      %dma_start3A_184 = tpu.memref_slice %arg7[%add3A_166, %dma_start3A_183] : memref<125x80xi32, #tpu.memory_space<vmem>> -> memref<1x80xi32, #tpu.memory_space<vmem>>
      %dma_start3A_185 = tpu.memref_squeeze %dma_start3A_184 : memref<1x80xi32, #tpu.memory_space<vmem>> -> memref<80xi32, #tpu.memory_space<vmem>>
      %dma_start3A_186 = arith.constant 0 : i32
      %dma_start3A_187 = arith.constant 0 : i32
      %dma_start3A_188 = tpu.memref_slice %arg9[%dma_start3A_186, %dma_start3A_187] : memref<10112x80xf32, #tpu.memory_space<vmem_shared>> -> memref<10112x80xf32, #tpu.memory_space<vmem_shared>>
      tpu.enqueue_indirect_dma source(%dma_start3A_182 : memref<80x80xf32, #tpu.memory_space<vmem>>) target(%dma_start3A_188 : memref<10112x80xf32, #tpu.memory_space<vmem_shared>>) offsets(%dma_start3A_185 : memref<80xi32, #tpu.memory_space<vmem>>) semaphore(%arg16 : memref<!tpu.dma_semaphore, #tpu.memory_space<semaphore_mem>>) {add = true}
      %add3A_189 = arith.constant 2 : i32
      %add3A_190 = arith.addi %mul3A_140, %add3A_189 : i32
      %dma_wait3A_191 = arith.constant 2 : i32
      %dma_wait3A_192 = arith.constant 0 : i32
      %dma_wait3A_193 = arith.constant 0 : i32
      %dma_wait3A_194 = tpu.memref_slice %arg8[%dma_wait3A_191, %dma_wait3A_192, %dma_wait3A_193] : memref<5x80x80xf32, #tpu.memory_space<vmem>> -> memref<1x80x80xf32, #tpu.memory_space<vmem>>
      %dma_wait3A_195 = tpu.memref_squeeze %dma_wait3A_194 : memref<1x80x80xf32, #tpu.memory_space<vmem>> -> memref<80x80xf32, #tpu.memory_space<vmem>>
      %dma_wait3A_196 = arith.constant 0 : i32
      %dma_wait3A_197 = tpu.memref_slice %arg6[%add3A_190, %dma_wait3A_196] : memref<125x80xi32, #tpu.memory_space<vmem>> -> memref<1x80xi32, #tpu.memory_space<vmem>>
      %dma_wait3A_198 = tpu.memref_squeeze %dma_wait3A_197 : memref<1x80xi32, #tpu.memory_space<vmem>> -> memref<80xi32, #tpu.memory_space<vmem>>
      %dma_wait3A_199 = arith.constant 0 : i32
      %dma_wait3A_200 = arith.constant 0 : i32
      %dma_wait3A_201 = tpu.memref_slice %arg2[%dma_wait3A_199, %dma_wait3A_200] : memref<10112x80xf32, #tpu.memory_space<hbm>> -> memref<10112x80xf32, #tpu.memory_space<hbm>>
      tpu.wait_indirect_dma semaphore(%arg12 : memref<!tpu.dma_semaphore, #tpu.memory_space<semaphore_mem>>) src(%dma_wait3A_201 : memref<10112x80xf32, #tpu.memory_space<hbm>>) dst(%dma_wait3A_195 : memref<80x80xf32, #tpu.memory_space<vmem>>)
      %dma_start3A_202 = arith.constant 2 : i32
      %dma_start3A_203 = arith.constant 0 : i32
      %dma_start3A_204 = arith.constant 0 : i32
      %dma_start3A_205 = tpu.memref_slice %arg8[%dma_start3A_202, %dma_start3A_203, %dma_start3A_204] : memref<5x80x80xf32, #tpu.memory_space<vmem>> -> memref<1x80x80xf32, #tpu.memory_space<vmem>>
      %dma_start3A_206 = tpu.memref_squeeze %dma_start3A_205 : memref<1x80x80xf32, #tpu.memory_space<vmem>> -> memref<80x80xf32, #tpu.memory_space<vmem>>
      %dma_start3A_207 = arith.constant 0 : i32
      %dma_start3A_208 = tpu.memref_slice %arg7[%add3A_190, %dma_start3A_207] : memref<125x80xi32, #tpu.memory_space<vmem>> -> memref<1x80xi32, #tpu.memory_space<vmem>>
      %dma_start3A_209 = tpu.memref_squeeze %dma_start3A_208 : memref<1x80xi32, #tpu.memory_space<vmem>> -> memref<80xi32, #tpu.memory_space<vmem>>
      %dma_start3A_210 = arith.constant 0 : i32
      %dma_start3A_211 = arith.constant 0 : i32
      %dma_start3A_212 = tpu.memref_slice %arg9[%dma_start3A_210, %dma_start3A_211] : memref<10112x80xf32, #tpu.memory_space<vmem_shared>> -> memref<10112x80xf32, #tpu.memory_space<vmem_shared>>
      tpu.enqueue_indirect_dma source(%dma_start3A_206 : memref<80x80xf32, #tpu.memory_space<vmem>>) target(%dma_start3A_212 : memref<10112x80xf32, #tpu.memory_space<vmem_shared>>) offsets(%dma_start3A_209 : memref<80xi32, #tpu.memory_space<vmem>>) semaphore(%arg17 : memref<!tpu.dma_semaphore, #tpu.memory_space<semaphore_mem>>) {add = true}
      %add3A_213 = arith.constant 3 : i32
      %add3A_214 = arith.addi %mul3A_140, %add3A_213 : i32
      %dma_wait3A_215 = arith.constant 3 : i32
      %dma_wait3A_216 = arith.constant 0 : i32
      %dma_wait3A_217 = arith.constant 0 : i32
      %dma_wait3A_218 = tpu.memref_slice %arg8[%dma_wait3A_215, %dma_wait3A_216, %dma_wait3A_217] : memref<5x80x80xf32, #tpu.memory_space<vmem>> -> memref<1x80x80xf32, #tpu.memory_space<vmem>>
      %dma_wait3A_219 = tpu.memref_squeeze %dma_wait3A_218 : memref<1x80x80xf32, #tpu.memory_space<vmem>> -> memref<80x80xf32, #tpu.memory_space<vmem>>
      %dma_wait3A_220 = arith.constant 0 : i32
      %dma_wait3A_221 = tpu.memref_slice %arg6[%add3A_214, %dma_wait3A_220] : memref<125x80xi32, #tpu.memory_space<vmem>> -> memref<1x80xi32, #tpu.memory_space<vmem>>
      %dma_wait3A_222 = tpu.memref_squeeze %dma_wait3A_221 : memref<1x80xi32, #tpu.memory_space<vmem>> -> memref<80xi32, #tpu.memory_space<vmem>>
      %dma_wait3A_223 = arith.constant 0 : i32
      %dma_wait3A_224 = arith.constant 0 : i32
      %dma_wait3A_225 = tpu.memref_slice %arg2[%dma_wait3A_223, %dma_wait3A_224] : memref<10112x80xf32, #tpu.memory_space<hbm>> -> memref<10112x80xf32, #tpu.memory_space<hbm>>
      tpu.wait_indirect_dma semaphore(%arg13 : memref<!tpu.dma_semaphore, #tpu.memory_space<semaphore_mem>>) src(%dma_wait3A_225 : memref<10112x80xf32, #tpu.memory_space<hbm>>) dst(%dma_wait3A_219 : memref<80x80xf32, #tpu.memory_space<vmem>>)
      %dma_start3A_226 = arith.constant 3 : i32
      %dma_start3A_227 = arith.constant 0 : i32
      %dma_start3A_228 = arith.constant 0 : i32
      %dma_start3A_229 = tpu.memref_slice %arg8[%dma_start3A_226, %dma_start3A_227, %dma_start3A_228] : memref<5x80x80xf32, #tpu.memory_space<vmem>> -> memref<1x80x80xf32, #tpu.memory_space<vmem>>
      %dma_start3A_230 = tpu.memref_squeeze %dma_start3A_229 : memref<1x80x80xf32, #tpu.memory_space<vmem>> -> memref<80x80xf32, #tpu.memory_space<vmem>>
      %dma_start3A_231 = arith.constant 0 : i32
      %dma_start3A_232 = tpu.memref_slice %arg7[%add3A_214, %dma_start3A_231] : memref<125x80xi32, #tpu.memory_space<vmem>> -> memref<1x80xi32, #tpu.memory_space<vmem>>
      %dma_start3A_233 = tpu.memref_squeeze %dma_start3A_232 : memref<1x80xi32, #tpu.memory_space<vmem>> -> memref<80xi32, #tpu.memory_space<vmem>>
      %dma_start3A_234 = arith.constant 0 : i32
      %dma_start3A_235 = arith.constant 0 : i32
      %dma_start3A_236 = tpu.memref_slice %arg9[%dma_start3A_234, %dma_start3A_235] : memref<10112x80xf32, #tpu.memory_space<vmem_shared>> -> memref<10112x80xf32, #tpu.memory_space<vmem_shared>>
      tpu.enqueue_indirect_dma source(%dma_start3A_230 : memref<80x80xf32, #tpu.memory_space<vmem>>) target(%dma_start3A_236 : memref<10112x80xf32, #tpu.memory_space<vmem_shared>>) offsets(%dma_start3A_233 : memref<80xi32, #tpu.memory_space<vmem>>) semaphore(%arg18 : memref<!tpu.dma_semaphore, #tpu.memory_space<semaphore_mem>>) {add = true}
      %add3A_237 = arith.constant 4 : i32
      %add3A_238 = arith.addi %mul3A_140, %add3A_237 : i32
      %dma_wait3A_239 = arith.constant 4 : i32
      %dma_wait3A_240 = arith.constant 0 : i32
      %dma_wait3A_241 = arith.constant 0 : i32
      %dma_wait3A_242 = tpu.memref_slice %arg8[%dma_wait3A_239, %dma_wait3A_240, %dma_wait3A_241] : memref<5x80x80xf32, #tpu.memory_space<vmem>> -> memref<1x80x80xf32, #tpu.memory_space<vmem>>
      %dma_wait3A_243 = tpu.memref_squeeze %dma_wait3A_242 : memref<1x80x80xf32, #tpu.memory_space<vmem>> -> memref<80x80xf32, #tpu.memory_space<vmem>>
      %dma_wait3A_244 = arith.constant 0 : i32
      %dma_wait3A_245 = tpu.memref_slice %arg6[%add3A_238, %dma_wait3A_244] : memref<125x80xi32, #tpu.memory_space<vmem>> -> memref<1x80xi32, #tpu.memory_space<vmem>>
      %dma_wait3A_246 = tpu.memref_squeeze %dma_wait3A_245 : memref<1x80xi32, #tpu.memory_space<vmem>> -> memref<80xi32, #tpu.memory_space<vmem>>
      %dma_wait3A_247 = arith.constant 0 : i32
      %dma_wait3A_248 = arith.constant 0 : i32
      %dma_wait3A_249 = tpu.memref_slice %arg2[%dma_wait3A_247, %dma_wait3A_248] : memref<10112x80xf32, #tpu.memory_space<hbm>> -> memref<10112x80xf32, #tpu.memory_space<hbm>>
      tpu.wait_indirect_dma semaphore(%arg14 : memref<!tpu.dma_semaphore, #tpu.memory_space<semaphore_mem>>) src(%dma_wait3A_249 : memref<10112x80xf32, #tpu.memory_space<hbm>>) dst(%dma_wait3A_243 : memref<80x80xf32, #tpu.memory_space<vmem>>)
      %dma_start3A_250 = arith.constant 4 : i32
      %dma_start3A_251 = arith.constant 0 : i32
      %dma_start3A_252 = arith.constant 0 : i32
      %dma_start3A_253 = tpu.memref_slice %arg8[%dma_start3A_250, %dma_start3A_251, %dma_start3A_252] : memref<5x80x80xf32, #tpu.memory_space<vmem>> -> memref<1x80x80xf32, #tpu.memory_space<vmem>>
      %dma_start3A_254 = tpu.memref_squeeze %dma_start3A_253 : memref<1x80x80xf32, #tpu.memory_space<vmem>> -> memref<80x80xf32, #tpu.memory_space<vmem>>
      %dma_start3A_255 = arith.constant 0 : i32
      %dma_start3A_256 = tpu.memref_slice %arg7[%add3A_238, %dma_start3A_255] : memref<125x80xi32, #tpu.memory_space<vmem>> -> memref<1x80xi32, #tpu.memory_space<vmem>>
      %dma_start3A_257 = tpu.memref_squeeze %dma_start3A_256 : memref<1x80xi32, #tpu.memory_space<vmem>> -> memref<80xi32, #tpu.memory_space<vmem>>
      %dma_start3A_258 = arith.constant 0 : i32
      %dma_start3A_259 = arith.constant 0 : i32
      %dma_start3A_260 = tpu.memref_slice %arg9[%dma_start3A_258, %dma_start3A_259] : memref<10112x80xf32, #tpu.memory_space<vmem_shared>> -> memref<10112x80xf32, #tpu.memory_space<vmem_shared>>
      tpu.enqueue_indirect_dma source(%dma_start3A_254 : memref<80x80xf32, #tpu.memory_space<vmem>>) target(%dma_start3A_260 : memref<10112x80xf32, #tpu.memory_space<vmem_shared>>) offsets(%dma_start3A_257 : memref<80xi32, #tpu.memory_space<vmem>>) semaphore(%arg19 : memref<!tpu.dma_semaphore, #tpu.memory_space<semaphore_mem>>) {add = true}
      %add3A_261 = arith.constant 0 : i32
      %add3A_262 = arith.addi %mul3A_140, %add3A_261 : i32
      %lt3A = arith.constant 24 : i32
      %lt3A_263 = arith.cmpi slt, %scan3A_138, %lt3A : i32
      %convert_element_type3A = arith.extui %lt3A_263 : i1 to i32
      %cond3A = arith.constant 0 : i32
      %cond3A_264 = arith.cmpi ne, %convert_element_type3A, %cond3A : i32
      scf.if %cond3A_264 {
        %dma_wait3A_293 = arith.constant 0 : i32
        %dma_wait3A_294 = arith.constant 0 : i32
        %dma_wait3A_295 = arith.constant 0 : i32
        %dma_wait3A_296 = tpu.memref_slice %arg8[%dma_wait3A_293, %dma_wait3A_294, %dma_wait3A_295] : memref<5x80x80xf32, #tpu.memory_space<vmem>> -> memref<1x80x80xf32, #tpu.memory_space<vmem>>
        %dma_wait3A_297 = tpu.memref_squeeze %dma_wait3A_296 : memref<1x80x80xf32, #tpu.memory_space<vmem>> -> memref<80x80xf32, #tpu.memory_space<vmem>>
        %dma_wait3A_298 = arith.constant 0 : i32
        %dma_wait3A_299 = tpu.memref_slice %arg7[%add3A_262, %dma_wait3A_298] : memref<125x80xi32, #tpu.memory_space<vmem>> -> memref<1x80xi32, #tpu.memory_space<vmem>>
        %dma_wait3A_300 = tpu.memref_squeeze %dma_wait3A_299 : memref<1x80xi32, #tpu.memory_space<vmem>> -> memref<80xi32, #tpu.memory_space<vmem>>
        %dma_wait3A_301 = arith.constant 0 : i32
        %dma_wait3A_302 = arith.constant 0 : i32
        %dma_wait3A_303 = tpu.memref_slice %arg9[%dma_wait3A_301, %dma_wait3A_302] : memref<10112x80xf32, #tpu.memory_space<vmem_shared>> -> memref<10112x80xf32, #tpu.memory_space<vmem_shared>>
        tpu.wait_indirect_dma semaphore(%arg15 : memref<!tpu.dma_semaphore, #tpu.memory_space<semaphore_mem>>) src(%dma_wait3A_297 : memref<80x80xf32, #tpu.memory_space<vmem>>) dst(%dma_wait3A_303 : memref<10112x80xf32, #tpu.memory_space<vmem_shared>>)
        %add3A_304 = arith.constant 5 : i32
        %add3A_305 = arith.addi %add3A_262, %add3A_304 : i32
        %dma_start3A_306 = arith.constant 0 : i32
        %dma_start3A_307 = arith.constant 0 : i32
        %dma_start3A_308 = arith.constant 0 : i32
        %dma_start3A_309 = tpu.memref_slice %arg8[%dma_start3A_306, %dma_start3A_307, %dma_start3A_308] : memref<5x80x80xf32, #tpu.memory_space<vmem>> -> memref<1x80x80xf32, #tpu.memory_space<vmem>>
        %dma_start3A_310 = tpu.memref_squeeze %dma_start3A_309 : memref<1x80x80xf32, #tpu.memory_space<vmem>> -> memref<80x80xf32, #tpu.memory_space<vmem>>
        %dma_start3A_311 = arith.constant 0 : i32
        %dma_start3A_312 = tpu.memref_slice %arg6[%add3A_305, %dma_start3A_311] : memref<125x80xi32, #tpu.memory_space<vmem>> -> memref<1x80xi32, #tpu.memory_space<vmem>>
        %dma_start3A_313 = tpu.memref_squeeze %dma_start3A_312 : memref<1x80xi32, #tpu.memory_space<vmem>> -> memref<80xi32, #tpu.memory_space<vmem>>
        %dma_start3A_314 = arith.constant 0 : i32
        %dma_start3A_315 = arith.constant 0 : i32
        %dma_start3A_316 = tpu.memref_slice %arg2[%dma_start3A_314, %dma_start3A_315] : memref<10112x80xf32, #tpu.memory_space<hbm>> -> memref<10112x80xf32, #tpu.memory_space<hbm>>
        tpu.enqueue_indirect_dma source(%dma_start3A_316 : memref<10112x80xf32, #tpu.memory_space<hbm>>) target(%dma_start3A_310 : memref<80x80xf32, #tpu.memory_space<vmem>>) offsets(%dma_start3A_313 : memref<80xi32, #tpu.memory_space<vmem>>) semaphore(%arg10 : memref<!tpu.dma_semaphore, #tpu.memory_space<semaphore_mem>>)
      } else {
      }
      %add3A_265 = arith.constant 1 : i32
      %add3A_266 = arith.addi %mul3A_140, %add3A_265 : i32
      %lt3A_267 = arith.constant 24 : i32
      %lt3A_268 = arith.cmpi slt, %scan3A_138, %lt3A_267 : i32
      %convert_element_type3A_269 = arith.extui %lt3A_268 : i1 to i32
      %cond3A_270 = arith.constant 0 : i32
      %cond3A_271 = arith.cmpi ne, %convert_element_type3A_269, %cond3A_270 : i32
      scf.if %cond3A_271 {
        %dma_wait3A_293 = arith.constant 1 : i32
        %dma_wait3A_294 = arith.constant 0 : i32
        %dma_wait3A_295 = arith.constant 0 : i32
        %dma_wait3A_296 = tpu.memref_slice %arg8[%dma_wait3A_293, %dma_wait3A_294, %dma_wait3A_295] : memref<5x80x80xf32, #tpu.memory_space<vmem>> -> memref<1x80x80xf32, #tpu.memory_space<vmem>>
        %dma_wait3A_297 = tpu.memref_squeeze %dma_wait3A_296 : memref<1x80x80xf32, #tpu.memory_space<vmem>> -> memref<80x80xf32, #tpu.memory_space<vmem>>
        %dma_wait3A_298 = arith.constant 0 : i32
        %dma_wait3A_299 = tpu.memref_slice %arg7[%add3A_266, %dma_wait3A_298] : memref<125x80xi32, #tpu.memory_space<vmem>> -> memref<1x80xi32, #tpu.memory_space<vmem>>
        %dma_wait3A_300 = tpu.memref_squeeze %dma_wait3A_299 : memref<1x80xi32, #tpu.memory_space<vmem>> -> memref<80xi32, #tpu.memory_space<vmem>>
        %dma_wait3A_301 = arith.constant 0 : i32
        %dma_wait3A_302 = arith.constant 0 : i32
        %dma_wait3A_303 = tpu.memref_slice %arg9[%dma_wait3A_301, %dma_wait3A_302] : memref<10112x80xf32, #tpu.memory_space<vmem_shared>> -> memref<10112x80xf32, #tpu.memory_space<vmem_shared>>
        tpu.wait_indirect_dma semaphore(%arg16 : memref<!tpu.dma_semaphore, #tpu.memory_space<semaphore_mem>>) src(%dma_wait3A_297 : memref<80x80xf32, #tpu.memory_space<vmem>>) dst(%dma_wait3A_303 : memref<10112x80xf32, #tpu.memory_space<vmem_shared>>)
        %add3A_304 = arith.constant 5 : i32
        %add3A_305 = arith.addi %add3A_266, %add3A_304 : i32
        %dma_start3A_306 = arith.constant 1 : i32
        %dma_start3A_307 = arith.constant 0 : i32
        %dma_start3A_308 = arith.constant 0 : i32
        %dma_start3A_309 = tpu.memref_slice %arg8[%dma_start3A_306, %dma_start3A_307, %dma_start3A_308] : memref<5x80x80xf32, #tpu.memory_space<vmem>> -> memref<1x80x80xf32, #tpu.memory_space<vmem>>
        %dma_start3A_310 = tpu.memref_squeeze %dma_start3A_309 : memref<1x80x80xf32, #tpu.memory_space<vmem>> -> memref<80x80xf32, #tpu.memory_space<vmem>>
        %dma_start3A_311 = arith.constant 0 : i32
        %dma_start3A_312 = tpu.memref_slice %arg6[%add3A_305, %dma_start3A_311] : memref<125x80xi32, #tpu.memory_space<vmem>> -> memref<1x80xi32, #tpu.memory_space<vmem>>
        %dma_start3A_313 = tpu.memref_squeeze %dma_start3A_312 : memref<1x80xi32, #tpu.memory_space<vmem>> -> memref<80xi32, #tpu.memory_space<vmem>>
        %dma_start3A_314 = arith.constant 0 : i32
        %dma_start3A_315 = arith.constant 0 : i32
        %dma_start3A_316 = tpu.memref_slice %arg2[%dma_start3A_314, %dma_start3A_315] : memref<10112x80xf32, #tpu.memory_space<hbm>> -> memref<10112x80xf32, #tpu.memory_space<hbm>>
        tpu.enqueue_indirect_dma source(%dma_start3A_316 : memref<10112x80xf32, #tpu.memory_space<hbm>>) target(%dma_start3A_310 : memref<80x80xf32, #tpu.memory_space<vmem>>) offsets(%dma_start3A_313 : memref<80xi32, #tpu.memory_space<vmem>>) semaphore(%arg11 : memref<!tpu.dma_semaphore, #tpu.memory_space<semaphore_mem>>)
      } else {
      }
      %add3A_272 = arith.constant 2 : i32
      %add3A_273 = arith.addi %mul3A_140, %add3A_272 : i32
      %lt3A_274 = arith.constant 24 : i32
      %lt3A_275 = arith.cmpi slt, %scan3A_138, %lt3A_274 : i32
      %convert_element_type3A_276 = arith.extui %lt3A_275 : i1 to i32
      %cond3A_277 = arith.constant 0 : i32
      %cond3A_278 = arith.cmpi ne, %convert_element_type3A_276, %cond3A_277 : i32
      scf.if %cond3A_278 {
        %dma_wait3A_293 = arith.constant 2 : i32
        %dma_wait3A_294 = arith.constant 0 : i32
        %dma_wait3A_295 = arith.constant 0 : i32
        %dma_wait3A_296 = tpu.memref_slice %arg8[%dma_wait3A_293, %dma_wait3A_294, %dma_wait3A_295] : memref<5x80x80xf32, #tpu.memory_space<vmem>> -> memref<1x80x80xf32, #tpu.memory_space<vmem>>
        %dma_wait3A_297 = tpu.memref_squeeze %dma_wait3A_296 : memref<1x80x80xf32, #tpu.memory_space<vmem>> -> memref<80x80xf32, #tpu.memory_space<vmem>>
        %dma_wait3A_298 = arith.constant 0 : i32
        %dma_wait3A_299 = tpu.memref_slice %arg7[%add3A_273, %dma_wait3A_298] : memref<125x80xi32, #tpu.memory_space<vmem>> -> memref<1x80xi32, #tpu.memory_space<vmem>>
        %dma_wait3A_300 = tpu.memref_squeeze %dma_wait3A_299 : memref<1x80xi32, #tpu.memory_space<vmem>> -> memref<80xi32, #tpu.memory_space<vmem>>
        %dma_wait3A_301 = arith.constant 0 : i32
        %dma_wait3A_302 = arith.constant 0 : i32
        %dma_wait3A_303 = tpu.memref_slice %arg9[%dma_wait3A_301, %dma_wait3A_302] : memref<10112x80xf32, #tpu.memory_space<vmem_shared>> -> memref<10112x80xf32, #tpu.memory_space<vmem_shared>>
        tpu.wait_indirect_dma semaphore(%arg17 : memref<!tpu.dma_semaphore, #tpu.memory_space<semaphore_mem>>) src(%dma_wait3A_297 : memref<80x80xf32, #tpu.memory_space<vmem>>) dst(%dma_wait3A_303 : memref<10112x80xf32, #tpu.memory_space<vmem_shared>>)
        %add3A_304 = arith.constant 5 : i32
        %add3A_305 = arith.addi %add3A_273, %add3A_304 : i32
        %dma_start3A_306 = arith.constant 2 : i32
        %dma_start3A_307 = arith.constant 0 : i32
        %dma_start3A_308 = arith.constant 0 : i32
        %dma_start3A_309 = tpu.memref_slice %arg8[%dma_start3A_306, %dma_start3A_307, %dma_start3A_308] : memref<5x80x80xf32, #tpu.memory_space<vmem>> -> memref<1x80x80xf32, #tpu.memory_space<vmem>>
        %dma_start3A_310 = tpu.memref_squeeze %dma_start3A_309 : memref<1x80x80xf32, #tpu.memory_space<vmem>> -> memref<80x80xf32, #tpu.memory_space<vmem>>
        %dma_start3A_311 = arith.constant 0 : i32
        %dma_start3A_312 = tpu.memref_slice %arg6[%add3A_305, %dma_start3A_311] : memref<125x80xi32, #tpu.memory_space<vmem>> -> memref<1x80xi32, #tpu.memory_space<vmem>>
        %dma_start3A_313 = tpu.memref_squeeze %dma_start3A_312 : memref<1x80xi32, #tpu.memory_space<vmem>> -> memref<80xi32, #tpu.memory_space<vmem>>
        %dma_start3A_314 = arith.constant 0 : i32
        %dma_start3A_315 = arith.constant 0 : i32
        %dma_start3A_316 = tpu.memref_slice %arg2[%dma_start3A_314, %dma_start3A_315] : memref<10112x80xf32, #tpu.memory_space<hbm>> -> memref<10112x80xf32, #tpu.memory_space<hbm>>
        tpu.enqueue_indirect_dma source(%dma_start3A_316 : memref<10112x80xf32, #tpu.memory_space<hbm>>) target(%dma_start3A_310 : memref<80x80xf32, #tpu.memory_space<vmem>>) offsets(%dma_start3A_313 : memref<80xi32, #tpu.memory_space<vmem>>) semaphore(%arg12 : memref<!tpu.dma_semaphore, #tpu.memory_space<semaphore_mem>>)
      } else {
      }
      %add3A_279 = arith.constant 3 : i32
      %add3A_280 = arith.addi %mul3A_140, %add3A_279 : i32
      %lt3A_281 = arith.constant 24 : i32
      %lt3A_282 = arith.cmpi slt, %scan3A_138, %lt3A_281 : i32
      %convert_element_type3A_283 = arith.extui %lt3A_282 : i1 to i32
      %cond3A_284 = arith.constant 0 : i32
      %cond3A_285 = arith.cmpi ne, %convert_element_type3A_283, %cond3A_284 : i32
      scf.if %cond3A_285 {
        %dma_wait3A_293 = arith.constant 3 : i32
        %dma_wait3A_294 = arith.constant 0 : i32
        %dma_wait3A_295 = arith.constant 0 : i32
        %dma_wait3A_296 = tpu.memref_slice %arg8[%dma_wait3A_293, %dma_wait3A_294, %dma_wait3A_295] : memref<5x80x80xf32, #tpu.memory_space<vmem>> -> memref<1x80x80xf32, #tpu.memory_space<vmem>>
        %dma_wait3A_297 = tpu.memref_squeeze %dma_wait3A_296 : memref<1x80x80xf32, #tpu.memory_space<vmem>> -> memref<80x80xf32, #tpu.memory_space<vmem>>
        %dma_wait3A_298 = arith.constant 0 : i32
        %dma_wait3A_299 = tpu.memref_slice %arg7[%add3A_280, %dma_wait3A_298] : memref<125x80xi32, #tpu.memory_space<vmem>> -> memref<1x80xi32, #tpu.memory_space<vmem>>
        %dma_wait3A_300 = tpu.memref_squeeze %dma_wait3A_299 : memref<1x80xi32, #tpu.memory_space<vmem>> -> memref<80xi32, #tpu.memory_space<vmem>>
        %dma_wait3A_301 = arith.constant 0 : i32
        %dma_wait3A_302 = arith.constant 0 : i32
        %dma_wait3A_303 = tpu.memref_slice %arg9[%dma_wait3A_301, %dma_wait3A_302] : memref<10112x80xf32, #tpu.memory_space<vmem_shared>> -> memref<10112x80xf32, #tpu.memory_space<vmem_shared>>
        tpu.wait_indirect_dma semaphore(%arg18 : memref<!tpu.dma_semaphore, #tpu.memory_space<semaphore_mem>>) src(%dma_wait3A_297 : memref<80x80xf32, #tpu.memory_space<vmem>>) dst(%dma_wait3A_303 : memref<10112x80xf32, #tpu.memory_space<vmem_shared>>)
        %add3A_304 = arith.constant 5 : i32
        %add3A_305 = arith.addi %add3A_280, %add3A_304 : i32
        %dma_start3A_306 = arith.constant 3 : i32
        %dma_start3A_307 = arith.constant 0 : i32
        %dma_start3A_308 = arith.constant 0 : i32
        %dma_start3A_309 = tpu.memref_slice %arg8[%dma_start3A_306, %dma_start3A_307, %dma_start3A_308] : memref<5x80x80xf32, #tpu.memory_space<vmem>> -> memref<1x80x80xf32, #tpu.memory_space<vmem>>
        %dma_start3A_310 = tpu.memref_squeeze %dma_start3A_309 : memref<1x80x80xf32, #tpu.memory_space<vmem>> -> memref<80x80xf32, #tpu.memory_space<vmem>>
        %dma_start3A_311 = arith.constant 0 : i32
        %dma_start3A_312 = tpu.memref_slice %arg6[%add3A_305, %dma_start3A_311] : memref<125x80xi32, #tpu.memory_space<vmem>> -> memref<1x80xi32, #tpu.memory_space<vmem>>
        %dma_start3A_313 = tpu.memref_squeeze %dma_start3A_312 : memref<1x80xi32, #tpu.memory_space<vmem>> -> memref<80xi32, #tpu.memory_space<vmem>>
        %dma_start3A_314 = arith.constant 0 : i32
        %dma_start3A_315 = arith.constant 0 : i32
        %dma_start3A_316 = tpu.memref_slice %arg2[%dma_start3A_314, %dma_start3A_315] : memref<10112x80xf32, #tpu.memory_space<hbm>> -> memref<10112x80xf32, #tpu.memory_space<hbm>>
        tpu.enqueue_indirect_dma source(%dma_start3A_316 : memref<10112x80xf32, #tpu.memory_space<hbm>>) target(%dma_start3A_310 : memref<80x80xf32, #tpu.memory_space<vmem>>) offsets(%dma_start3A_313 : memref<80xi32, #tpu.memory_space<vmem>>) semaphore(%arg13 : memref<!tpu.dma_semaphore, #tpu.memory_space<semaphore_mem>>)
      } else {
      }
      %add3A_286 = arith.constant 4 : i32
      %add3A_287 = arith.addi %mul3A_140, %add3A_286 : i32
      %lt3A_288 = arith.constant 24 : i32
      %lt3A_289 = arith.cmpi slt, %scan3A_138, %lt3A_288 : i32
      %convert_element_type3A_290 = arith.extui %lt3A_289 : i1 to i32
      %cond3A_291 = arith.constant 0 : i32
      %cond3A_292 = arith.cmpi ne, %convert_element_type3A_290, %cond3A_291 : i32
      scf.if %cond3A_292 {
        %dma_wait3A_293 = arith.constant 4 : i32
        %dma_wait3A_294 = arith.constant 0 : i32
        %dma_wait3A_295 = arith.constant 0 : i32
        %dma_wait3A_296 = tpu.memref_slice %arg8[%dma_wait3A_293, %dma_wait3A_294, %dma_wait3A_295] : memref<5x80x80xf32, #tpu.memory_space<vmem>> -> memref<1x80x80xf32, #tpu.memory_space<vmem>>
        %dma_wait3A_297 = tpu.memref_squeeze %dma_wait3A_296 : memref<1x80x80xf32, #tpu.memory_space<vmem>> -> memref<80x80xf32, #tpu.memory_space<vmem>>
        %dma_wait3A_298 = arith.constant 0 : i32
        %dma_wait3A_299 = tpu.memref_slice %arg7[%add3A_287, %dma_wait3A_298] : memref<125x80xi32, #tpu.memory_space<vmem>> -> memref<1x80xi32, #tpu.memory_space<vmem>>
        %dma_wait3A_300 = tpu.memref_squeeze %dma_wait3A_299 : memref<1x80xi32, #tpu.memory_space<vmem>> -> memref<80xi32, #tpu.memory_space<vmem>>
        %dma_wait3A_301 = arith.constant 0 : i32
        %dma_wait3A_302 = arith.constant 0 : i32
        %dma_wait3A_303 = tpu.memref_slice %arg9[%dma_wait3A_301, %dma_wait3A_302] : memref<10112x80xf32, #tpu.memory_space<vmem_shared>> -> memref<10112x80xf32, #tpu.memory_space<vmem_shared>>
        tpu.wait_indirect_dma semaphore(%arg19 : memref<!tpu.dma_semaphore, #tpu.memory_space<semaphore_mem>>) src(%dma_wait3A_297 : memref<80x80xf32, #tpu.memory_space<vmem>>) dst(%dma_wait3A_303 : memref<10112x80xf32, #tpu.memory_space<vmem_shared>>)
        %add3A_304 = arith.constant 5 : i32
        %add3A_305 = arith.addi %add3A_287, %add3A_304 : i32
        %dma_start3A_306 = arith.constant 4 : i32
        %dma_start3A_307 = arith.constant 0 : i32
        %dma_start3A_308 = arith.constant 0 : i32
        %dma_start3A_309 = tpu.memref_slice %arg8[%dma_start3A_306, %dma_start3A_307, %dma_start3A_308] : memref<5x80x80xf32, #tpu.memory_space<vmem>> -> memref<1x80x80xf32, #tpu.memory_space<vmem>>
        %dma_start3A_310 = tpu.memref_squeeze %dma_start3A_309 : memref<1x80x80xf32, #tpu.memory_space<vmem>> -> memref<80x80xf32, #tpu.memory_space<vmem>>
        %dma_start3A_311 = arith.constant 0 : i32
        %dma_start3A_312 = tpu.memref_slice %arg6[%add3A_305, %dma_start3A_311] : memref<125x80xi32, #tpu.memory_space<vmem>> -> memref<1x80xi32, #tpu.memory_space<vmem>>
        %dma_start3A_313 = tpu.memref_squeeze %dma_start3A_312 : memref<1x80xi32, #tpu.memory_space<vmem>> -> memref<80xi32, #tpu.memory_space<vmem>>
        %dma_start3A_314 = arith.constant 0 : i32
        %dma_start3A_315 = arith.constant 0 : i32
        %dma_start3A_316 = tpu.memref_slice %arg2[%dma_start3A_314, %dma_start3A_315] : memref<10112x80xf32, #tpu.memory_space<hbm>> -> memref<10112x80xf32, #tpu.memory_space<hbm>>
        tpu.enqueue_indirect_dma source(%dma_start3A_316 : memref<10112x80xf32, #tpu.memory_space<hbm>>) target(%dma_start3A_310 : memref<80x80xf32, #tpu.memory_space<vmem>>) offsets(%dma_start3A_313 : memref<80xi32, #tpu.memory_space<vmem>>) semaphore(%arg14 : memref<!tpu.dma_semaphore, #tpu.memory_space<semaphore_mem>>)
      } else {
      }
    }
    %scan3A_73 = arith.constant 25 : i32
    %dma_wait3A = arith.constant 0 : i32
    %dma_wait3A_74 = arith.constant 120 : i32
    %dma_wait3A_75 = arith.constant 0 : i32
    %dma_wait3A_76 = arith.constant 0 : i32
    %dma_wait3A_77 = tpu.memref_slice %arg8[%dma_wait3A, %dma_wait3A_75, %dma_wait3A_76] : memref<5x80x80xf32, #tpu.memory_space<vmem>> -> memref<1x80x80xf32, #tpu.memory_space<vmem>>
    %dma_wait3A_78 = tpu.memref_squeeze %dma_wait3A_77 : memref<1x80x80xf32, #tpu.memory_space<vmem>> -> memref<80x80xf32, #tpu.memory_space<vmem>>
    %dma_wait3A_79 = arith.constant 0 : i32
    %dma_wait3A_80 = tpu.memref_slice %arg7[%dma_wait3A_74, %dma_wait3A_79] : memref<125x80xi32, #tpu.memory_space<vmem>> -> memref<1x80xi32, #tpu.memory_space<vmem>>
    %dma_wait3A_81 = tpu.memref_squeeze %dma_wait3A_80 : memref<1x80xi32, #tpu.memory_space<vmem>> -> memref<80xi32, #tpu.memory_space<vmem>>
    %dma_wait3A_82 = arith.constant 0 : i32
    %dma_wait3A_83 = arith.constant 0 : i32
    %dma_wait3A_84 = tpu.memref_slice %arg9[%dma_wait3A_82, %dma_wait3A_83] : memref<10112x80xf32, #tpu.memory_space<vmem_shared>> -> memref<10112x80xf32, #tpu.memory_space<vmem_shared>>
    tpu.wait_indirect_dma semaphore(%arg15 : memref<!tpu.dma_semaphore, #tpu.memory_space<semaphore_mem>>) src(%dma_wait3A_78 : memref<80x80xf32, #tpu.memory_space<vmem>>) dst(%dma_wait3A_84 : memref<10112x80xf32, #tpu.memory_space<vmem_shared>>)
    %dma_wait3A_85 = arith.constant 1 : i32
    %dma_wait3A_86 = arith.constant 121 : i32
    %dma_wait3A_87 = arith.constant 0 : i32
    %dma_wait3A_88 = arith.constant 0 : i32
    %dma_wait3A_89 = tpu.memref_slice %arg8[%dma_wait3A_85, %dma_wait3A_87, %dma_wait3A_88] : memref<5x80x80xf32, #tpu.memory_space<vmem>> -> memref<1x80x80xf32, #tpu.memory_space<vmem>>
    %dma_wait3A_90 = tpu.memref_squeeze %dma_wait3A_89 : memref<1x80x80xf32, #tpu.memory_space<vmem>> -> memref<80x80xf32, #tpu.memory_space<vmem>>
    %dma_wait3A_91 = arith.constant 0 : i32
    %dma_wait3A_92 = tpu.memref_slice %arg7[%dma_wait3A_86, %dma_wait3A_91] : memref<125x80xi32, #tpu.memory_space<vmem>> -> memref<1x80xi32, #tpu.memory_space<vmem>>
    %dma_wait3A_93 = tpu.memref_squeeze %dma_wait3A_92 : memref<1x80xi32, #tpu.memory_space<vmem>> -> memref<80xi32, #tpu.memory_space<vmem>>
    %dma_wait3A_94 = arith.constant 0 : i32
    %dma_wait3A_95 = arith.constant 0 : i32
    %dma_wait3A_96 = tpu.memref_slice %arg9[%dma_wait3A_94, %dma_wait3A_95] : memref<10112x80xf32, #tpu.memory_space<vmem_shared>> -> memref<10112x80xf32, #tpu.memory_space<vmem_shared>>
    tpu.wait_indirect_dma semaphore(%arg16 : memref<!tpu.dma_semaphore, #tpu.memory_space<semaphore_mem>>) src(%dma_wait3A_90 : memref<80x80xf32, #tpu.memory_space<vmem>>) dst(%dma_wait3A_96 : memref<10112x80xf32, #tpu.memory_space<vmem_shared>>)
    %dma_wait3A_97 = arith.constant 2 : i32
    %dma_wait3A_98 = arith.constant 122 : i32
    %dma_wait3A_99 = arith.constant 0 : i32
    %dma_wait3A_100 = arith.constant 0 : i32
    %dma_wait3A_101 = tpu.memref_slice %arg8[%dma_wait3A_97, %dma_wait3A_99, %dma_wait3A_100] : memref<5x80x80xf32, #tpu.memory_space<vmem>> -> memref<1x80x80xf32, #tpu.memory_space<vmem>>
    %dma_wait3A_102 = tpu.memref_squeeze %dma_wait3A_101 : memref<1x80x80xf32, #tpu.memory_space<vmem>> -> memref<80x80xf32, #tpu.memory_space<vmem>>
    %dma_wait3A_103 = arith.constant 0 : i32
    %dma_wait3A_104 = tpu.memref_slice %arg7[%dma_wait3A_98, %dma_wait3A_103] : memref<125x80xi32, #tpu.memory_space<vmem>> -> memref<1x80xi32, #tpu.memory_space<vmem>>
    %dma_wait3A_105 = tpu.memref_squeeze %dma_wait3A_104 : memref<1x80xi32, #tpu.memory_space<vmem>> -> memref<80xi32, #tpu.memory_space<vmem>>
    %dma_wait3A_106 = arith.constant 0 : i32
    %dma_wait3A_107 = arith.constant 0 : i32
    %dma_wait3A_108 = tpu.memref_slice %arg9[%dma_wait3A_106, %dma_wait3A_107] : memref<10112x80xf32, #tpu.memory_space<vmem_shared>> -> memref<10112x80xf32, #tpu.memory_space<vmem_shared>>
    tpu.wait_indirect_dma semaphore(%arg17 : memref<!tpu.dma_semaphore, #tpu.memory_space<semaphore_mem>>) src(%dma_wait3A_102 : memref<80x80xf32, #tpu.memory_space<vmem>>) dst(%dma_wait3A_108 : memref<10112x80xf32, #tpu.memory_space<vmem_shared>>)
    %dma_wait3A_109 = arith.constant 3 : i32
    %dma_wait3A_110 = arith.constant 123 : i32
    %dma_wait3A_111 = arith.constant 0 : i32
    %dma_wait3A_112 = arith.constant 0 : i32
    %dma_wait3A_113 = tpu.memref_slice %arg8[%dma_wait3A_109, %dma_wait3A_111, %dma_wait3A_112] : memref<5x80x80xf32, #tpu.memory_space<vmem>> -> memref<1x80x80xf32, #tpu.memory_space<vmem>>
    %dma_wait3A_114 = tpu.memref_squeeze %dma_wait3A_113 : memref<1x80x80xf32, #tpu.memory_space<vmem>> -> memref<80x80xf32, #tpu.memory_space<vmem>>
    %dma_wait3A_115 = arith.constant 0 : i32
    %dma_wait3A_116 = tpu.memref_slice %arg7[%dma_wait3A_110, %dma_wait3A_115] : memref<125x80xi32, #tpu.memory_space<vmem>> -> memref<1x80xi32, #tpu.memory_space<vmem>>
    %dma_wait3A_117 = tpu.memref_squeeze %dma_wait3A_116 : memref<1x80xi32, #tpu.memory_space<vmem>> -> memref<80xi32, #tpu.memory_space<vmem>>
    %dma_wait3A_118 = arith.constant 0 : i32
    %dma_wait3A_119 = arith.constant 0 : i32
    %dma_wait3A_120 = tpu.memref_slice %arg9[%dma_wait3A_118, %dma_wait3A_119] : memref<10112x80xf32, #tpu.memory_space<vmem_shared>> -> memref<10112x80xf32, #tpu.memory_space<vmem_shared>>
    tpu.wait_indirect_dma semaphore(%arg18 : memref<!tpu.dma_semaphore, #tpu.memory_space<semaphore_mem>>) src(%dma_wait3A_114 : memref<80x80xf32, #tpu.memory_space<vmem>>) dst(%dma_wait3A_120 : memref<10112x80xf32, #tpu.memory_space<vmem_shared>>)
    %dma_wait3A_121 = arith.constant 4 : i32
    %dma_wait3A_122 = arith.constant 124 : i32
    %dma_wait3A_123 = arith.constant 0 : i32
    %dma_wait3A_124 = arith.constant 0 : i32
    %dma_wait3A_125 = tpu.memref_slice %arg8[%dma_wait3A_121, %dma_wait3A_123, %dma_wait3A_124] : memref<5x80x80xf32, #tpu.memory_space<vmem>> -> memref<1x80x80xf32, #tpu.memory_space<vmem>>
    %dma_wait3A_126 = tpu.memref_squeeze %dma_wait3A_125 : memref<1x80x80xf32, #tpu.memory_space<vmem>> -> memref<80x80xf32, #tpu.memory_space<vmem>>
    %dma_wait3A_127 = arith.constant 0 : i32
    %dma_wait3A_128 = tpu.memref_slice %arg7[%dma_wait3A_122, %dma_wait3A_127] : memref<125x80xi32, #tpu.memory_space<vmem>> -> memref<1x80xi32, #tpu.memory_space<vmem>>
    %dma_wait3A_129 = tpu.memref_squeeze %dma_wait3A_128 : memref<1x80xi32, #tpu.memory_space<vmem>> -> memref<80xi32, #tpu.memory_space<vmem>>
    %dma_wait3A_130 = arith.constant 0 : i32
    %dma_wait3A_131 = arith.constant 0 : i32
    %dma_wait3A_132 = tpu.memref_slice %arg9[%dma_wait3A_130, %dma_wait3A_131] : memref<10112x80xf32, #tpu.memory_space<vmem_shared>> -> memref<10112x80xf32, #tpu.memory_space<vmem_shared>>
    tpu.wait_indirect_dma semaphore(%arg19 : memref<!tpu.dma_semaphore, #tpu.memory_space<semaphore_mem>>) src(%dma_wait3A_126 : memref<80x80xf32, #tpu.memory_space<vmem>>) dst(%dma_wait3A_132 : memref<10112x80xf32, #tpu.memory_space<vmem_shared>>)
    %barrier3A_133 = arith.constant 0 : index
    tpu.barrier barrier_id(%barrier3A_133)
    %mul3A_134 = arith.constant 632 : i32
    %mul3A_135 = arith.muli %arg1, %mul3A_134 : i32
    %mul3A_136 = arith.constant 632 : i32
    %mul3A_137 = arith.muli %arg1, %mul3A_136 : i32
    "tpu.region"() ({
      %run_scoped3A_138 = tpu.sem_alloc : memref<!tpu.dma_semaphore, #tpu.memory_space<semaphore_mem>>
      %dma_start3A_139 = arith.constant 0 : i32
      %dma_start3A_140 = tpu.memref_slice %arg5[%arg0, %mul3A_137, %dma_start3A_139] : memref<2x10112x80xf32, #tpu.memory_space<hbm>> -> memref<1x632x80xf32, #tpu.memory_space<hbm>>
      %dma_start3A_141 = tpu.memref_squeeze %dma_start3A_140 : memref<1x632x80xf32, #tpu.memory_space<hbm>> -> memref<632x80xf32, #tpu.memory_space<hbm>>
      %dma_start3A_142 = arith.constant 0 : i32
      %dma_start3A_143 = tpu.memref_slice %arg9[%mul3A_135, %dma_start3A_142] : memref<10112x80xf32, #tpu.memory_space<vmem_shared>> -> memref<632x80xf32, #tpu.memory_space<vmem_shared>>
      tpu.enqueue_dma source(%dma_start3A_143 : memref<632x80xf32, #tpu.memory_space<vmem_shared>>) target(%dma_start3A_141 : memref<632x80xf32, #tpu.memory_space<hbm>>) target_semaphore(%run_scoped3A_138 : memref<!tpu.dma_semaphore, #tpu.memory_space<semaphore_mem>>)
      %dma_wait3A_144 = arith.constant 0 : i32
      %dma_wait3A_145 = tpu.memref_slice %arg5[%arg0, %mul3A_137, %dma_wait3A_144] : memref<2x10112x80xf32, #tpu.memory_space<hbm>> -> memref<1x632x80xf32, #tpu.memory_space<hbm>>
      %dma_wait3A_146 = tpu.memref_squeeze %dma_wait3A_145 : memref<1x632x80xf32, #tpu.memory_space<hbm>> -> memref<632x80xf32, #tpu.memory_space<hbm>>
      %dma_wait3A_147 = arith.constant 0 : i32
      %dma_wait3A_148 = tpu.memref_slice %arg9[%mul3A_135, %dma_wait3A_147] : memref<10112x80xf32, #tpu.memory_space<vmem_shared>> -> memref<632x80xf32, #tpu.memory_space<vmem_shared>>
      tpu.wait_dma2 semaphore(%run_scoped3A_138 : memref<!tpu.dma_semaphore, #tpu.memory_space<semaphore_mem>>) src(%dma_wait3A_148 : memref<632x80xf32, #tpu.memory_space<vmem_shared>>) dst(%dma_wait3A_146 : memref<632x80xf32, #tpu.memory_space<hbm>>)
      tpu.yield
    }) : () -> ()
    return
  }
}

#map = affine_map<(d0, d1) -> (0, 0)>
#map1 = affine_map<(d0, d1) -> (0, 0, 0)>
module attributes {stable_mosaic.version = 14 : i64} {
  func.func @agg(%arg0: i32, %arg1: i32, %arg2: memref<10112x64xf32, #tpu.memory_space<hbm>>, %arg3: memref<2x4000x80xi32, #tpu.memory_space<hbm>>, %arg4: memref<10112x64xf32, #tpu.memory_space<hbm>>, %arg5: memref<2x10112x64xf32, #tpu.memory_space<hbm>>, %arg6: memref<125x80xi32, #tpu.memory_space<vmem>>, %arg7: memref<125x80xi32, #tpu.memory_space<vmem>>, %arg8: memref<5x80x64xf32, #tpu.memory_space<vmem>>, %arg9: memref<10112x64xf32, #tpu.memory_space<vmem_shared>>, %arg10: memref<!tpu.dma_semaphore, #tpu.memory_space<semaphore_mem>>, %arg11: memref<!tpu.dma_semaphore, #tpu.memory_space<semaphore_mem>>, %arg12: memref<!tpu.dma_semaphore, #tpu.memory_space<semaphore_mem>>, %arg13: memref<!tpu.dma_semaphore, #tpu.memory_space<semaphore_mem>>, %arg14: memref<!tpu.dma_semaphore, #tpu.memory_space<semaphore_mem>>, %arg15: memref<!tpu.dma_semaphore, #tpu.memory_space<semaphore_mem>>, %arg16: memref<!tpu.dma_semaphore, #tpu.memory_space<semaphore_mem>>, %arg17: memref<!tpu.dma_semaphore, #tpu.memory_space<semaphore_mem>>, %arg18: memref<!tpu.dma_semaphore, #tpu.memory_space<semaphore_mem>>, %arg19: memref<!tpu.dma_semaphore, #tpu.memory_space<semaphore_mem>>) attributes {dimension_semantics = [#tpu.dimension_semantics<core_parallel>, #tpu.dimension_semantics<subcore_parallel>], iteration_bounds = array<i64: 2, 16>, scalar_prefetch = 0 : i64, scratch_operands = 14 : i64, tpu.core_type = #tpu.core_type<sc_vector_subcore>, window_params = [{transform_indices = #map}, {transform_indices = #map1}, {transform_indices = #map}, {transform_indices = #map1}]} {
    %mul3A = arith.constant 2 : i32
    %mul3A_0 = arith.muli %arg1, %mul3A : i32
    %add3A = arith.addi %mul3A_0, %arg0 : i32
    %mul3A_1 = arith.constant 632 : i32
    %mul3A_2 = arith.muli %arg1, %mul3A_1 : i32
    %mul3A_3 = arith.constant 632 : i32
    %mul3A_4 = arith.muli %arg1, %mul3A_3 : i32
    "tpu.region"() ({
      %run_scoped3A_138 = tpu.sem_alloc : memref<!tpu.dma_semaphore, #tpu.memory_space<semaphore_mem>>
      %dma_start3A_139 = arith.constant 0 : i32
      %dma_start3A_140 = tpu.memref_slice %arg9[%mul3A_4, %dma_start3A_139] : memref<10112x64xf32, #tpu.memory_space<vmem_shared>> -> memref<632x64xf32, #tpu.memory_space<vmem_shared>>
      %dma_start3A_141 = arith.constant 0 : i32
      %dma_start3A_142 = tpu.memref_slice %arg4[%mul3A_2, %dma_start3A_141] : memref<10112x64xf32, #tpu.memory_space<hbm>> -> memref<632x64xf32, #tpu.memory_space<hbm>>
      tpu.enqueue_dma source(%dma_start3A_142 : memref<632x64xf32, #tpu.memory_space<hbm>>) target(%dma_start3A_140 : memref<632x64xf32, #tpu.memory_space<vmem_shared>>) target_semaphore(%run_scoped3A_138 : memref<!tpu.dma_semaphore, #tpu.memory_space<semaphore_mem>>)
      %dma_wait3A_143 = arith.constant 0 : i32
      %dma_wait3A_144 = tpu.memref_slice %arg9[%mul3A_4, %dma_wait3A_143] : memref<10112x64xf32, #tpu.memory_space<vmem_shared>> -> memref<632x64xf32, #tpu.memory_space<vmem_shared>>
      %dma_wait3A_145 = arith.constant 0 : i32
      %dma_wait3A_146 = tpu.memref_slice %arg4[%mul3A_2, %dma_wait3A_145] : memref<10112x64xf32, #tpu.memory_space<hbm>> -> memref<632x64xf32, #tpu.memory_space<hbm>>
      tpu.wait_dma2 semaphore(%run_scoped3A_138 : memref<!tpu.dma_semaphore, #tpu.memory_space<semaphore_mem>>) src(%dma_wait3A_146 : memref<632x64xf32, #tpu.memory_space<hbm>>) dst(%dma_wait3A_144 : memref<632x64xf32, #tpu.memory_space<vmem_shared>>)
      tpu.yield
    }) : () -> ()
    %mul3A_5 = arith.constant 125 : i32
    %mul3A_6 = arith.muli %add3A, %mul3A_5 : i32
    %run_scoped3A = arith.constant 0 : i32
    "tpu.region"() ({
      %run_scoped3A_138 = tpu.sem_alloc : memref<!tpu.dma_semaphore, #tpu.memory_space<semaphore_mem>>
      %dma_start3A_139 = arith.constant 0 : i32
      %dma_start3A_140 = tpu.memref_slice %arg3[%run_scoped3A, %mul3A_6, %dma_start3A_139] : memref<2x4000x80xi32, #tpu.memory_space<hbm>> -> memref<1x125x80xi32, #tpu.memory_space<hbm>>
      %dma_start3A_141 = tpu.memref_squeeze %dma_start3A_140 : memref<1x125x80xi32, #tpu.memory_space<hbm>> -> memref<125x80xi32, #tpu.memory_space<hbm>>
      %dma_start3A_142 = arith.constant 0 : i32
      %dma_start3A_143 = tpu.memref_slice %arg3[%run_scoped3A, %mul3A_6, %dma_start3A_142] : memref<2x4000x80xi32, #tpu.memory_space<hbm>> -> memref<1x125x80xi32, #tpu.memory_space<hbm>>
      %dma_start3A_144 = tpu.memref_squeeze %dma_start3A_143 : memref<1x125x80xi32, #tpu.memory_space<hbm>> -> memref<125x80xi32, #tpu.memory_space<hbm>>
      tpu.enqueue_dma source(%dma_start3A_144 : memref<125x80xi32, #tpu.memory_space<hbm>>) target(%arg6 : memref<125x80xi32, #tpu.memory_space<vmem>>) target_semaphore(%run_scoped3A_138 : memref<!tpu.dma_semaphore, #tpu.memory_space<semaphore_mem>>)
      %dma_wait3A_145 = arith.constant 0 : i32
      %dma_wait3A_146 = tpu.memref_slice %arg3[%run_scoped3A, %mul3A_6, %dma_wait3A_145] : memref<2x4000x80xi32, #tpu.memory_space<hbm>> -> memref<1x125x80xi32, #tpu.memory_space<hbm>>
      %dma_wait3A_147 = tpu.memref_squeeze %dma_wait3A_146 : memref<1x125x80xi32, #tpu.memory_space<hbm>> -> memref<125x80xi32, #tpu.memory_space<hbm>>
      %dma_wait3A_148 = arith.constant 0 : i32
      %dma_wait3A_149 = tpu.memref_slice %arg3[%run_scoped3A, %mul3A_6, %dma_wait3A_148] : memref<2x4000x80xi32, #tpu.memory_space<hbm>> -> memref<1x125x80xi32, #tpu.memory_space<hbm>>
      %dma_wait3A_150 = tpu.memref_squeeze %dma_wait3A_149 : memref<1x125x80xi32, #tpu.memory_space<hbm>> -> memref<125x80xi32, #tpu.memory_space<hbm>>
      tpu.wait_dma2 semaphore(%run_scoped3A_138 : memref<!tpu.dma_semaphore, #tpu.memory_space<semaphore_mem>>) src(%dma_wait3A_150 : memref<125x80xi32, #tpu.memory_space<hbm>>) dst(%arg6 : memref<125x80xi32, #tpu.memory_space<vmem>>)
      tpu.yield
    }) : () -> ()
    %mul3A_7 = arith.constant 125 : i32
    %mul3A_8 = arith.muli %add3A, %mul3A_7 : i32
    %run_scoped3A_9 = arith.constant 1 : i32
    "tpu.region"() ({
      %run_scoped3A_138 = tpu.sem_alloc : memref<!tpu.dma_semaphore, #tpu.memory_space<semaphore_mem>>
      %dma_start3A_139 = arith.constant 0 : i32
      %dma_start3A_140 = tpu.memref_slice %arg3[%run_scoped3A_9, %mul3A_8, %dma_start3A_139] : memref<2x4000x80xi32, #tpu.memory_space<hbm>> -> memref<1x125x80xi32, #tpu.memory_space<hbm>>
      %dma_start3A_141 = tpu.memref_squeeze %dma_start3A_140 : memref<1x125x80xi32, #tpu.memory_space<hbm>> -> memref<125x80xi32, #tpu.memory_space<hbm>>
      %dma_start3A_142 = arith.constant 0 : i32
      %dma_start3A_143 = tpu.memref_slice %arg3[%run_scoped3A_9, %mul3A_8, %dma_start3A_142] : memref<2x4000x80xi32, #tpu.memory_space<hbm>> -> memref<1x125x80xi32, #tpu.memory_space<hbm>>
      %dma_start3A_144 = tpu.memref_squeeze %dma_start3A_143 : memref<1x125x80xi32, #tpu.memory_space<hbm>> -> memref<125x80xi32, #tpu.memory_space<hbm>>
      tpu.enqueue_dma source(%dma_start3A_144 : memref<125x80xi32, #tpu.memory_space<hbm>>) target(%arg7 : memref<125x80xi32, #tpu.memory_space<vmem>>) target_semaphore(%run_scoped3A_138 : memref<!tpu.dma_semaphore, #tpu.memory_space<semaphore_mem>>)
      %dma_wait3A_145 = arith.constant 0 : i32
      %dma_wait3A_146 = tpu.memref_slice %arg3[%run_scoped3A_9, %mul3A_8, %dma_wait3A_145] : memref<2x4000x80xi32, #tpu.memory_space<hbm>> -> memref<1x125x80xi32, #tpu.memory_space<hbm>>
      %dma_wait3A_147 = tpu.memref_squeeze %dma_wait3A_146 : memref<1x125x80xi32, #tpu.memory_space<hbm>> -> memref<125x80xi32, #tpu.memory_space<hbm>>
      %dma_wait3A_148 = arith.constant 0 : i32
      %dma_wait3A_149 = tpu.memref_slice %arg3[%run_scoped3A_9, %mul3A_8, %dma_wait3A_148] : memref<2x4000x80xi32, #tpu.memory_space<hbm>> -> memref<1x125x80xi32, #tpu.memory_space<hbm>>
      %dma_wait3A_150 = tpu.memref_squeeze %dma_wait3A_149 : memref<1x125x80xi32, #tpu.memory_space<hbm>> -> memref<125x80xi32, #tpu.memory_space<hbm>>
      tpu.wait_dma2 semaphore(%run_scoped3A_138 : memref<!tpu.dma_semaphore, #tpu.memory_space<semaphore_mem>>) src(%dma_wait3A_150 : memref<125x80xi32, #tpu.memory_space<hbm>>) dst(%arg7 : memref<125x80xi32, #tpu.memory_space<vmem>>)
      tpu.yield
    }) : () -> ()
    %dma_start3A = arith.constant 0 : i32
    %dma_start3A_10 = arith.constant 0 : i32
    %dma_start3A_11 = arith.constant 0 : i32
    %dma_start3A_12 = arith.constant 0 : i32
    %dma_start3A_13 = tpu.memref_slice %arg8[%dma_start3A_10, %dma_start3A_11, %dma_start3A_12] : memref<5x80x64xf32, #tpu.memory_space<vmem>> -> memref<1x80x64xf32, #tpu.memory_space<vmem>>
    %dma_start3A_14 = tpu.memref_squeeze %dma_start3A_13 : memref<1x80x64xf32, #tpu.memory_space<vmem>> -> memref<80x64xf32, #tpu.memory_space<vmem>>
    %dma_start3A_15 = arith.constant 0 : i32
    %dma_start3A_16 = tpu.memref_slice %arg6[%dma_start3A, %dma_start3A_15] : memref<125x80xi32, #tpu.memory_space<vmem>> -> memref<1x80xi32, #tpu.memory_space<vmem>>
    %dma_start3A_17 = tpu.memref_squeeze %dma_start3A_16 : memref<1x80xi32, #tpu.memory_space<vmem>> -> memref<80xi32, #tpu.memory_space<vmem>>
    %dma_start3A_18 = arith.constant 0 : i32
    %dma_start3A_19 = arith.constant 0 : i32
    %dma_start3A_20 = tpu.memref_slice %arg2[%dma_start3A_18, %dma_start3A_19] : memref<10112x64xf32, #tpu.memory_space<hbm>> -> memref<10112x64xf32, #tpu.memory_space<hbm>>
    tpu.enqueue_indirect_dma source(%dma_start3A_20 : memref<10112x64xf32, #tpu.memory_space<hbm>>) target(%dma_start3A_14 : memref<80x64xf32, #tpu.memory_space<vmem>>) offsets(%dma_start3A_17 : memref<80xi32, #tpu.memory_space<vmem>>) semaphore(%arg10 : memref<!tpu.dma_semaphore, #tpu.memory_space<semaphore_mem>>)
    %dma_start3A_21 = arith.constant 1 : i32
    %dma_start3A_22 = arith.constant 1 : i32
    %dma_start3A_23 = arith.constant 0 : i32
    %dma_start3A_24 = arith.constant 0 : i32
    %dma_start3A_25 = tpu.memref_slice %arg8[%dma_start3A_22, %dma_start3A_23, %dma_start3A_24] : memref<5x80x64xf32, #tpu.memory_space<vmem>> -> memref<1x80x64xf32, #tpu.memory_space<vmem>>
    %dma_start3A_26 = tpu.memref_squeeze %dma_start3A_25 : memref<1x80x64xf32, #tpu.memory_space<vmem>> -> memref<80x64xf32, #tpu.memory_space<vmem>>
    %dma_start3A_27 = arith.constant 0 : i32
    %dma_start3A_28 = tpu.memref_slice %arg6[%dma_start3A_21, %dma_start3A_27] : memref<125x80xi32, #tpu.memory_space<vmem>> -> memref<1x80xi32, #tpu.memory_space<vmem>>
    %dma_start3A_29 = tpu.memref_squeeze %dma_start3A_28 : memref<1x80xi32, #tpu.memory_space<vmem>> -> memref<80xi32, #tpu.memory_space<vmem>>
    %dma_start3A_30 = arith.constant 0 : i32
    %dma_start3A_31 = arith.constant 0 : i32
    %dma_start3A_32 = tpu.memref_slice %arg2[%dma_start3A_30, %dma_start3A_31] : memref<10112x64xf32, #tpu.memory_space<hbm>> -> memref<10112x64xf32, #tpu.memory_space<hbm>>
    tpu.enqueue_indirect_dma source(%dma_start3A_32 : memref<10112x64xf32, #tpu.memory_space<hbm>>) target(%dma_start3A_26 : memref<80x64xf32, #tpu.memory_space<vmem>>) offsets(%dma_start3A_29 : memref<80xi32, #tpu.memory_space<vmem>>) semaphore(%arg11 : memref<!tpu.dma_semaphore, #tpu.memory_space<semaphore_mem>>)
    %dma_start3A_33 = arith.constant 2 : i32
    %dma_start3A_34 = arith.constant 2 : i32
    %dma_start3A_35 = arith.constant 0 : i32
    %dma_start3A_36 = arith.constant 0 : i32
    %dma_start3A_37 = tpu.memref_slice %arg8[%dma_start3A_34, %dma_start3A_35, %dma_start3A_36] : memref<5x80x64xf32, #tpu.memory_space<vmem>> -> memref<1x80x64xf32, #tpu.memory_space<vmem>>
    %dma_start3A_38 = tpu.memref_squeeze %dma_start3A_37 : memref<1x80x64xf32, #tpu.memory_space<vmem>> -> memref<80x64xf32, #tpu.memory_space<vmem>>
    %dma_start3A_39 = arith.constant 0 : i32
    %dma_start3A_40 = tpu.memref_slice %arg6[%dma_start3A_33, %dma_start3A_39] : memref<125x80xi32, #tpu.memory_space<vmem>> -> memref<1x80xi32, #tpu.memory_space<vmem>>
    %dma_start3A_41 = tpu.memref_squeeze %dma_start3A_40 : memref<1x80xi32, #tpu.memory_space<vmem>> -> memref<80xi32, #tpu.memory_space<vmem>>
    %dma_start3A_42 = arith.constant 0 : i32
    %dma_start3A_43 = arith.constant 0 : i32
    %dma_start3A_44 = tpu.memref_slice %arg2[%dma_start3A_42, %dma_start3A_43] : memref<10112x64xf32, #tpu.memory_space<hbm>> -> memref<10112x64xf32, #tpu.memory_space<hbm>>
    tpu.enqueue_indirect_dma source(%dma_start3A_44 : memref<10112x64xf32, #tpu.memory_space<hbm>>) target(%dma_start3A_38 : memref<80x64xf32, #tpu.memory_space<vmem>>) offsets(%dma_start3A_41 : memref<80xi32, #tpu.memory_space<vmem>>) semaphore(%arg12 : memref<!tpu.dma_semaphore, #tpu.memory_space<semaphore_mem>>)
    %dma_start3A_45 = arith.constant 3 : i32
    %dma_start3A_46 = arith.constant 3 : i32
    %dma_start3A_47 = arith.constant 0 : i32
    %dma_start3A_48 = arith.constant 0 : i32
    %dma_start3A_49 = tpu.memref_slice %arg8[%dma_start3A_46, %dma_start3A_47, %dma_start3A_48] : memref<5x80x64xf32, #tpu.memory_space<vmem>> -> memref<1x80x64xf32, #tpu.memory_space<vmem>>
    %dma_start3A_50 = tpu.memref_squeeze %dma_start3A_49 : memref<1x80x64xf32, #tpu.memory_space<vmem>> -> memref<80x64xf32, #tpu.memory_space<vmem>>
    %dma_start3A_51 = arith.constant 0 : i32
    %dma_start3A_52 = tpu.memref_slice %arg6[%dma_start3A_45, %dma_start3A_51] : memref<125x80xi32, #tpu.memory_space<vmem>> -> memref<1x80xi32, #tpu.memory_space<vmem>>
    %dma_start3A_53 = tpu.memref_squeeze %dma_start3A_52 : memref<1x80xi32, #tpu.memory_space<vmem>> -> memref<80xi32, #tpu.memory_space<vmem>>
    %dma_start3A_54 = arith.constant 0 : i32
    %dma_start3A_55 = arith.constant 0 : i32
    %dma_start3A_56 = tpu.memref_slice %arg2[%dma_start3A_54, %dma_start3A_55] : memref<10112x64xf32, #tpu.memory_space<hbm>> -> memref<10112x64xf32, #tpu.memory_space<hbm>>
    tpu.enqueue_indirect_dma source(%dma_start3A_56 : memref<10112x64xf32, #tpu.memory_space<hbm>>) target(%dma_start3A_50 : memref<80x64xf32, #tpu.memory_space<vmem>>) offsets(%dma_start3A_53 : memref<80xi32, #tpu.memory_space<vmem>>) semaphore(%arg13 : memref<!tpu.dma_semaphore, #tpu.memory_space<semaphore_mem>>)
    %dma_start3A_57 = arith.constant 4 : i32
    %dma_start3A_58 = arith.constant 4 : i32
    %dma_start3A_59 = arith.constant 0 : i32
    %dma_start3A_60 = arith.constant 0 : i32
    %dma_start3A_61 = tpu.memref_slice %arg8[%dma_start3A_58, %dma_start3A_59, %dma_start3A_60] : memref<5x80x64xf32, #tpu.memory_space<vmem>> -> memref<1x80x64xf32, #tpu.memory_space<vmem>>
    %dma_start3A_62 = tpu.memref_squeeze %dma_start3A_61 : memref<1x80x64xf32, #tpu.memory_space<vmem>> -> memref<80x64xf32, #tpu.memory_space<vmem>>
    %dma_start3A_63 = arith.constant 0 : i32
    %dma_start3A_64 = tpu.memref_slice %arg6[%dma_start3A_57, %dma_start3A_63] : memref<125x80xi32, #tpu.memory_space<vmem>> -> memref<1x80xi32, #tpu.memory_space<vmem>>
    %dma_start3A_65 = tpu.memref_squeeze %dma_start3A_64 : memref<1x80xi32, #tpu.memory_space<vmem>> -> memref<80xi32, #tpu.memory_space<vmem>>
    %dma_start3A_66 = arith.constant 0 : i32
    %dma_start3A_67 = arith.constant 0 : i32
    %dma_start3A_68 = tpu.memref_slice %arg2[%dma_start3A_66, %dma_start3A_67] : memref<10112x64xf32, #tpu.memory_space<hbm>> -> memref<10112x64xf32, #tpu.memory_space<hbm>>
    tpu.enqueue_indirect_dma source(%dma_start3A_68 : memref<10112x64xf32, #tpu.memory_space<hbm>>) target(%dma_start3A_62 : memref<80x64xf32, #tpu.memory_space<vmem>>) offsets(%dma_start3A_65 : memref<80xi32, #tpu.memory_space<vmem>>) semaphore(%arg14 : memref<!tpu.dma_semaphore, #tpu.memory_space<semaphore_mem>>)
    %barrier3A = arith.constant 0 : index
    tpu.barrier barrier_id(%barrier3A)
    %scan3A = arith.constant 0 : i32
    %scan3A_69 = arith.constant 0 : i32
    %scan3A_70 = arith.constant 25 : i32
    %scan3A_71 = arith.addi %scan3A_69, %scan3A_70 : i32
    %scan3A_72 = arith.constant 1 : i32
    scf.for %scan3A_138 = %scan3A_69 to %scan3A_71 step %scan3A_72  : i32 {
      %mul3A_139 = arith.constant 5 : i32
      %mul3A_140 = arith.muli %scan3A_138, %mul3A_139 : i32
      %add3A_141 = arith.constant 0 : i32
      %add3A_142 = arith.addi %mul3A_140, %add3A_141 : i32
      %dma_wait3A_143 = arith.constant 0 : i32
      %dma_wait3A_144 = arith.constant 0 : i32
      %dma_wait3A_145 = arith.constant 0 : i32
      %dma_wait3A_146 = tpu.memref_slice %arg8[%dma_wait3A_143, %dma_wait3A_144, %dma_wait3A_145] : memref<5x80x64xf32, #tpu.memory_space<vmem>> -> memref<1x80x64xf32, #tpu.memory_space<vmem>>
      %dma_wait3A_147 = tpu.memref_squeeze %dma_wait3A_146 : memref<1x80x64xf32, #tpu.memory_space<vmem>> -> memref<80x64xf32, #tpu.memory_space<vmem>>
      %dma_wait3A_148 = arith.constant 0 : i32
      %dma_wait3A_149 = tpu.memref_slice %arg6[%add3A_142, %dma_wait3A_148] : memref<125x80xi32, #tpu.memory_space<vmem>> -> memref<1x80xi32, #tpu.memory_space<vmem>>
      %dma_wait3A_150 = tpu.memref_squeeze %dma_wait3A_149 : memref<1x80xi32, #tpu.memory_space<vmem>> -> memref<80xi32, #tpu.memory_space<vmem>>
      %dma_wait3A_151 = arith.constant 0 : i32
      %dma_wait3A_152 = arith.constant 0 : i32
      %dma_wait3A_153 = tpu.memref_slice %arg2[%dma_wait3A_151, %dma_wait3A_152] : memref<10112x64xf32, #tpu.memory_space<hbm>> -> memref<10112x64xf32, #tpu.memory_space<hbm>>
      tpu.wait_indirect_dma semaphore(%arg10 : memref<!tpu.dma_semaphore, #tpu.memory_space<semaphore_mem>>) src(%dma_wait3A_153 : memref<10112x64xf32, #tpu.memory_space<hbm>>) dst(%dma_wait3A_147 : memref<80x64xf32, #tpu.memory_space<vmem>>)
      %dma_start3A_154 = arith.constant 0 : i32
      %dma_start3A_155 = arith.constant 0 : i32
      %dma_start3A_156 = arith.constant 0 : i32
      %dma_start3A_157 = tpu.memref_slice %arg8[%dma_start3A_154, %dma_start3A_155, %dma_start3A_156] : memref<5x80x64xf32, #tpu.memory_space<vmem>> -> memref<1x80x64xf32, #tpu.memory_space<vmem>>
      %dma_start3A_158 = tpu.memref_squeeze %dma_start3A_157 : memref<1x80x64xf32, #tpu.memory_space<vmem>> -> memref<80x64xf32, #tpu.memory_space<vmem>>
      %dma_start3A_159 = arith.constant 0 : i32
      %dma_start3A_160 = tpu.memref_slice %arg7[%add3A_142, %dma_start3A_159] : memref<125x80xi32, #tpu.memory_space<vmem>> -> memref<1x80xi32, #tpu.memory_space<vmem>>
      %dma_start3A_161 = tpu.memref_squeeze %dma_start3A_160 : memref<1x80xi32, #tpu.memory_space<vmem>> -> memref<80xi32, #tpu.memory_space<vmem>>
      %dma_start3A_162 = arith.constant 0 : i32
      %dma_start3A_163 = arith.constant 0 : i32
      %dma_start3A_164 = tpu.memref_slice %arg9[%dma_start3A_162, %dma_start3A_163] : memref<10112x64xf32, #tpu.memory_space<vmem_shared>> -> memref<10112x64xf32, #tpu.memory_space<vmem_shared>>
      tpu.enqueue_indirect_dma source(%dma_start3A_158 : memref<80x64xf32, #tpu.memory_space<vmem>>) target(%dma_start3A_164 : memref<10112x64xf32, #tpu.memory_space<vmem_shared>>) offsets(%dma_start3A_161 : memref<80xi32, #tpu.memory_space<vmem>>) semaphore(%arg15 : memref<!tpu.dma_semaphore, #tpu.memory_space<semaphore_mem>>) {add = true}
      %add3A_165 = arith.constant 1 : i32
      %add3A_166 = arith.addi %mul3A_140, %add3A_165 : i32
      %dma_wait3A_167 = arith.constant 1 : i32
      %dma_wait3A_168 = arith.constant 0 : i32
      %dma_wait3A_169 = arith.constant 0 : i32
      %dma_wait3A_170 = tpu.memref_slice %arg8[%dma_wait3A_167, %dma_wait3A_168, %dma_wait3A_169] : memref<5x80x64xf32, #tpu.memory_space<vmem>> -> memref<1x80x64xf32, #tpu.memory_space<vmem>>
      %dma_wait3A_171 = tpu.memref_squeeze %dma_wait3A_170 : memref<1x80x64xf32, #tpu.memory_space<vmem>> -> memref<80x64xf32, #tpu.memory_space<vmem>>
      %dma_wait3A_172 = arith.constant 0 : i32
      %dma_wait3A_173 = tpu.memref_slice %arg6[%add3A_166, %dma_wait3A_172] : memref<125x80xi32, #tpu.memory_space<vmem>> -> memref<1x80xi32, #tpu.memory_space<vmem>>
      %dma_wait3A_174 = tpu.memref_squeeze %dma_wait3A_173 : memref<1x80xi32, #tpu.memory_space<vmem>> -> memref<80xi32, #tpu.memory_space<vmem>>
      %dma_wait3A_175 = arith.constant 0 : i32
      %dma_wait3A_176 = arith.constant 0 : i32
      %dma_wait3A_177 = tpu.memref_slice %arg2[%dma_wait3A_175, %dma_wait3A_176] : memref<10112x64xf32, #tpu.memory_space<hbm>> -> memref<10112x64xf32, #tpu.memory_space<hbm>>
      tpu.wait_indirect_dma semaphore(%arg11 : memref<!tpu.dma_semaphore, #tpu.memory_space<semaphore_mem>>) src(%dma_wait3A_177 : memref<10112x64xf32, #tpu.memory_space<hbm>>) dst(%dma_wait3A_171 : memref<80x64xf32, #tpu.memory_space<vmem>>)
      %dma_start3A_178 = arith.constant 1 : i32
      %dma_start3A_179 = arith.constant 0 : i32
      %dma_start3A_180 = arith.constant 0 : i32
      %dma_start3A_181 = tpu.memref_slice %arg8[%dma_start3A_178, %dma_start3A_179, %dma_start3A_180] : memref<5x80x64xf32, #tpu.memory_space<vmem>> -> memref<1x80x64xf32, #tpu.memory_space<vmem>>
      %dma_start3A_182 = tpu.memref_squeeze %dma_start3A_181 : memref<1x80x64xf32, #tpu.memory_space<vmem>> -> memref<80x64xf32, #tpu.memory_space<vmem>>
      %dma_start3A_183 = arith.constant 0 : i32
      %dma_start3A_184 = tpu.memref_slice %arg7[%add3A_166, %dma_start3A_183] : memref<125x80xi32, #tpu.memory_space<vmem>> -> memref<1x80xi32, #tpu.memory_space<vmem>>
      %dma_start3A_185 = tpu.memref_squeeze %dma_start3A_184 : memref<1x80xi32, #tpu.memory_space<vmem>> -> memref<80xi32, #tpu.memory_space<vmem>>
      %dma_start3A_186 = arith.constant 0 : i32
      %dma_start3A_187 = arith.constant 0 : i32
      %dma_start3A_188 = tpu.memref_slice %arg9[%dma_start3A_186, %dma_start3A_187] : memref<10112x64xf32, #tpu.memory_space<vmem_shared>> -> memref<10112x64xf32, #tpu.memory_space<vmem_shared>>
      tpu.enqueue_indirect_dma source(%dma_start3A_182 : memref<80x64xf32, #tpu.memory_space<vmem>>) target(%dma_start3A_188 : memref<10112x64xf32, #tpu.memory_space<vmem_shared>>) offsets(%dma_start3A_185 : memref<80xi32, #tpu.memory_space<vmem>>) semaphore(%arg16 : memref<!tpu.dma_semaphore, #tpu.memory_space<semaphore_mem>>) {add = true}
      %add3A_189 = arith.constant 2 : i32
      %add3A_190 = arith.addi %mul3A_140, %add3A_189 : i32
      %dma_wait3A_191 = arith.constant 2 : i32
      %dma_wait3A_192 = arith.constant 0 : i32
      %dma_wait3A_193 = arith.constant 0 : i32
      %dma_wait3A_194 = tpu.memref_slice %arg8[%dma_wait3A_191, %dma_wait3A_192, %dma_wait3A_193] : memref<5x80x64xf32, #tpu.memory_space<vmem>> -> memref<1x80x64xf32, #tpu.memory_space<vmem>>
      %dma_wait3A_195 = tpu.memref_squeeze %dma_wait3A_194 : memref<1x80x64xf32, #tpu.memory_space<vmem>> -> memref<80x64xf32, #tpu.memory_space<vmem>>
      %dma_wait3A_196 = arith.constant 0 : i32
      %dma_wait3A_197 = tpu.memref_slice %arg6[%add3A_190, %dma_wait3A_196] : memref<125x80xi32, #tpu.memory_space<vmem>> -> memref<1x80xi32, #tpu.memory_space<vmem>>
      %dma_wait3A_198 = tpu.memref_squeeze %dma_wait3A_197 : memref<1x80xi32, #tpu.memory_space<vmem>> -> memref<80xi32, #tpu.memory_space<vmem>>
      %dma_wait3A_199 = arith.constant 0 : i32
      %dma_wait3A_200 = arith.constant 0 : i32
      %dma_wait3A_201 = tpu.memref_slice %arg2[%dma_wait3A_199, %dma_wait3A_200] : memref<10112x64xf32, #tpu.memory_space<hbm>> -> memref<10112x64xf32, #tpu.memory_space<hbm>>
      tpu.wait_indirect_dma semaphore(%arg12 : memref<!tpu.dma_semaphore, #tpu.memory_space<semaphore_mem>>) src(%dma_wait3A_201 : memref<10112x64xf32, #tpu.memory_space<hbm>>) dst(%dma_wait3A_195 : memref<80x64xf32, #tpu.memory_space<vmem>>)
      %dma_start3A_202 = arith.constant 2 : i32
      %dma_start3A_203 = arith.constant 0 : i32
      %dma_start3A_204 = arith.constant 0 : i32
      %dma_start3A_205 = tpu.memref_slice %arg8[%dma_start3A_202, %dma_start3A_203, %dma_start3A_204] : memref<5x80x64xf32, #tpu.memory_space<vmem>> -> memref<1x80x64xf32, #tpu.memory_space<vmem>>
      %dma_start3A_206 = tpu.memref_squeeze %dma_start3A_205 : memref<1x80x64xf32, #tpu.memory_space<vmem>> -> memref<80x64xf32, #tpu.memory_space<vmem>>
      %dma_start3A_207 = arith.constant 0 : i32
      %dma_start3A_208 = tpu.memref_slice %arg7[%add3A_190, %dma_start3A_207] : memref<125x80xi32, #tpu.memory_space<vmem>> -> memref<1x80xi32, #tpu.memory_space<vmem>>
      %dma_start3A_209 = tpu.memref_squeeze %dma_start3A_208 : memref<1x80xi32, #tpu.memory_space<vmem>> -> memref<80xi32, #tpu.memory_space<vmem>>
      %dma_start3A_210 = arith.constant 0 : i32
      %dma_start3A_211 = arith.constant 0 : i32
      %dma_start3A_212 = tpu.memref_slice %arg9[%dma_start3A_210, %dma_start3A_211] : memref<10112x64xf32, #tpu.memory_space<vmem_shared>> -> memref<10112x64xf32, #tpu.memory_space<vmem_shared>>
      tpu.enqueue_indirect_dma source(%dma_start3A_206 : memref<80x64xf32, #tpu.memory_space<vmem>>) target(%dma_start3A_212 : memref<10112x64xf32, #tpu.memory_space<vmem_shared>>) offsets(%dma_start3A_209 : memref<80xi32, #tpu.memory_space<vmem>>) semaphore(%arg17 : memref<!tpu.dma_semaphore, #tpu.memory_space<semaphore_mem>>) {add = true}
      %add3A_213 = arith.constant 3 : i32
      %add3A_214 = arith.addi %mul3A_140, %add3A_213 : i32
      %dma_wait3A_215 = arith.constant 3 : i32
      %dma_wait3A_216 = arith.constant 0 : i32
      %dma_wait3A_217 = arith.constant 0 : i32
      %dma_wait3A_218 = tpu.memref_slice %arg8[%dma_wait3A_215, %dma_wait3A_216, %dma_wait3A_217] : memref<5x80x64xf32, #tpu.memory_space<vmem>> -> memref<1x80x64xf32, #tpu.memory_space<vmem>>
      %dma_wait3A_219 = tpu.memref_squeeze %dma_wait3A_218 : memref<1x80x64xf32, #tpu.memory_space<vmem>> -> memref<80x64xf32, #tpu.memory_space<vmem>>
      %dma_wait3A_220 = arith.constant 0 : i32
      %dma_wait3A_221 = tpu.memref_slice %arg6[%add3A_214, %dma_wait3A_220] : memref<125x80xi32, #tpu.memory_space<vmem>> -> memref<1x80xi32, #tpu.memory_space<vmem>>
      %dma_wait3A_222 = tpu.memref_squeeze %dma_wait3A_221 : memref<1x80xi32, #tpu.memory_space<vmem>> -> memref<80xi32, #tpu.memory_space<vmem>>
      %dma_wait3A_223 = arith.constant 0 : i32
      %dma_wait3A_224 = arith.constant 0 : i32
      %dma_wait3A_225 = tpu.memref_slice %arg2[%dma_wait3A_223, %dma_wait3A_224] : memref<10112x64xf32, #tpu.memory_space<hbm>> -> memref<10112x64xf32, #tpu.memory_space<hbm>>
      tpu.wait_indirect_dma semaphore(%arg13 : memref<!tpu.dma_semaphore, #tpu.memory_space<semaphore_mem>>) src(%dma_wait3A_225 : memref<10112x64xf32, #tpu.memory_space<hbm>>) dst(%dma_wait3A_219 : memref<80x64xf32, #tpu.memory_space<vmem>>)
      %dma_start3A_226 = arith.constant 3 : i32
      %dma_start3A_227 = arith.constant 0 : i32
      %dma_start3A_228 = arith.constant 0 : i32
      %dma_start3A_229 = tpu.memref_slice %arg8[%dma_start3A_226, %dma_start3A_227, %dma_start3A_228] : memref<5x80x64xf32, #tpu.memory_space<vmem>> -> memref<1x80x64xf32, #tpu.memory_space<vmem>>
      %dma_start3A_230 = tpu.memref_squeeze %dma_start3A_229 : memref<1x80x64xf32, #tpu.memory_space<vmem>> -> memref<80x64xf32, #tpu.memory_space<vmem>>
      %dma_start3A_231 = arith.constant 0 : i32
      %dma_start3A_232 = tpu.memref_slice %arg7[%add3A_214, %dma_start3A_231] : memref<125x80xi32, #tpu.memory_space<vmem>> -> memref<1x80xi32, #tpu.memory_space<vmem>>
      %dma_start3A_233 = tpu.memref_squeeze %dma_start3A_232 : memref<1x80xi32, #tpu.memory_space<vmem>> -> memref<80xi32, #tpu.memory_space<vmem>>
      %dma_start3A_234 = arith.constant 0 : i32
      %dma_start3A_235 = arith.constant 0 : i32
      %dma_start3A_236 = tpu.memref_slice %arg9[%dma_start3A_234, %dma_start3A_235] : memref<10112x64xf32, #tpu.memory_space<vmem_shared>> -> memref<10112x64xf32, #tpu.memory_space<vmem_shared>>
      tpu.enqueue_indirect_dma source(%dma_start3A_230 : memref<80x64xf32, #tpu.memory_space<vmem>>) target(%dma_start3A_236 : memref<10112x64xf32, #tpu.memory_space<vmem_shared>>) offsets(%dma_start3A_233 : memref<80xi32, #tpu.memory_space<vmem>>) semaphore(%arg18 : memref<!tpu.dma_semaphore, #tpu.memory_space<semaphore_mem>>) {add = true}
      %add3A_237 = arith.constant 4 : i32
      %add3A_238 = arith.addi %mul3A_140, %add3A_237 : i32
      %dma_wait3A_239 = arith.constant 4 : i32
      %dma_wait3A_240 = arith.constant 0 : i32
      %dma_wait3A_241 = arith.constant 0 : i32
      %dma_wait3A_242 = tpu.memref_slice %arg8[%dma_wait3A_239, %dma_wait3A_240, %dma_wait3A_241] : memref<5x80x64xf32, #tpu.memory_space<vmem>> -> memref<1x80x64xf32, #tpu.memory_space<vmem>>
      %dma_wait3A_243 = tpu.memref_squeeze %dma_wait3A_242 : memref<1x80x64xf32, #tpu.memory_space<vmem>> -> memref<80x64xf32, #tpu.memory_space<vmem>>
      %dma_wait3A_244 = arith.constant 0 : i32
      %dma_wait3A_245 = tpu.memref_slice %arg6[%add3A_238, %dma_wait3A_244] : memref<125x80xi32, #tpu.memory_space<vmem>> -> memref<1x80xi32, #tpu.memory_space<vmem>>
      %dma_wait3A_246 = tpu.memref_squeeze %dma_wait3A_245 : memref<1x80xi32, #tpu.memory_space<vmem>> -> memref<80xi32, #tpu.memory_space<vmem>>
      %dma_wait3A_247 = arith.constant 0 : i32
      %dma_wait3A_248 = arith.constant 0 : i32
      %dma_wait3A_249 = tpu.memref_slice %arg2[%dma_wait3A_247, %dma_wait3A_248] : memref<10112x64xf32, #tpu.memory_space<hbm>> -> memref<10112x64xf32, #tpu.memory_space<hbm>>
      tpu.wait_indirect_dma semaphore(%arg14 : memref<!tpu.dma_semaphore, #tpu.memory_space<semaphore_mem>>) src(%dma_wait3A_249 : memref<10112x64xf32, #tpu.memory_space<hbm>>) dst(%dma_wait3A_243 : memref<80x64xf32, #tpu.memory_space<vmem>>)
      %dma_start3A_250 = arith.constant 4 : i32
      %dma_start3A_251 = arith.constant 0 : i32
      %dma_start3A_252 = arith.constant 0 : i32
      %dma_start3A_253 = tpu.memref_slice %arg8[%dma_start3A_250, %dma_start3A_251, %dma_start3A_252] : memref<5x80x64xf32, #tpu.memory_space<vmem>> -> memref<1x80x64xf32, #tpu.memory_space<vmem>>
      %dma_start3A_254 = tpu.memref_squeeze %dma_start3A_253 : memref<1x80x64xf32, #tpu.memory_space<vmem>> -> memref<80x64xf32, #tpu.memory_space<vmem>>
      %dma_start3A_255 = arith.constant 0 : i32
      %dma_start3A_256 = tpu.memref_slice %arg7[%add3A_238, %dma_start3A_255] : memref<125x80xi32, #tpu.memory_space<vmem>> -> memref<1x80xi32, #tpu.memory_space<vmem>>
      %dma_start3A_257 = tpu.memref_squeeze %dma_start3A_256 : memref<1x80xi32, #tpu.memory_space<vmem>> -> memref<80xi32, #tpu.memory_space<vmem>>
      %dma_start3A_258 = arith.constant 0 : i32
      %dma_start3A_259 = arith.constant 0 : i32
      %dma_start3A_260 = tpu.memref_slice %arg9[%dma_start3A_258, %dma_start3A_259] : memref<10112x64xf32, #tpu.memory_space<vmem_shared>> -> memref<10112x64xf32, #tpu.memory_space<vmem_shared>>
      tpu.enqueue_indirect_dma source(%dma_start3A_254 : memref<80x64xf32, #tpu.memory_space<vmem>>) target(%dma_start3A_260 : memref<10112x64xf32, #tpu.memory_space<vmem_shared>>) offsets(%dma_start3A_257 : memref<80xi32, #tpu.memory_space<vmem>>) semaphore(%arg19 : memref<!tpu.dma_semaphore, #tpu.memory_space<semaphore_mem>>) {add = true}
      %add3A_261 = arith.constant 0 : i32
      %add3A_262 = arith.addi %mul3A_140, %add3A_261 : i32
      %lt3A = arith.constant 24 : i32
      %lt3A_263 = arith.cmpi slt, %scan3A_138, %lt3A : i32
      %convert_element_type3A = arith.extui %lt3A_263 : i1 to i32
      %cond3A = arith.constant 0 : i32
      %cond3A_264 = arith.cmpi ne, %convert_element_type3A, %cond3A : i32
      scf.if %cond3A_264 {
        %dma_wait3A_293 = arith.constant 0 : i32
        %dma_wait3A_294 = arith.constant 0 : i32
        %dma_wait3A_295 = arith.constant 0 : i32
        %dma_wait3A_296 = tpu.memref_slice %arg8[%dma_wait3A_293, %dma_wait3A_294, %dma_wait3A_295] : memref<5x80x64xf32, #tpu.memory_space<vmem>> -> memref<1x80x64xf32, #tpu.memory_space<vmem>>
        %dma_wait3A_297 = tpu.memref_squeeze %dma_wait3A_296 : memref<1x80x64xf32, #tpu.memory_space<vmem>> -> memref<80x64xf32, #tpu.memory_space<vmem>>
        %dma_wait3A_298 = arith.constant 0 : i32
        %dma_wait3A_299 = tpu.memref_slice %arg7[%add3A_262, %dma_wait3A_298] : memref<125x80xi32, #tpu.memory_space<vmem>> -> memref<1x80xi32, #tpu.memory_space<vmem>>
        %dma_wait3A_300 = tpu.memref_squeeze %dma_wait3A_299 : memref<1x80xi32, #tpu.memory_space<vmem>> -> memref<80xi32, #tpu.memory_space<vmem>>
        %dma_wait3A_301 = arith.constant 0 : i32
        %dma_wait3A_302 = arith.constant 0 : i32
        %dma_wait3A_303 = tpu.memref_slice %arg9[%dma_wait3A_301, %dma_wait3A_302] : memref<10112x64xf32, #tpu.memory_space<vmem_shared>> -> memref<10112x64xf32, #tpu.memory_space<vmem_shared>>
        tpu.wait_indirect_dma semaphore(%arg15 : memref<!tpu.dma_semaphore, #tpu.memory_space<semaphore_mem>>) src(%dma_wait3A_297 : memref<80x64xf32, #tpu.memory_space<vmem>>) dst(%dma_wait3A_303 : memref<10112x64xf32, #tpu.memory_space<vmem_shared>>)
        %add3A_304 = arith.constant 5 : i32
        %add3A_305 = arith.addi %add3A_262, %add3A_304 : i32
        %dma_start3A_306 = arith.constant 0 : i32
        %dma_start3A_307 = arith.constant 0 : i32
        %dma_start3A_308 = arith.constant 0 : i32
        %dma_start3A_309 = tpu.memref_slice %arg8[%dma_start3A_306, %dma_start3A_307, %dma_start3A_308] : memref<5x80x64xf32, #tpu.memory_space<vmem>> -> memref<1x80x64xf32, #tpu.memory_space<vmem>>
        %dma_start3A_310 = tpu.memref_squeeze %dma_start3A_309 : memref<1x80x64xf32, #tpu.memory_space<vmem>> -> memref<80x64xf32, #tpu.memory_space<vmem>>
        %dma_start3A_311 = arith.constant 0 : i32
        %dma_start3A_312 = tpu.memref_slice %arg6[%add3A_305, %dma_start3A_311] : memref<125x80xi32, #tpu.memory_space<vmem>> -> memref<1x80xi32, #tpu.memory_space<vmem>>
        %dma_start3A_313 = tpu.memref_squeeze %dma_start3A_312 : memref<1x80xi32, #tpu.memory_space<vmem>> -> memref<80xi32, #tpu.memory_space<vmem>>
        %dma_start3A_314 = arith.constant 0 : i32
        %dma_start3A_315 = arith.constant 0 : i32
        %dma_start3A_316 = tpu.memref_slice %arg2[%dma_start3A_314, %dma_start3A_315] : memref<10112x64xf32, #tpu.memory_space<hbm>> -> memref<10112x64xf32, #tpu.memory_space<hbm>>
        tpu.enqueue_indirect_dma source(%dma_start3A_316 : memref<10112x64xf32, #tpu.memory_space<hbm>>) target(%dma_start3A_310 : memref<80x64xf32, #tpu.memory_space<vmem>>) offsets(%dma_start3A_313 : memref<80xi32, #tpu.memory_space<vmem>>) semaphore(%arg10 : memref<!tpu.dma_semaphore, #tpu.memory_space<semaphore_mem>>)
      } else {
      }
      %add3A_265 = arith.constant 1 : i32
      %add3A_266 = arith.addi %mul3A_140, %add3A_265 : i32
      %lt3A_267 = arith.constant 24 : i32
      %lt3A_268 = arith.cmpi slt, %scan3A_138, %lt3A_267 : i32
      %convert_element_type3A_269 = arith.extui %lt3A_268 : i1 to i32
      %cond3A_270 = arith.constant 0 : i32
      %cond3A_271 = arith.cmpi ne, %convert_element_type3A_269, %cond3A_270 : i32
      scf.if %cond3A_271 {
        %dma_wait3A_293 = arith.constant 1 : i32
        %dma_wait3A_294 = arith.constant 0 : i32
        %dma_wait3A_295 = arith.constant 0 : i32
        %dma_wait3A_296 = tpu.memref_slice %arg8[%dma_wait3A_293, %dma_wait3A_294, %dma_wait3A_295] : memref<5x80x64xf32, #tpu.memory_space<vmem>> -> memref<1x80x64xf32, #tpu.memory_space<vmem>>
        %dma_wait3A_297 = tpu.memref_squeeze %dma_wait3A_296 : memref<1x80x64xf32, #tpu.memory_space<vmem>> -> memref<80x64xf32, #tpu.memory_space<vmem>>
        %dma_wait3A_298 = arith.constant 0 : i32
        %dma_wait3A_299 = tpu.memref_slice %arg7[%add3A_266, %dma_wait3A_298] : memref<125x80xi32, #tpu.memory_space<vmem>> -> memref<1x80xi32, #tpu.memory_space<vmem>>
        %dma_wait3A_300 = tpu.memref_squeeze %dma_wait3A_299 : memref<1x80xi32, #tpu.memory_space<vmem>> -> memref<80xi32, #tpu.memory_space<vmem>>
        %dma_wait3A_301 = arith.constant 0 : i32
        %dma_wait3A_302 = arith.constant 0 : i32
        %dma_wait3A_303 = tpu.memref_slice %arg9[%dma_wait3A_301, %dma_wait3A_302] : memref<10112x64xf32, #tpu.memory_space<vmem_shared>> -> memref<10112x64xf32, #tpu.memory_space<vmem_shared>>
        tpu.wait_indirect_dma semaphore(%arg16 : memref<!tpu.dma_semaphore, #tpu.memory_space<semaphore_mem>>) src(%dma_wait3A_297 : memref<80x64xf32, #tpu.memory_space<vmem>>) dst(%dma_wait3A_303 : memref<10112x64xf32, #tpu.memory_space<vmem_shared>>)
        %add3A_304 = arith.constant 5 : i32
        %add3A_305 = arith.addi %add3A_266, %add3A_304 : i32
        %dma_start3A_306 = arith.constant 1 : i32
        %dma_start3A_307 = arith.constant 0 : i32
        %dma_start3A_308 = arith.constant 0 : i32
        %dma_start3A_309 = tpu.memref_slice %arg8[%dma_start3A_306, %dma_start3A_307, %dma_start3A_308] : memref<5x80x64xf32, #tpu.memory_space<vmem>> -> memref<1x80x64xf32, #tpu.memory_space<vmem>>
        %dma_start3A_310 = tpu.memref_squeeze %dma_start3A_309 : memref<1x80x64xf32, #tpu.memory_space<vmem>> -> memref<80x64xf32, #tpu.memory_space<vmem>>
        %dma_start3A_311 = arith.constant 0 : i32
        %dma_start3A_312 = tpu.memref_slice %arg6[%add3A_305, %dma_start3A_311] : memref<125x80xi32, #tpu.memory_space<vmem>> -> memref<1x80xi32, #tpu.memory_space<vmem>>
        %dma_start3A_313 = tpu.memref_squeeze %dma_start3A_312 : memref<1x80xi32, #tpu.memory_space<vmem>> -> memref<80xi32, #tpu.memory_space<vmem>>
        %dma_start3A_314 = arith.constant 0 : i32
        %dma_start3A_315 = arith.constant 0 : i32
        %dma_start3A_316 = tpu.memref_slice %arg2[%dma_start3A_314, %dma_start3A_315] : memref<10112x64xf32, #tpu.memory_space<hbm>> -> memref<10112x64xf32, #tpu.memory_space<hbm>>
        tpu.enqueue_indirect_dma source(%dma_start3A_316 : memref<10112x64xf32, #tpu.memory_space<hbm>>) target(%dma_start3A_310 : memref<80x64xf32, #tpu.memory_space<vmem>>) offsets(%dma_start3A_313 : memref<80xi32, #tpu.memory_space<vmem>>) semaphore(%arg11 : memref<!tpu.dma_semaphore, #tpu.memory_space<semaphore_mem>>)
      } else {
      }
      %add3A_272 = arith.constant 2 : i32
      %add3A_273 = arith.addi %mul3A_140, %add3A_272 : i32
      %lt3A_274 = arith.constant 24 : i32
      %lt3A_275 = arith.cmpi slt, %scan3A_138, %lt3A_274 : i32
      %convert_element_type3A_276 = arith.extui %lt3A_275 : i1 to i32
      %cond3A_277 = arith.constant 0 : i32
      %cond3A_278 = arith.cmpi ne, %convert_element_type3A_276, %cond3A_277 : i32
      scf.if %cond3A_278 {
        %dma_wait3A_293 = arith.constant 2 : i32
        %dma_wait3A_294 = arith.constant 0 : i32
        %dma_wait3A_295 = arith.constant 0 : i32
        %dma_wait3A_296 = tpu.memref_slice %arg8[%dma_wait3A_293, %dma_wait3A_294, %dma_wait3A_295] : memref<5x80x64xf32, #tpu.memory_space<vmem>> -> memref<1x80x64xf32, #tpu.memory_space<vmem>>
        %dma_wait3A_297 = tpu.memref_squeeze %dma_wait3A_296 : memref<1x80x64xf32, #tpu.memory_space<vmem>> -> memref<80x64xf32, #tpu.memory_space<vmem>>
        %dma_wait3A_298 = arith.constant 0 : i32
        %dma_wait3A_299 = tpu.memref_slice %arg7[%add3A_273, %dma_wait3A_298] : memref<125x80xi32, #tpu.memory_space<vmem>> -> memref<1x80xi32, #tpu.memory_space<vmem>>
        %dma_wait3A_300 = tpu.memref_squeeze %dma_wait3A_299 : memref<1x80xi32, #tpu.memory_space<vmem>> -> memref<80xi32, #tpu.memory_space<vmem>>
        %dma_wait3A_301 = arith.constant 0 : i32
        %dma_wait3A_302 = arith.constant 0 : i32
        %dma_wait3A_303 = tpu.memref_slice %arg9[%dma_wait3A_301, %dma_wait3A_302] : memref<10112x64xf32, #tpu.memory_space<vmem_shared>> -> memref<10112x64xf32, #tpu.memory_space<vmem_shared>>
        tpu.wait_indirect_dma semaphore(%arg17 : memref<!tpu.dma_semaphore, #tpu.memory_space<semaphore_mem>>) src(%dma_wait3A_297 : memref<80x64xf32, #tpu.memory_space<vmem>>) dst(%dma_wait3A_303 : memref<10112x64xf32, #tpu.memory_space<vmem_shared>>)
        %add3A_304 = arith.constant 5 : i32
        %add3A_305 = arith.addi %add3A_273, %add3A_304 : i32
        %dma_start3A_306 = arith.constant 2 : i32
        %dma_start3A_307 = arith.constant 0 : i32
        %dma_start3A_308 = arith.constant 0 : i32
        %dma_start3A_309 = tpu.memref_slice %arg8[%dma_start3A_306, %dma_start3A_307, %dma_start3A_308] : memref<5x80x64xf32, #tpu.memory_space<vmem>> -> memref<1x80x64xf32, #tpu.memory_space<vmem>>
        %dma_start3A_310 = tpu.memref_squeeze %dma_start3A_309 : memref<1x80x64xf32, #tpu.memory_space<vmem>> -> memref<80x64xf32, #tpu.memory_space<vmem>>
        %dma_start3A_311 = arith.constant 0 : i32
        %dma_start3A_312 = tpu.memref_slice %arg6[%add3A_305, %dma_start3A_311] : memref<125x80xi32, #tpu.memory_space<vmem>> -> memref<1x80xi32, #tpu.memory_space<vmem>>
        %dma_start3A_313 = tpu.memref_squeeze %dma_start3A_312 : memref<1x80xi32, #tpu.memory_space<vmem>> -> memref<80xi32, #tpu.memory_space<vmem>>
        %dma_start3A_314 = arith.constant 0 : i32
        %dma_start3A_315 = arith.constant 0 : i32
        %dma_start3A_316 = tpu.memref_slice %arg2[%dma_start3A_314, %dma_start3A_315] : memref<10112x64xf32, #tpu.memory_space<hbm>> -> memref<10112x64xf32, #tpu.memory_space<hbm>>
        tpu.enqueue_indirect_dma source(%dma_start3A_316 : memref<10112x64xf32, #tpu.memory_space<hbm>>) target(%dma_start3A_310 : memref<80x64xf32, #tpu.memory_space<vmem>>) offsets(%dma_start3A_313 : memref<80xi32, #tpu.memory_space<vmem>>) semaphore(%arg12 : memref<!tpu.dma_semaphore, #tpu.memory_space<semaphore_mem>>)
      } else {
      }
      %add3A_279 = arith.constant 3 : i32
      %add3A_280 = arith.addi %mul3A_140, %add3A_279 : i32
      %lt3A_281 = arith.constant 24 : i32
      %lt3A_282 = arith.cmpi slt, %scan3A_138, %lt3A_281 : i32
      %convert_element_type3A_283 = arith.extui %lt3A_282 : i1 to i32
      %cond3A_284 = arith.constant 0 : i32
      %cond3A_285 = arith.cmpi ne, %convert_element_type3A_283, %cond3A_284 : i32
      scf.if %cond3A_285 {
        %dma_wait3A_293 = arith.constant 3 : i32
        %dma_wait3A_294 = arith.constant 0 : i32
        %dma_wait3A_295 = arith.constant 0 : i32
        %dma_wait3A_296 = tpu.memref_slice %arg8[%dma_wait3A_293, %dma_wait3A_294, %dma_wait3A_295] : memref<5x80x64xf32, #tpu.memory_space<vmem>> -> memref<1x80x64xf32, #tpu.memory_space<vmem>>
        %dma_wait3A_297 = tpu.memref_squeeze %dma_wait3A_296 : memref<1x80x64xf32, #tpu.memory_space<vmem>> -> memref<80x64xf32, #tpu.memory_space<vmem>>
        %dma_wait3A_298 = arith.constant 0 : i32
        %dma_wait3A_299 = tpu.memref_slice %arg7[%add3A_280, %dma_wait3A_298] : memref<125x80xi32, #tpu.memory_space<vmem>> -> memref<1x80xi32, #tpu.memory_space<vmem>>
        %dma_wait3A_300 = tpu.memref_squeeze %dma_wait3A_299 : memref<1x80xi32, #tpu.memory_space<vmem>> -> memref<80xi32, #tpu.memory_space<vmem>>
        %dma_wait3A_301 = arith.constant 0 : i32
        %dma_wait3A_302 = arith.constant 0 : i32
        %dma_wait3A_303 = tpu.memref_slice %arg9[%dma_wait3A_301, %dma_wait3A_302] : memref<10112x64xf32, #tpu.memory_space<vmem_shared>> -> memref<10112x64xf32, #tpu.memory_space<vmem_shared>>
        tpu.wait_indirect_dma semaphore(%arg18 : memref<!tpu.dma_semaphore, #tpu.memory_space<semaphore_mem>>) src(%dma_wait3A_297 : memref<80x64xf32, #tpu.memory_space<vmem>>) dst(%dma_wait3A_303 : memref<10112x64xf32, #tpu.memory_space<vmem_shared>>)
        %add3A_304 = arith.constant 5 : i32
        %add3A_305 = arith.addi %add3A_280, %add3A_304 : i32
        %dma_start3A_306 = arith.constant 3 : i32
        %dma_start3A_307 = arith.constant 0 : i32
        %dma_start3A_308 = arith.constant 0 : i32
        %dma_start3A_309 = tpu.memref_slice %arg8[%dma_start3A_306, %dma_start3A_307, %dma_start3A_308] : memref<5x80x64xf32, #tpu.memory_space<vmem>> -> memref<1x80x64xf32, #tpu.memory_space<vmem>>
        %dma_start3A_310 = tpu.memref_squeeze %dma_start3A_309 : memref<1x80x64xf32, #tpu.memory_space<vmem>> -> memref<80x64xf32, #tpu.memory_space<vmem>>
        %dma_start3A_311 = arith.constant 0 : i32
        %dma_start3A_312 = tpu.memref_slice %arg6[%add3A_305, %dma_start3A_311] : memref<125x80xi32, #tpu.memory_space<vmem>> -> memref<1x80xi32, #tpu.memory_space<vmem>>
        %dma_start3A_313 = tpu.memref_squeeze %dma_start3A_312 : memref<1x80xi32, #tpu.memory_space<vmem>> -> memref<80xi32, #tpu.memory_space<vmem>>
        %dma_start3A_314 = arith.constant 0 : i32
        %dma_start3A_315 = arith.constant 0 : i32
        %dma_start3A_316 = tpu.memref_slice %arg2[%dma_start3A_314, %dma_start3A_315] : memref<10112x64xf32, #tpu.memory_space<hbm>> -> memref<10112x64xf32, #tpu.memory_space<hbm>>
        tpu.enqueue_indirect_dma source(%dma_start3A_316 : memref<10112x64xf32, #tpu.memory_space<hbm>>) target(%dma_start3A_310 : memref<80x64xf32, #tpu.memory_space<vmem>>) offsets(%dma_start3A_313 : memref<80xi32, #tpu.memory_space<vmem>>) semaphore(%arg13 : memref<!tpu.dma_semaphore, #tpu.memory_space<semaphore_mem>>)
      } else {
      }
      %add3A_286 = arith.constant 4 : i32
      %add3A_287 = arith.addi %mul3A_140, %add3A_286 : i32
      %lt3A_288 = arith.constant 24 : i32
      %lt3A_289 = arith.cmpi slt, %scan3A_138, %lt3A_288 : i32
      %convert_element_type3A_290 = arith.extui %lt3A_289 : i1 to i32
      %cond3A_291 = arith.constant 0 : i32
      %cond3A_292 = arith.cmpi ne, %convert_element_type3A_290, %cond3A_291 : i32
      scf.if %cond3A_292 {
        %dma_wait3A_293 = arith.constant 4 : i32
        %dma_wait3A_294 = arith.constant 0 : i32
        %dma_wait3A_295 = arith.constant 0 : i32
        %dma_wait3A_296 = tpu.memref_slice %arg8[%dma_wait3A_293, %dma_wait3A_294, %dma_wait3A_295] : memref<5x80x64xf32, #tpu.memory_space<vmem>> -> memref<1x80x64xf32, #tpu.memory_space<vmem>>
        %dma_wait3A_297 = tpu.memref_squeeze %dma_wait3A_296 : memref<1x80x64xf32, #tpu.memory_space<vmem>> -> memref<80x64xf32, #tpu.memory_space<vmem>>
        %dma_wait3A_298 = arith.constant 0 : i32
        %dma_wait3A_299 = tpu.memref_slice %arg7[%add3A_287, %dma_wait3A_298] : memref<125x80xi32, #tpu.memory_space<vmem>> -> memref<1x80xi32, #tpu.memory_space<vmem>>
        %dma_wait3A_300 = tpu.memref_squeeze %dma_wait3A_299 : memref<1x80xi32, #tpu.memory_space<vmem>> -> memref<80xi32, #tpu.memory_space<vmem>>
        %dma_wait3A_301 = arith.constant 0 : i32
        %dma_wait3A_302 = arith.constant 0 : i32
        %dma_wait3A_303 = tpu.memref_slice %arg9[%dma_wait3A_301, %dma_wait3A_302] : memref<10112x64xf32, #tpu.memory_space<vmem_shared>> -> memref<10112x64xf32, #tpu.memory_space<vmem_shared>>
        tpu.wait_indirect_dma semaphore(%arg19 : memref<!tpu.dma_semaphore, #tpu.memory_space<semaphore_mem>>) src(%dma_wait3A_297 : memref<80x64xf32, #tpu.memory_space<vmem>>) dst(%dma_wait3A_303 : memref<10112x64xf32, #tpu.memory_space<vmem_shared>>)
        %add3A_304 = arith.constant 5 : i32
        %add3A_305 = arith.addi %add3A_287, %add3A_304 : i32
        %dma_start3A_306 = arith.constant 4 : i32
        %dma_start3A_307 = arith.constant 0 : i32
        %dma_start3A_308 = arith.constant 0 : i32
        %dma_start3A_309 = tpu.memref_slice %arg8[%dma_start3A_306, %dma_start3A_307, %dma_start3A_308] : memref<5x80x64xf32, #tpu.memory_space<vmem>> -> memref<1x80x64xf32, #tpu.memory_space<vmem>>
        %dma_start3A_310 = tpu.memref_squeeze %dma_start3A_309 : memref<1x80x64xf32, #tpu.memory_space<vmem>> -> memref<80x64xf32, #tpu.memory_space<vmem>>
        %dma_start3A_311 = arith.constant 0 : i32
        %dma_start3A_312 = tpu.memref_slice %arg6[%add3A_305, %dma_start3A_311] : memref<125x80xi32, #tpu.memory_space<vmem>> -> memref<1x80xi32, #tpu.memory_space<vmem>>
        %dma_start3A_313 = tpu.memref_squeeze %dma_start3A_312 : memref<1x80xi32, #tpu.memory_space<vmem>> -> memref<80xi32, #tpu.memory_space<vmem>>
        %dma_start3A_314 = arith.constant 0 : i32
        %dma_start3A_315 = arith.constant 0 : i32
        %dma_start3A_316 = tpu.memref_slice %arg2[%dma_start3A_314, %dma_start3A_315] : memref<10112x64xf32, #tpu.memory_space<hbm>> -> memref<10112x64xf32, #tpu.memory_space<hbm>>
        tpu.enqueue_indirect_dma source(%dma_start3A_316 : memref<10112x64xf32, #tpu.memory_space<hbm>>) target(%dma_start3A_310 : memref<80x64xf32, #tpu.memory_space<vmem>>) offsets(%dma_start3A_313 : memref<80xi32, #tpu.memory_space<vmem>>) semaphore(%arg14 : memref<!tpu.dma_semaphore, #tpu.memory_space<semaphore_mem>>)
      } else {
      }
    }
    %scan3A_73 = arith.constant 25 : i32
    %dma_wait3A = arith.constant 0 : i32
    %dma_wait3A_74 = arith.constant 120 : i32
    %dma_wait3A_75 = arith.constant 0 : i32
    %dma_wait3A_76 = arith.constant 0 : i32
    %dma_wait3A_77 = tpu.memref_slice %arg8[%dma_wait3A, %dma_wait3A_75, %dma_wait3A_76] : memref<5x80x64xf32, #tpu.memory_space<vmem>> -> memref<1x80x64xf32, #tpu.memory_space<vmem>>
    %dma_wait3A_78 = tpu.memref_squeeze %dma_wait3A_77 : memref<1x80x64xf32, #tpu.memory_space<vmem>> -> memref<80x64xf32, #tpu.memory_space<vmem>>
    %dma_wait3A_79 = arith.constant 0 : i32
    %dma_wait3A_80 = tpu.memref_slice %arg7[%dma_wait3A_74, %dma_wait3A_79] : memref<125x80xi32, #tpu.memory_space<vmem>> -> memref<1x80xi32, #tpu.memory_space<vmem>>
    %dma_wait3A_81 = tpu.memref_squeeze %dma_wait3A_80 : memref<1x80xi32, #tpu.memory_space<vmem>> -> memref<80xi32, #tpu.memory_space<vmem>>
    %dma_wait3A_82 = arith.constant 0 : i32
    %dma_wait3A_83 = arith.constant 0 : i32
    %dma_wait3A_84 = tpu.memref_slice %arg9[%dma_wait3A_82, %dma_wait3A_83] : memref<10112x64xf32, #tpu.memory_space<vmem_shared>> -> memref<10112x64xf32, #tpu.memory_space<vmem_shared>>
    tpu.wait_indirect_dma semaphore(%arg15 : memref<!tpu.dma_semaphore, #tpu.memory_space<semaphore_mem>>) src(%dma_wait3A_78 : memref<80x64xf32, #tpu.memory_space<vmem>>) dst(%dma_wait3A_84 : memref<10112x64xf32, #tpu.memory_space<vmem_shared>>)
    %dma_wait3A_85 = arith.constant 1 : i32
    %dma_wait3A_86 = arith.constant 121 : i32
    %dma_wait3A_87 = arith.constant 0 : i32
    %dma_wait3A_88 = arith.constant 0 : i32
    %dma_wait3A_89 = tpu.memref_slice %arg8[%dma_wait3A_85, %dma_wait3A_87, %dma_wait3A_88] : memref<5x80x64xf32, #tpu.memory_space<vmem>> -> memref<1x80x64xf32, #tpu.memory_space<vmem>>
    %dma_wait3A_90 = tpu.memref_squeeze %dma_wait3A_89 : memref<1x80x64xf32, #tpu.memory_space<vmem>> -> memref<80x64xf32, #tpu.memory_space<vmem>>
    %dma_wait3A_91 = arith.constant 0 : i32
    %dma_wait3A_92 = tpu.memref_slice %arg7[%dma_wait3A_86, %dma_wait3A_91] : memref<125x80xi32, #tpu.memory_space<vmem>> -> memref<1x80xi32, #tpu.memory_space<vmem>>
    %dma_wait3A_93 = tpu.memref_squeeze %dma_wait3A_92 : memref<1x80xi32, #tpu.memory_space<vmem>> -> memref<80xi32, #tpu.memory_space<vmem>>
    %dma_wait3A_94 = arith.constant 0 : i32
    %dma_wait3A_95 = arith.constant 0 : i32
    %dma_wait3A_96 = tpu.memref_slice %arg9[%dma_wait3A_94, %dma_wait3A_95] : memref<10112x64xf32, #tpu.memory_space<vmem_shared>> -> memref<10112x64xf32, #tpu.memory_space<vmem_shared>>
    tpu.wait_indirect_dma semaphore(%arg16 : memref<!tpu.dma_semaphore, #tpu.memory_space<semaphore_mem>>) src(%dma_wait3A_90 : memref<80x64xf32, #tpu.memory_space<vmem>>) dst(%dma_wait3A_96 : memref<10112x64xf32, #tpu.memory_space<vmem_shared>>)
    %dma_wait3A_97 = arith.constant 2 : i32
    %dma_wait3A_98 = arith.constant 122 : i32
    %dma_wait3A_99 = arith.constant 0 : i32
    %dma_wait3A_100 = arith.constant 0 : i32
    %dma_wait3A_101 = tpu.memref_slice %arg8[%dma_wait3A_97, %dma_wait3A_99, %dma_wait3A_100] : memref<5x80x64xf32, #tpu.memory_space<vmem>> -> memref<1x80x64xf32, #tpu.memory_space<vmem>>
    %dma_wait3A_102 = tpu.memref_squeeze %dma_wait3A_101 : memref<1x80x64xf32, #tpu.memory_space<vmem>> -> memref<80x64xf32, #tpu.memory_space<vmem>>
    %dma_wait3A_103 = arith.constant 0 : i32
    %dma_wait3A_104 = tpu.memref_slice %arg7[%dma_wait3A_98, %dma_wait3A_103] : memref<125x80xi32, #tpu.memory_space<vmem>> -> memref<1x80xi32, #tpu.memory_space<vmem>>
    %dma_wait3A_105 = tpu.memref_squeeze %dma_wait3A_104 : memref<1x80xi32, #tpu.memory_space<vmem>> -> memref<80xi32, #tpu.memory_space<vmem>>
    %dma_wait3A_106 = arith.constant 0 : i32
    %dma_wait3A_107 = arith.constant 0 : i32
    %dma_wait3A_108 = tpu.memref_slice %arg9[%dma_wait3A_106, %dma_wait3A_107] : memref<10112x64xf32, #tpu.memory_space<vmem_shared>> -> memref<10112x64xf32, #tpu.memory_space<vmem_shared>>
    tpu.wait_indirect_dma semaphore(%arg17 : memref<!tpu.dma_semaphore, #tpu.memory_space<semaphore_mem>>) src(%dma_wait3A_102 : memref<80x64xf32, #tpu.memory_space<vmem>>) dst(%dma_wait3A_108 : memref<10112x64xf32, #tpu.memory_space<vmem_shared>>)
    %dma_wait3A_109 = arith.constant 3 : i32
    %dma_wait3A_110 = arith.constant 123 : i32
    %dma_wait3A_111 = arith.constant 0 : i32
    %dma_wait3A_112 = arith.constant 0 : i32
    %dma_wait3A_113 = tpu.memref_slice %arg8[%dma_wait3A_109, %dma_wait3A_111, %dma_wait3A_112] : memref<5x80x64xf32, #tpu.memory_space<vmem>> -> memref<1x80x64xf32, #tpu.memory_space<vmem>>
    %dma_wait3A_114 = tpu.memref_squeeze %dma_wait3A_113 : memref<1x80x64xf32, #tpu.memory_space<vmem>> -> memref<80x64xf32, #tpu.memory_space<vmem>>
    %dma_wait3A_115 = arith.constant 0 : i32
    %dma_wait3A_116 = tpu.memref_slice %arg7[%dma_wait3A_110, %dma_wait3A_115] : memref<125x80xi32, #tpu.memory_space<vmem>> -> memref<1x80xi32, #tpu.memory_space<vmem>>
    %dma_wait3A_117 = tpu.memref_squeeze %dma_wait3A_116 : memref<1x80xi32, #tpu.memory_space<vmem>> -> memref<80xi32, #tpu.memory_space<vmem>>
    %dma_wait3A_118 = arith.constant 0 : i32
    %dma_wait3A_119 = arith.constant 0 : i32
    %dma_wait3A_120 = tpu.memref_slice %arg9[%dma_wait3A_118, %dma_wait3A_119] : memref<10112x64xf32, #tpu.memory_space<vmem_shared>> -> memref<10112x64xf32, #tpu.memory_space<vmem_shared>>
    tpu.wait_indirect_dma semaphore(%arg18 : memref<!tpu.dma_semaphore, #tpu.memory_space<semaphore_mem>>) src(%dma_wait3A_114 : memref<80x64xf32, #tpu.memory_space<vmem>>) dst(%dma_wait3A_120 : memref<10112x64xf32, #tpu.memory_space<vmem_shared>>)
    %dma_wait3A_121 = arith.constant 4 : i32
    %dma_wait3A_122 = arith.constant 124 : i32
    %dma_wait3A_123 = arith.constant 0 : i32
    %dma_wait3A_124 = arith.constant 0 : i32
    %dma_wait3A_125 = tpu.memref_slice %arg8[%dma_wait3A_121, %dma_wait3A_123, %dma_wait3A_124] : memref<5x80x64xf32, #tpu.memory_space<vmem>> -> memref<1x80x64xf32, #tpu.memory_space<vmem>>
    %dma_wait3A_126 = tpu.memref_squeeze %dma_wait3A_125 : memref<1x80x64xf32, #tpu.memory_space<vmem>> -> memref<80x64xf32, #tpu.memory_space<vmem>>
    %dma_wait3A_127 = arith.constant 0 : i32
    %dma_wait3A_128 = tpu.memref_slice %arg7[%dma_wait3A_122, %dma_wait3A_127] : memref<125x80xi32, #tpu.memory_space<vmem>> -> memref<1x80xi32, #tpu.memory_space<vmem>>
    %dma_wait3A_129 = tpu.memref_squeeze %dma_wait3A_128 : memref<1x80xi32, #tpu.memory_space<vmem>> -> memref<80xi32, #tpu.memory_space<vmem>>
    %dma_wait3A_130 = arith.constant 0 : i32
    %dma_wait3A_131 = arith.constant 0 : i32
    %dma_wait3A_132 = tpu.memref_slice %arg9[%dma_wait3A_130, %dma_wait3A_131] : memref<10112x64xf32, #tpu.memory_space<vmem_shared>> -> memref<10112x64xf32, #tpu.memory_space<vmem_shared>>
    tpu.wait_indirect_dma semaphore(%arg19 : memref<!tpu.dma_semaphore, #tpu.memory_space<semaphore_mem>>) src(%dma_wait3A_126 : memref<80x64xf32, #tpu.memory_space<vmem>>) dst(%dma_wait3A_132 : memref<10112x64xf32, #tpu.memory_space<vmem_shared>>)
    %barrier3A_133 = arith.constant 0 : index
    tpu.barrier barrier_id(%barrier3A_133)
    %mul3A_134 = arith.constant 632 : i32
    %mul3A_135 = arith.muli %arg1, %mul3A_134 : i32
    %mul3A_136 = arith.constant 632 : i32
    %mul3A_137 = arith.muli %arg1, %mul3A_136 : i32
    "tpu.region"() ({
      %run_scoped3A_138 = tpu.sem_alloc : memref<!tpu.dma_semaphore, #tpu.memory_space<semaphore_mem>>
      %dma_start3A_139 = arith.constant 0 : i32
      %dma_start3A_140 = tpu.memref_slice %arg5[%arg0, %mul3A_137, %dma_start3A_139] : memref<2x10112x64xf32, #tpu.memory_space<hbm>> -> memref<1x632x64xf32, #tpu.memory_space<hbm>>
      %dma_start3A_141 = tpu.memref_squeeze %dma_start3A_140 : memref<1x632x64xf32, #tpu.memory_space<hbm>> -> memref<632x64xf32, #tpu.memory_space<hbm>>
      %dma_start3A_142 = arith.constant 0 : i32
      %dma_start3A_143 = tpu.memref_slice %arg9[%mul3A_135, %dma_start3A_142] : memref<10112x64xf32, #tpu.memory_space<vmem_shared>> -> memref<632x64xf32, #tpu.memory_space<vmem_shared>>
      tpu.enqueue_dma source(%dma_start3A_143 : memref<632x64xf32, #tpu.memory_space<vmem_shared>>) target(%dma_start3A_141 : memref<632x64xf32, #tpu.memory_space<hbm>>) target_semaphore(%run_scoped3A_138 : memref<!tpu.dma_semaphore, #tpu.memory_space<semaphore_mem>>)
      %dma_wait3A_144 = arith.constant 0 : i32
      %dma_wait3A_145 = tpu.memref_slice %arg5[%arg0, %mul3A_137, %dma_wait3A_144] : memref<2x10112x64xf32, #tpu.memory_space<hbm>> -> memref<1x632x64xf32, #tpu.memory_space<hbm>>
      %dma_wait3A_146 = tpu.memref_squeeze %dma_wait3A_145 : memref<1x632x64xf32, #tpu.memory_space<hbm>> -> memref<632x64xf32, #tpu.memory_space<hbm>>
      %dma_wait3A_147 = arith.constant 0 : i32
      %dma_wait3A_148 = tpu.memref_slice %arg9[%mul3A_135, %dma_wait3A_147] : memref<10112x64xf32, #tpu.memory_space<vmem_shared>> -> memref<632x64xf32, #tpu.memory_space<vmem_shared>>
      tpu.wait_dma2 semaphore(%run_scoped3A_138 : memref<!tpu.dma_semaphore, #tpu.memory_space<semaphore_mem>>) src(%dma_wait3A_148 : memref<632x64xf32, #tpu.memory_space<vmem_shared>>) dst(%dma_wait3A_146 : memref<632x64xf32, #tpu.memory_space<hbm>>)
      tpu.yield
    }) : () -> ()
    return
  }
}

module attributes {stable_mosaic.version = 14 : i64} {
  func.func @_pre_body(%arg0: memref<10000x128xf32, #tpu.memory_space<vmem>>, %arg1: memref<128x80xf32, #tpu.memory_space<vmem>>, %arg2: memref<10112x80xf32, #tpu.memory_space<vmem>>) attributes {dimension_semantics = [], scalar_prefetch = 0 : i64, scratch_operands = 0 : i64, tpu.core_type = #tpu.core_type<tc>} {
    %get3A = arith.constant 0 : index
    %get3A_0 = arith.constant 0 : index
    %get3A_1 = vector.load %arg0[%get3A, %get3A_0] : memref<10000x128xf32, #tpu.memory_space<vmem>>, vector<10000x128xf32>
    %get3A_2 = arith.constant 0 : index
    %get3A_3 = arith.constant 0 : index
    %get3A_4 = vector.load %arg1[%get3A_2, %get3A_3] : memref<128x80xf32, #tpu.memory_space<vmem>>, vector<128x80xf32>
    %dot_general3A = arith.constant dense<0.000000e+00> : vector<10000x80xf32>
    %dot_general3A_5 = tpu.matmul %get3A_1, %get3A_4, %dot_general3A {dimension_numbers = #tpu.dot_dimension_numbers<[1], [0], [0], [1], [0, 0, 1, 1], [], []>, transpose_lhs_hint = false} : vector<10000x128xf32>, vector<128x80xf32>, vector<10000x80xf32> -> vector<10000x80xf32>
    %iota3A = tpu.iota {dimensions = array<i32: 1>} : vector<10000x80xi32>
    %eq3A = arith.constant 64 : i32
    %eq3A_6 = vector.broadcast %eq3A : i32 to vector<10000x80xi32>
    %eq3A_7 = arith.cmpi eq, %iota3A, %eq3A_6 : vector<10000x80xi32>
    %jit3A = arith.constant 1.000000e+00 : f32
    %broadcast_in_dim3A = vector.broadcast %jit3A : f32 to vector<10000x80xf32>
    %select_n3A = arith.select %eq3A_7, %broadcast_in_dim3A, %dot_general3A_5 : vector<10000x80xi1>, vector<10000x80xf32>
    %swap3A = arith.constant 0 : index
    %swap3A_8 = arith.constant 0 : index
    %swap3A_9 = vector.load %arg2[%swap3A, %swap3A_8] : memref<10112x80xf32, #tpu.memory_space<vmem>>, vector<10000x80xf32>
    tpu.vector_store %arg2[%swap3A, %swap3A_8], %select_n3A {strides = array<i32>} : memref<10112x80xf32, #tpu.memory_space<vmem>>, vector<10000x80xf32>,
    return
  }
}

module attributes {stable_mosaic.version = 14 : i64} {
  func.func @_rmat_body(%arg0: memref<10000x128xf32, #tpu.memory_space<vmem>>, %arg1: memref<128x64xf32, #tpu.memory_space<vmem>>, %arg2: memref<1x64xf32, #tpu.memory_space<vmem>>, %arg3: memref<10000x64xf32, #tpu.memory_space<vmem>>) attributes {dimension_semantics = [], scalar_prefetch = 0 : i64, scratch_operands = 0 : i64, tpu.core_type = #tpu.core_type<tc>} {
    %get3A = arith.constant 0 : index
    %get3A_0 = arith.constant 0 : index
    %get3A_1 = vector.load %arg0[%get3A, %get3A_0] : memref<10000x128xf32, #tpu.memory_space<vmem>>, vector<10000x128xf32>
    %get3A_2 = arith.constant 0 : index
    %get3A_3 = arith.constant 0 : index
    %get3A_4 = vector.load %arg1[%get3A_2, %get3A_3] : memref<128x64xf32, #tpu.memory_space<vmem>>, vector<128x64xf32>
    %dot_general3A = arith.constant dense<0.000000e+00> : vector<10000x64xf32>
    %dot_general3A_5 = tpu.matmul %get3A_1, %get3A_4, %dot_general3A {dimension_numbers = #tpu.dot_dimension_numbers<[1], [0], [0], [1], [0, 0, 1, 1], [], []>, transpose_lhs_hint = false} : vector<10000x128xf32>, vector<128x64xf32>, vector<10000x64xf32> -> vector<10000x64xf32>
    %get3A_6 = arith.constant 0 : index
    %get3A_7 = arith.constant 0 : index
    %get3A_8 = vector.load %arg2[%get3A_6, %get3A_7] : memref<1x64xf32, #tpu.memory_space<vmem>>, vector<1x64xf32>
    %add3A = vector.broadcast %get3A_8 : vector<1x64xf32> to vector<10000x64xf32>
    %add3A_9 = arith.addf %dot_general3A_5, %add3A : vector<10000x64xf32>
    %swap3A = arith.constant 0 : index
    %swap3A_10 = arith.constant 0 : index
    %swap3A_11 = vector.load %arg3[%swap3A, %swap3A_10] : memref<10000x64xf32, #tpu.memory_space<vmem>>, vector<10000x64xf32>
    tpu.vector_store %arg3[%swap3A, %swap3A_10], %add3A_9 {strides = array<i32>} : memref<10000x64xf32, #tpu.memory_space<vmem>>, vector<10000x64xf32>,
    return
  }
}

module attributes {stable_mosaic.version = 14 : i64} {
  func.func @_post0_body(%arg0: memref<2x10112x80xf32, #tpu.memory_space<vmem>>, %arg1: memref<10000x64xf32, #tpu.memory_space<vmem>>, %arg2: memref<1x64xf32, #tpu.memory_space<vmem>>, %arg3: memref<1x64xf32, #tpu.memory_space<vmem>>, %arg4: memref<64x64xf32, #tpu.memory_space<vmem>>, %arg5: memref<64x64xf32, #tpu.memory_space<vmem>>, %arg6: memref<1x64xf32, #tpu.memory_space<vmem>>, %arg7: memref<10112x64xf32, #tpu.memory_space<vmem>>, %arg8: memref<10000x64xf32, #tpu.memory_space<vmem>>, %arg9: memref<10000x1xf32, #tpu.memory_space<vmem>>) attributes {dimension_semantics = [], scalar_prefetch = 0 : i64, scratch_operands = 0 : i64, tpu.core_type = #tpu.core_type<tc>} {
    %get3A = arith.constant 0 : index
    %get3A_0 = arith.constant 0 : index
    %get3A_1 = arith.constant 64 : index
    %get3A_2 = vector.load %arg0[%get3A, %get3A_0, %get3A_1] : memref<2x10112x80xf32, #tpu.memory_space<vmem>>, vector<1x10000x1xf32>
    %get3A_3 = vector.shape_cast %get3A_2 : vector<1x10000x1xf32> to vector<10000x1xf32>
    %get3A_4 = arith.constant 1 : index
    %get3A_5 = arith.constant 0 : index
    %get3A_6 = arith.constant 64 : index
    %get3A_7 = vector.load %arg0[%get3A_4, %get3A_5, %get3A_6] : memref<2x10112x80xf32, #tpu.memory_space<vmem>>, vector<1x10000x1xf32>
    %get3A_8 = vector.shape_cast %get3A_7 : vector<1x10000x1xf32> to vector<10000x1xf32>
    %add3A = arith.addf %get3A_3, %get3A_8 : vector<10000x1xf32>
    %get3A_9 = arith.constant 0 : index
    %get3A_10 = arith.constant 0 : index
    %get3A_11 = arith.constant 0 : index
    %get3A_12 = vector.load %arg0[%get3A_9, %get3A_10, %get3A_11] : memref<2x10112x80xf32, #tpu.memory_space<vmem>>, vector<1x10000x64xf32>
    %get3A_13 = vector.shape_cast %get3A_12 : vector<1x10000x64xf32> to vector<10000x64xf32>
    %get3A_14 = arith.constant 1 : index
    %get3A_15 = arith.constant 0 : index
    %get3A_16 = arith.constant 0 : index
    %get3A_17 = vector.load %arg0[%get3A_14, %get3A_15, %get3A_16] : memref<2x10112x80xf32, #tpu.memory_space<vmem>>, vector<1x10000x64xf32>
    %get3A_18 = vector.shape_cast %get3A_17 : vector<1x10000x64xf32> to vector<10000x64xf32>
    %add3A_19 = arith.addf %get3A_13, %get3A_18 : vector<10000x64xf32>
    %max3A = arith.constant 1.000000e+00 : f32
    %max3A_20 = vector.broadcast %max3A : f32 to vector<10000x1xf32>
    %max3A_21 = arith.maximumf %add3A, %max3A_20 : vector<10000x1xf32>
    %div3A = vector.broadcast %max3A_21 : vector<10000x1xf32> to vector<10000x64xf32>
    %div3A_22 = arith.divf %add3A_19, %div3A : vector<10000x64xf32>
    %get3A_23 = arith.constant 0 : index
    %get3A_24 = arith.constant 0 : index
    %get3A_25 = vector.load %arg1[%get3A_23, %get3A_24] : memref<10000x64xf32, #tpu.memory_space<vmem>>, vector<10000x64xf32>
    %add3A_26 = arith.addf %div3A_22, %get3A_25 : vector<10000x64xf32>
    %get3A_27 = arith.constant 0 : index
    %get3A_28 = arith.constant 0 : index
    %get3A_29 = vector.load %arg2[%get3A_27, %get3A_28] : memref<1x64xf32, #tpu.memory_space<vmem>>, vector<1x64xf32>
    %get3A_30 = arith.constant 0 : index
    %get3A_31 = arith.constant 0 : index
    %get3A_32 = vector.load %arg3[%get3A_30, %get3A_31] : memref<1x64xf32, #tpu.memory_space<vmem>>, vector<1x64xf32>
    %reduce_sum3A = arith.constant dense<0.000000e+00> : vector<64xf32>
    %reduce_sum3A_33 = vector.multi_reduction <add>, %add3A_26, %reduce_sum3A [0] : vector<10000x64xf32> to vector<64xf32>
    %div3A_34 = arith.constant 1.000000e+04 : f32
    %div3A_35 = vector.broadcast %div3A_34 : f32 to vector<64xf32>
    %div3A_36 = arith.divf %reduce_sum3A_33, %div3A_35 : vector<64xf32>
    %broadcast_in_dim3A = vector.shape_cast %div3A_36 : vector<64xf32> to vector<1x64xf32>
    %sub3A = vector.broadcast %broadcast_in_dim3A : vector<1x64xf32> to vector<10000x64xf32>
    %sub3A_37 = arith.subf %add3A_26, %sub3A : vector<10000x64xf32>
    %integer_pow3A = arith.mulf %sub3A_37, %sub3A_37 : vector<10000x64xf32>
    %reduce_sum3A_38 = arith.constant dense<0.000000e+00> : vector<64xf32>
    %reduce_sum3A_39 = vector.multi_reduction <add>, %integer_pow3A, %reduce_sum3A_38 [0] : vector<10000x64xf32> to vector<64xf32>
    %div3A_40 = arith.constant 1.000000e+04 : f32
    %div3A_41 = vector.broadcast %div3A_40 : f32 to vector<64xf32>
    %div3A_42 = arith.divf %reduce_sum3A_39, %div3A_41 : vector<64xf32>
    %broadcast_in_dim3A_43 = vector.shape_cast %div3A_36 : vector<64xf32> to vector<1x64xf32>
    %sub3A_44 = vector.broadcast %broadcast_in_dim3A_43 : vector<1x64xf32> to vector<10000x64xf32>
    %sub3A_45 = arith.subf %add3A_26, %sub3A_44 : vector<10000x64xf32>
    %add3A_46 = arith.constant 9.99999974E-6 : f32
    %add3A_47 = vector.broadcast %add3A_46 : f32 to vector<64xf32>
    %add3A_48 = arith.addf %div3A_42, %add3A_47 : vector<64xf32>
    %sqrt3A = math.sqrt %add3A_48 : vector<64xf32>
    %broadcast_in_dim3A_49 = vector.shape_cast %sqrt3A : vector<64xf32> to vector<1x64xf32>
    %div3A_50 = vector.broadcast %broadcast_in_dim3A_49 : vector<1x64xf32> to vector<10000x64xf32>
    %div3A_51 = arith.divf %sub3A_45, %div3A_50 : vector<10000x64xf32>
    %mul3A = vector.broadcast %get3A_29 : vector<1x64xf32> to vector<10000x64xf32>
    %mul3A_52 = arith.mulf %div3A_51, %mul3A : vector<10000x64xf32>
    %add3A_53 = vector.broadcast %get3A_32 : vector<1x64xf32> to vector<10000x64xf32>
    %add3A_54 = arith.addf %mul3A_52, %add3A_53 : vector<10000x64xf32>
    %max3A_55 = arith.constant 0.000000e+00 : f32
    %max3A_56 = vector.broadcast %max3A_55 : f32 to vector<10000x64xf32>
    %max3A_57 = arith.maximumf %add3A_54, %max3A_56 : vector<10000x64xf32>
    %swap3A = arith.constant 0 : index
    %swap3A_58 = arith.constant 0 : index
    %swap3A_59 = vector.load %arg9[%swap3A, %swap3A_58] : memref<10000x1xf32, #tpu.memory_space<vmem>>, vector<10000x1xf32>
    tpu.vector_store %arg9[%swap3A, %swap3A_58], %add3A {strides = array<i32>} : memref<10000x1xf32, #tpu.memory_space<vmem>>, vector<10000x1xf32>,
    %get3A_60 = arith.constant 0 : index
    %get3A_61 = arith.constant 0 : index
    %get3A_62 = vector.load %arg4[%get3A_60, %get3A_61] : memref<64x64xf32, #tpu.memory_space<vmem>>, vector<64x64xf32>
    %dot_general3A = arith.constant dense<0.000000e+00> : vector<10000x64xf32>
    %dot_general3A_63 = tpu.matmul %max3A_57, %get3A_62, %dot_general3A {dimension_numbers = #tpu.dot_dimension_numbers<[1], [0], [0], [1], [0, 0, 1, 1], [], []>, transpose_lhs_hint = false} : vector<10000x64xf32>, vector<64x64xf32>, vector<10000x64xf32> -> vector<10000x64xf32>
    %swap3A_64 = arith.constant 0 : index
    %swap3A_65 = arith.constant 0 : index
    %swap3A_66 = vector.load %arg7[%swap3A_64, %swap3A_65] : memref<10112x64xf32, #tpu.memory_space<vmem>>, vector<10000x64xf32>
    tpu.vector_store %arg7[%swap3A_64, %swap3A_65], %dot_general3A_63 {strides = array<i32>} : memref<10112x64xf32, #tpu.memory_space<vmem>>, vector<10000x64xf32>,
    %get3A_67 = arith.constant 0 : index
    %get3A_68 = arith.constant 0 : index
    %get3A_69 = vector.load %arg5[%get3A_67, %get3A_68] : memref<64x64xf32, #tpu.memory_space<vmem>>, vector<64x64xf32>
    %dot_general3A_70 = arith.constant dense<0.000000e+00> : vector<10000x64xf32>
    %dot_general3A_71 = tpu.matmul %max3A_57, %get3A_69, %dot_general3A_70 {dimension_numbers = #tpu.dot_dimension_numbers<[1], [0], [0], [1], [0, 0, 1, 1], [], []>, transpose_lhs_hint = false} : vector<10000x64xf32>, vector<64x64xf32>, vector<10000x64xf32> -> vector<10000x64xf32>
    %get3A_72 = arith.constant 0 : index
    %get3A_73 = arith.constant 0 : index
    %get3A_74 = vector.load %arg6[%get3A_72, %get3A_73] : memref<1x64xf32, #tpu.memory_space<vmem>>, vector<1x64xf32>
    %add3A_75 = vector.broadcast %get3A_74 : vector<1x64xf32> to vector<10000x64xf32>
    %add3A_76 = arith.addf %dot_general3A_71, %add3A_75 : vector<10000x64xf32>
    %swap3A_77 = arith.constant 0 : index
    %swap3A_78 = arith.constant 0 : index
    %swap3A_79 = vector.load %arg8[%swap3A_77, %swap3A_78] : memref<10000x64xf32, #tpu.memory_space<vmem>>, vector<10000x64xf32>
    tpu.vector_store %arg8[%swap3A_77, %swap3A_78], %add3A_76 {strides = array<i32>} : memref<10000x64xf32, #tpu.memory_space<vmem>>, vector<10000x64xf32>,
    return
  }
}

module attributes {stable_mosaic.version = 14 : i64} {
  func.func @_post1_body(%arg0: memref<2x10112x64xf32, #tpu.memory_space<vmem>>, %arg1: memref<10000x1xf32, #tpu.memory_space<vmem>>, %arg2: memref<10000x64xf32, #tpu.memory_space<vmem>>, %arg3: memref<1x64xf32, #tpu.memory_space<vmem>>, %arg4: memref<1x64xf32, #tpu.memory_space<vmem>>, %arg5: memref<64x64xf32, #tpu.memory_space<vmem>>, %arg6: memref<64x64xf32, #tpu.memory_space<vmem>>, %arg7: memref<1x64xf32, #tpu.memory_space<vmem>>, %arg8: memref<10112x64xf32, #tpu.memory_space<vmem>>, %arg9: memref<10000x64xf32, #tpu.memory_space<vmem>>) attributes {dimension_semantics = [], scalar_prefetch = 0 : i64, scratch_operands = 0 : i64, tpu.core_type = #tpu.core_type<tc>} {
    %get3A = arith.constant 0 : index
    %get3A_0 = arith.constant 0 : index
    %get3A_1 = vector.load %arg1[%get3A, %get3A_0] : memref<10000x1xf32, #tpu.memory_space<vmem>>, vector<10000x1xf32>
    %get3A_2 = arith.constant 0 : index
    %get3A_3 = arith.constant 0 : index
    %get3A_4 = arith.constant 0 : index
    %get3A_5 = vector.load %arg0[%get3A_2, %get3A_3, %get3A_4] : memref<2x10112x64xf32, #tpu.memory_space<vmem>>, vector<1x10000x64xf32>
    %get3A_6 = vector.shape_cast %get3A_5 : vector<1x10000x64xf32> to vector<10000x64xf32>
    %get3A_7 = arith.constant 1 : index
    %get3A_8 = arith.constant 0 : index
    %get3A_9 = arith.constant 0 : index
    %get3A_10 = vector.load %arg0[%get3A_7, %get3A_8, %get3A_9] : memref<2x10112x64xf32, #tpu.memory_space<vmem>>, vector<1x10000x64xf32>
    %get3A_11 = vector.shape_cast %get3A_10 : vector<1x10000x64xf32> to vector<10000x64xf32>
    %add3A = arith.addf %get3A_6, %get3A_11 : vector<10000x64xf32>
    %max3A = arith.constant 1.000000e+00 : f32
    %max3A_12 = vector.broadcast %max3A : f32 to vector<10000x1xf32>
    %max3A_13 = arith.maximumf %get3A_1, %max3A_12 : vector<10000x1xf32>
    %div3A = vector.broadcast %max3A_13 : vector<10000x1xf32> to vector<10000x64xf32>
    %div3A_14 = arith.divf %add3A, %div3A : vector<10000x64xf32>
    %get3A_15 = arith.constant 0 : index
    %get3A_16 = arith.constant 0 : index
    %get3A_17 = vector.load %arg2[%get3A_15, %get3A_16] : memref<10000x64xf32, #tpu.memory_space<vmem>>, vector<10000x64xf32>
    %add3A_18 = arith.addf %div3A_14, %get3A_17 : vector<10000x64xf32>
    %get3A_19 = arith.constant 0 : index
    %get3A_20 = arith.constant 0 : index
    %get3A_21 = vector.load %arg3[%get3A_19, %get3A_20] : memref<1x64xf32, #tpu.memory_space<vmem>>, vector<1x64xf32>
    %get3A_22 = arith.constant 0 : index
    %get3A_23 = arith.constant 0 : index
    %get3A_24 = vector.load %arg4[%get3A_22, %get3A_23] : memref<1x64xf32, #tpu.memory_space<vmem>>, vector<1x64xf32>
    %reduce_sum3A = arith.constant dense<0.000000e+00> : vector<64xf32>
    %reduce_sum3A_25 = vector.multi_reduction <add>, %add3A_18, %reduce_sum3A [0] : vector<10000x64xf32> to vector<64xf32>
    %div3A_26 = arith.constant 1.000000e+04 : f32
    %div3A_27 = vector.broadcast %div3A_26 : f32 to vector<64xf32>
    %div3A_28 = arith.divf %reduce_sum3A_25, %div3A_27 : vector<64xf32>
    %broadcast_in_dim3A = vector.shape_cast %div3A_28 : vector<64xf32> to vector<1x64xf32>
    %sub3A = vector.broadcast %broadcast_in_dim3A : vector<1x64xf32> to vector<10000x64xf32>
    %sub3A_29 = arith.subf %add3A_18, %sub3A : vector<10000x64xf32>
    %integer_pow3A = arith.mulf %sub3A_29, %sub3A_29 : vector<10000x64xf32>
    %reduce_sum3A_30 = arith.constant dense<0.000000e+00> : vector<64xf32>
    %reduce_sum3A_31 = vector.multi_reduction <add>, %integer_pow3A, %reduce_sum3A_30 [0] : vector<10000x64xf32> to vector<64xf32>
    %div3A_32 = arith.constant 1.000000e+04 : f32
    %div3A_33 = vector.broadcast %div3A_32 : f32 to vector<64xf32>
    %div3A_34 = arith.divf %reduce_sum3A_31, %div3A_33 : vector<64xf32>
    %broadcast_in_dim3A_35 = vector.shape_cast %div3A_28 : vector<64xf32> to vector<1x64xf32>
    %sub3A_36 = vector.broadcast %broadcast_in_dim3A_35 : vector<1x64xf32> to vector<10000x64xf32>
    %sub3A_37 = arith.subf %add3A_18, %sub3A_36 : vector<10000x64xf32>
    %add3A_38 = arith.constant 9.99999974E-6 : f32
    %add3A_39 = vector.broadcast %add3A_38 : f32 to vector<64xf32>
    %add3A_40 = arith.addf %div3A_34, %add3A_39 : vector<64xf32>
    %sqrt3A = math.sqrt %add3A_40 : vector<64xf32>
    %broadcast_in_dim3A_41 = vector.shape_cast %sqrt3A : vector<64xf32> to vector<1x64xf32>
    %div3A_42 = vector.broadcast %broadcast_in_dim3A_41 : vector<1x64xf32> to vector<10000x64xf32>
    %div3A_43 = arith.divf %sub3A_37, %div3A_42 : vector<10000x64xf32>
    %mul3A = vector.broadcast %get3A_21 : vector<1x64xf32> to vector<10000x64xf32>
    %mul3A_44 = arith.mulf %div3A_43, %mul3A : vector<10000x64xf32>
    %add3A_45 = vector.broadcast %get3A_24 : vector<1x64xf32> to vector<10000x64xf32>
    %add3A_46 = arith.addf %mul3A_44, %add3A_45 : vector<10000x64xf32>
    %max3A_47 = arith.constant 0.000000e+00 : f32
    %max3A_48 = vector.broadcast %max3A_47 : f32 to vector<10000x64xf32>
    %max3A_49 = arith.maximumf %add3A_46, %max3A_48 : vector<10000x64xf32>
    %get3A_50 = arith.constant 0 : index
    %get3A_51 = arith.constant 0 : index
    %get3A_52 = vector.load %arg5[%get3A_50, %get3A_51] : memref<64x64xf32, #tpu.memory_space<vmem>>, vector<64x64xf32>
    %dot_general3A = arith.constant dense<0.000000e+00> : vector<10000x64xf32>
    %dot_general3A_53 = tpu.matmul %max3A_49, %get3A_52, %dot_general3A {dimension_numbers = #tpu.dot_dimension_numbers<[1], [0], [0], [1], [0, 0, 1, 1], [], []>, transpose_lhs_hint = false} : vector<10000x64xf32>, vector<64x64xf32>, vector<10000x64xf32> -> vector<10000x64xf32>
    %swap3A = arith.constant 0 : index
    %swap3A_54 = arith.constant 0 : index
    %swap3A_55 = vector.load %arg8[%swap3A, %swap3A_54] : memref<10112x64xf32, #tpu.memory_space<vmem>>, vector<10000x64xf32>
    tpu.vector_store %arg8[%swap3A, %swap3A_54], %dot_general3A_53 {strides = array<i32>} : memref<10112x64xf32, #tpu.memory_space<vmem>>, vector<10000x64xf32>,
    %get3A_56 = arith.constant 0 : index
    %get3A_57 = arith.constant 0 : index
    %get3A_58 = vector.load %arg6[%get3A_56, %get3A_57] : memref<64x64xf32, #tpu.memory_space<vmem>>, vector<64x64xf32>
    %dot_general3A_59 = arith.constant dense<0.000000e+00> : vector<10000x64xf32>
    %dot_general3A_60 = tpu.matmul %max3A_49, %get3A_58, %dot_general3A_59 {dimension_numbers = #tpu.dot_dimension_numbers<[1], [0], [0], [1], [0, 0, 1, 1], [], []>, transpose_lhs_hint = false} : vector<10000x64xf32>, vector<64x64xf32>, vector<10000x64xf32> -> vector<10000x64xf32>
    %get3A_61 = arith.constant 0 : index
    %get3A_62 = arith.constant 0 : index
    %get3A_63 = vector.load %arg7[%get3A_61, %get3A_62] : memref<1x64xf32, #tpu.memory_space<vmem>>, vector<1x64xf32>
    %add3A_64 = vector.broadcast %get3A_63 : vector<1x64xf32> to vector<10000x64xf32>
    %add3A_65 = arith.addf %dot_general3A_60, %add3A_64 : vector<10000x64xf32>
    %swap3A_66 = arith.constant 0 : index
    %swap3A_67 = arith.constant 0 : index
    %swap3A_68 = vector.load %arg9[%swap3A_66, %swap3A_67] : memref<10000x64xf32, #tpu.memory_space<vmem>>, vector<10000x64xf32>
    tpu.vector_store %arg9[%swap3A_66, %swap3A_67], %add3A_65 {strides = array<i32>} : memref<10000x64xf32, #tpu.memory_space<vmem>>, vector<10000x64xf32>,
    return
  }
}

module attributes {stable_mosaic.version = 14 : i64} {
  func.func @_final_body(%arg0: memref<2x10112x64xf32, #tpu.memory_space<vmem>>, %arg1: memref<10000x1xf32, #tpu.memory_space<vmem>>, %arg2: memref<10000x64xf32, #tpu.memory_space<vmem>>, %arg3: memref<1x64xf32, #tpu.memory_space<vmem>>, %arg4: memref<1x64xf32, #tpu.memory_space<vmem>>, %arg5: memref<1x10000xi32, #tpu.memory_space<vmem>>, %arg6: memref<64x45xf32, #tpu.memory_space<vmem>>, %arg7: memref<1x45xf32, #tpu.memory_space<vmem>>, %arg8: memref<1x45xf32, #tpu.memory_space<vmem>>, %arg9: memref<64x64xf32, #tpu.memory_space<vmem>>, %arg10: memref<45x64xf32, #tpu.memory_space<vmem>>, %arg11: memref<1x64xf32, #tpu.memory_space<vmem>>, %arg12: memref<64x32xf32, #tpu.memory_space<vmem>>, %arg13: memref<1x32xf32, #tpu.memory_space<vmem>>, %arg14: memref<32x2xf32, #tpu.memory_space<vmem>>, %arg15: memref<1x2xf32, #tpu.memory_space<vmem>>, %arg16: memref<64x109xf32, #tpu.memory_space<vmem>>, %arg17: memref<45x109xf32, #tpu.memory_space<vmem>>, %arg18: memref<1x109xf32, #tpu.memory_space<vmem>>, %arg19: memref<64x2xf32, #tpu.memory_space<vmem>>, %arg20: memref<64x109xf32, #tpu.memory_space<vmem>>, %arg21: memref<10000x64xf32, #tpu.memory_space<vmem>>) attributes {dimension_semantics = [], scalar_prefetch = 0 : i64, scratch_operands = 0 : i64, tpu.core_type = #tpu.core_type<tc>} {
    %get3A = arith.constant 0 : index
    %get3A_0 = arith.constant 0 : index
    %get3A_1 = vector.load %arg1[%get3A, %get3A_0] : memref<10000x1xf32, #tpu.memory_space<vmem>>, vector<10000x1xf32>
    %get3A_2 = arith.constant 0 : index
    %get3A_3 = arith.constant 0 : index
    %get3A_4 = arith.constant 0 : index
    %get3A_5 = vector.load %arg0[%get3A_2, %get3A_3, %get3A_4] : memref<2x10112x64xf32, #tpu.memory_space<vmem>>, vector<1x10000x64xf32>
    %get3A_6 = vector.shape_cast %get3A_5 : vector<1x10000x64xf32> to vector<10000x64xf32>
    %get3A_7 = arith.constant 1 : index
    %get3A_8 = arith.constant 0 : index
    %get3A_9 = arith.constant 0 : index
    %get3A_10 = vector.load %arg0[%get3A_7, %get3A_8, %get3A_9] : memref<2x10112x64xf32, #tpu.memory_space<vmem>>, vector<1x10000x64xf32>
    %get3A_11 = vector.shape_cast %get3A_10 : vector<1x10000x64xf32> to vector<10000x64xf32>
    %add3A = arith.addf %get3A_6, %get3A_11 : vector<10000x64xf32>
    %max3A = arith.constant 1.000000e+00 : f32
    %max3A_12 = vector.broadcast %max3A : f32 to vector<10000x1xf32>
    %max3A_13 = arith.maximumf %get3A_1, %max3A_12 : vector<10000x1xf32>
    %div3A = vector.broadcast %max3A_13 : vector<10000x1xf32> to vector<10000x64xf32>
    %div3A_14 = arith.divf %add3A, %div3A : vector<10000x64xf32>
    %get3A_15 = arith.constant 0 : index
    %get3A_16 = arith.constant 0 : index
    %get3A_17 = vector.load %arg2[%get3A_15, %get3A_16] : memref<10000x64xf32, #tpu.memory_space<vmem>>, vector<10000x64xf32>
    %add3A_18 = arith.addf %div3A_14, %get3A_17 : vector<10000x64xf32>
    %get3A_19 = arith.constant 0 : index
    %get3A_20 = arith.constant 0 : index
    %get3A_21 = vector.load %arg3[%get3A_19, %get3A_20] : memref<1x64xf32, #tpu.memory_space<vmem>>, vector<1x64xf32>
    %get3A_22 = arith.constant 0 : index
    %get3A_23 = arith.constant 0 : index
    %get3A_24 = vector.load %arg4[%get3A_22, %get3A_23] : memref<1x64xf32, #tpu.memory_space<vmem>>, vector<1x64xf32>
    %reduce_sum3A = arith.constant dense<0.000000e+00> : vector<64xf32>
    %reduce_sum3A_25 = vector.multi_reduction <add>, %add3A_18, %reduce_sum3A [0] : vector<10000x64xf32> to vector<64xf32>
    %div3A_26 = arith.constant 1.000000e+04 : f32
    %div3A_27 = vector.broadcast %div3A_26 : f32 to vector<64xf32>
    %div3A_28 = arith.divf %reduce_sum3A_25, %div3A_27 : vector<64xf32>
    %broadcast_in_dim3A = vector.shape_cast %div3A_28 : vector<64xf32> to vector<1x64xf32>
    %sub3A = vector.broadcast %broadcast_in_dim3A : vector<1x64xf32> to vector<10000x64xf32>
    %sub3A_29 = arith.subf %add3A_18, %sub3A : vector<10000x64xf32>
    %integer_pow3A = arith.mulf %sub3A_29, %sub3A_29 : vector<10000x64xf32>
    %reduce_sum3A_30 = arith.constant dense<0.000000e+00> : vector<64xf32>
    %reduce_sum3A_31 = vector.multi_reduction <add>, %integer_pow3A, %reduce_sum3A_30 [0] : vector<10000x64xf32> to vector<64xf32>
    %div3A_32 = arith.constant 1.000000e+04 : f32
    %div3A_33 = vector.broadcast %div3A_32 : f32 to vector<64xf32>
    %div3A_34 = arith.divf %reduce_sum3A_31, %div3A_33 : vector<64xf32>
    %broadcast_in_dim3A_35 = vector.shape_cast %div3A_28 : vector<64xf32> to vector<1x64xf32>
    %sub3A_36 = vector.broadcast %broadcast_in_dim3A_35 : vector<1x64xf32> to vector<10000x64xf32>
    %sub3A_37 = arith.subf %add3A_18, %sub3A_36 : vector<10000x64xf32>
    %add3A_38 = arith.constant 9.99999974E-6 : f32
    %add3A_39 = vector.broadcast %add3A_38 : f32 to vector<64xf32>
    %add3A_40 = arith.addf %div3A_34, %add3A_39 : vector<64xf32>
    %sqrt3A = math.sqrt %add3A_40 : vector<64xf32>
    %broadcast_in_dim3A_41 = vector.shape_cast %sqrt3A : vector<64xf32> to vector<1x64xf32>
    %div3A_42 = vector.broadcast %broadcast_in_dim3A_41 : vector<1x64xf32> to vector<10000x64xf32>
    %div3A_43 = arith.divf %sub3A_37, %div3A_42 : vector<10000x64xf32>
    %mul3A = vector.broadcast %get3A_21 : vector<1x64xf32> to vector<10000x64xf32>
    %mul3A_44 = arith.mulf %div3A_43, %mul3A : vector<10000x64xf32>
    %add3A_45 = vector.broadcast %get3A_24 : vector<1x64xf32> to vector<10000x64xf32>
    %add3A_46 = arith.addf %mul3A_44, %add3A_45 : vector<10000x64xf32>
    %max3A_47 = arith.constant 0.000000e+00 : f32
    %max3A_48 = vector.broadcast %max3A_47 : f32 to vector<10000x64xf32>
    %max3A_49 = arith.maximumf %add3A_46, %max3A_48 : vector<10000x64xf32>
    %swap3A = arith.constant 0 : index
    %swap3A_50 = arith.constant 0 : index
    %swap3A_51 = vector.load %arg21[%swap3A, %swap3A_50] : memref<10000x64xf32, #tpu.memory_space<vmem>>, vector<10000x64xf32>
    tpu.vector_store %arg21[%swap3A, %swap3A_50], %max3A_49 {strides = array<i32>} : memref<10000x64xf32, #tpu.memory_space<vmem>>, vector<10000x64xf32>,
    %iota3A = tpu.iota {dimensions = array<i32: 0>} : vector<64x10000xi32>
    %get3A_52 = arith.constant 0 : index
    %get3A_53 = arith.constant 0 : index
    %get3A_54 = vector.load %arg5[%get3A_52, %get3A_53] : memref<1x10000xi32, #tpu.memory_space<vmem>>, vector<1x10000xi32>
    %eq3A = vector.broadcast %get3A_54 : vector<1x10000xi32> to vector<64x10000xi32>
    %eq3A_55 = arith.cmpi eq, %iota3A, %eq3A : vector<64x10000xi32>
    %jit3A = arith.constant 1.000000e+00 : f32
    %jit3A_56 = arith.constant 0.000000e+00 : f32
    %broadcast_in_dim3A_57 = vector.broadcast %jit3A : f32 to vector<64x10000xf32>
    %broadcast_in_dim3A_58 = vector.broadcast %jit3A_56 : f32 to vector<64x10000xf32>
    %select_n3A = arith.select %eq3A_55, %broadcast_in_dim3A_57, %broadcast_in_dim3A_58 : vector<64x10000xi1>, vector<64x10000xf32>
    %dot_general3A = arith.constant dense<0.000000e+00> : vector<64x64xf32>
    %dot_general3A_59 = tpu.matmul %select_n3A, %max3A_49, %dot_general3A {dimension_numbers = #tpu.dot_dimension_numbers<[1], [0], [0], [1], [0, 0, 1, 1], [], []>, transpose_lhs_hint = false} : vector<64x10000xf32>, vector<10000x64xf32>, vector<64x64xf32> -> vector<64x64xf32>
    %reduce_sum3A_60 = arith.constant dense<0.000000e+00> : vector<64xf32>
    %reduce_sum3A_61 = vector.multi_reduction <add>, %select_n3A, %reduce_sum3A_60 [1] : vector<64x10000xf32> to vector<64xf32>
    %broadcast_in_dim3A_62 = vector.shape_cast %reduce_sum3A_61 : vector<64xf32> to vector<64x1xf32>
    %max3A_63 = arith.constant 1.000000e+00 : f32
    %max3A_64 = vector.broadcast %max3A_63 : f32 to vector<64x1xf32>
    %max3A_65 = arith.maximumf %broadcast_in_dim3A_62, %max3A_64 : vector<64x1xf32>
    %div3A_66 = vector.broadcast %max3A_65 : vector<64x1xf32> to vector<64x64xf32>
    %div3A_67 = arith.divf %dot_general3A_59, %div3A_66 : vector<64x64xf32>
    %get3A_68 = arith.constant 0 : index
    %get3A_69 = arith.constant 0 : index
    %get3A_70 = vector.load %arg6[%get3A_68, %get3A_69] : memref<64x45xf32, #tpu.memory_space<vmem>>, vector<64x45xf32>
    %get3A_71 = arith.constant 0 : index
    %get3A_72 = arith.constant 0 : index
    %get3A_73 = vector.load %arg7[%get3A_71, %get3A_72] : memref<1x45xf32, #tpu.memory_space<vmem>>, vector<1x45xf32>
    %get3A_74 = arith.constant 0 : index
    %get3A_75 = arith.constant 0 : index
    %get3A_76 = vector.load %arg8[%get3A_74, %get3A_75] : memref<1x45xf32, #tpu.memory_space<vmem>>, vector<1x45xf32>
    %reduce_sum3A_77 = arith.constant dense<0.000000e+00> : vector<45xf32>
    %reduce_sum3A_78 = vector.multi_reduction <add>, %get3A_70, %reduce_sum3A_77 [0] : vector<64x45xf32> to vector<45xf32>
    %div3A_79 = arith.constant 6.400000e+01 : f32
    %div3A_80 = vector.broadcast %div3A_79 : f32 to vector<45xf32>
    %div3A_81 = arith.divf %reduce_sum3A_78, %div3A_80 : vector<45xf32>
    %broadcast_in_dim3A_82 = vector.shape_cast %div3A_81 : vector<45xf32> to vector<1x45xf32>
    %sub3A_83 = vector.broadcast %broadcast_in_dim3A_82 : vector<1x45xf32> to vector<64x45xf32>
    %sub3A_84 = arith.subf %get3A_70, %sub3A_83 : vector<64x45xf32>
    %integer_pow3A_85 = arith.mulf %sub3A_84, %sub3A_84 : vector<64x45xf32>
    %reduce_sum3A_86 = arith.constant dense<0.000000e+00> : vector<45xf32>
    %reduce_sum3A_87 = vector.multi_reduction <add>, %integer_pow3A_85, %reduce_sum3A_86 [0] : vector<64x45xf32> to vector<45xf32>
    %div3A_88 = arith.constant 6.400000e+01 : f32
    %div3A_89 = vector.broadcast %div3A_88 : f32 to vector<45xf32>
    %div3A_90 = arith.divf %reduce_sum3A_87, %div3A_89 : vector<45xf32>
    %broadcast_in_dim3A_91 = vector.shape_cast %div3A_81 : vector<45xf32> to vector<1x45xf32>
    %sub3A_92 = vector.broadcast %broadcast_in_dim3A_91 : vector<1x45xf32> to vector<64x45xf32>
    %sub3A_93 = arith.subf %get3A_70, %sub3A_92 : vector<64x45xf32>
    %add3A_94 = arith.constant 9.99999974E-6 : f32
    %add3A_95 = vector.broadcast %add3A_94 : f32 to vector<45xf32>
    %add3A_96 = arith.addf %div3A_90, %add3A_95 : vector<45xf32>
    %sqrt3A_97 = math.sqrt %add3A_96 : vector<45xf32>
    %broadcast_in_dim3A_98 = vector.shape_cast %sqrt3A_97 : vector<45xf32> to vector<1x45xf32>
    %div3A_99 = vector.broadcast %broadcast_in_dim3A_98 : vector<1x45xf32> to vector<64x45xf32>
    %div3A_100 = arith.divf %sub3A_93, %div3A_99 : vector<64x45xf32>
    %mul3A_101 = vector.broadcast %get3A_73 : vector<1x45xf32> to vector<64x45xf32>
    %mul3A_102 = arith.mulf %div3A_100, %mul3A_101 : vector<64x45xf32>
    %add3A_103 = vector.broadcast %get3A_76 : vector<1x45xf32> to vector<64x45xf32>
    %add3A_104 = arith.addf %mul3A_102, %add3A_103 : vector<64x45xf32>
    %get3A_105 = arith.constant 0 : index
    %get3A_106 = arith.constant 0 : index
    %get3A_107 = vector.load %arg9[%get3A_105, %get3A_106] : memref<64x64xf32, #tpu.memory_space<vmem>>, vector<64x64xf32>
    %dot_general3A_108 = arith.constant dense<0.000000e+00> : vector<64x64xf32>
    %dot_general3A_109 = tpu.matmul %div3A_67, %get3A_107, %dot_general3A_108 {dimension_numbers = #tpu.dot_dimension_numbers<[1], [0], [0], [1], [0, 0, 1, 1], [], []>, transpose_lhs_hint = false} : vector<64x64xf32>, vector<64x64xf32>, vector<64x64xf32> -> vector<64x64xf32>
    %get3A_110 = arith.constant 0 : index
    %get3A_111 = arith.constant 0 : index
    %get3A_112 = vector.load %arg10[%get3A_110, %get3A_111] : memref<45x64xf32, #tpu.memory_space<vmem>>, vector<45x64xf32>
    %dot_general3A_113 = arith.constant dense<0.000000e+00> : vector<64x64xf32>
    %dot_general3A_114 = tpu.matmul %add3A_104, %get3A_112, %dot_general3A_113 {dimension_numbers = #tpu.dot_dimension_numbers<[1], [0], [0], [1], [0, 0, 1, 1], [], []>, transpose_lhs_hint = false} : vector<64x45xf32>, vector<45x64xf32>, vector<64x64xf32> -> vector<64x64xf32>
    %add3A_115 = arith.addf %dot_general3A_109, %dot_general3A_114 : vector<64x64xf32>
    %get3A_116 = arith.constant 0 : index
    %get3A_117 = arith.constant 0 : index
    %get3A_118 = vector.load %arg11[%get3A_116, %get3A_117] : memref<1x64xf32, #tpu.memory_space<vmem>>, vector<1x64xf32>
    %add3A_119 = vector.broadcast %get3A_118 : vector<1x64xf32> to vector<64x64xf32>
    %add3A_120 = arith.addf %add3A_115, %add3A_119 : vector<64x64xf32>
    %max3A_121 = arith.constant 0.000000e+00 : f32
    %max3A_122 = vector.broadcast %max3A_121 : f32 to vector<64x64xf32>
    %max3A_123 = arith.maximumf %add3A_120, %max3A_122 : vector<64x64xf32>
    %get3A_124 = arith.constant 0 : index
    %get3A_125 = arith.constant 0 : index
    %get3A_126 = vector.load %arg12[%get3A_124, %get3A_125] : memref<64x32xf32, #tpu.memory_space<vmem>>, vector<64x32xf32>
    %dot_general3A_127 = arith.constant dense<0.000000e+00> : vector<64x32xf32>
    %dot_general3A_128 = tpu.matmul %max3A_123, %get3A_126, %dot_general3A_127 {dimension_numbers = #tpu.dot_dimension_numbers<[1], [0], [0], [1], [0, 0, 1, 1], [], []>, transpose_lhs_hint = false} : vector<64x64xf32>, vector<64x32xf32>, vector<64x32xf32> -> vector<64x32xf32>
    %get3A_129 = arith.constant 0 : index
    %get3A_130 = arith.constant 0 : index
    %get3A_131 = vector.load %arg13[%get3A_129, %get3A_130] : memref<1x32xf32, #tpu.memory_space<vmem>>, vector<1x32xf32>
    %add3A_132 = vector.broadcast %get3A_131 : vector<1x32xf32> to vector<64x32xf32>
    %add3A_133 = arith.addf %dot_general3A_128, %add3A_132 : vector<64x32xf32>
    %max3A_134 = arith.constant 0.000000e+00 : f32
    %max3A_135 = vector.broadcast %max3A_134 : f32 to vector<64x32xf32>
    %max3A_136 = arith.maximumf %add3A_133, %max3A_135 : vector<64x32xf32>
    %get3A_137 = arith.constant 0 : index
    %get3A_138 = arith.constant 0 : index
    %get3A_139 = vector.load %arg14[%get3A_137, %get3A_138] : memref<32x2xf32, #tpu.memory_space<vmem>>, vector<32x2xf32>
    %dot_general3A_140 = arith.constant dense<0.000000e+00> : vector<64x2xf32>
    %dot_general3A_141 = tpu.matmul %max3A_136, %get3A_139, %dot_general3A_140 {dimension_numbers = #tpu.dot_dimension_numbers<[1], [0], [0], [1], [0, 0, 1, 1], [], []>, transpose_lhs_hint = false} : vector<64x32xf32>, vector<32x2xf32>, vector<64x2xf32> -> vector<64x2xf32>
    %get3A_142 = arith.constant 0 : index
    %get3A_143 = arith.constant 0 : index
    %get3A_144 = vector.load %arg15[%get3A_142, %get3A_143] : memref<1x2xf32, #tpu.memory_space<vmem>>, vector<1x2xf32>
    %add3A_145 = vector.broadcast %get3A_144 : vector<1x2xf32> to vector<64x2xf32>
    %add3A_146 = arith.addf %dot_general3A_141, %add3A_145 : vector<64x2xf32>
    %swap3A_147 = arith.constant 0 : index
    %swap3A_148 = arith.constant 0 : index
    %swap3A_149 = vector.load %arg19[%swap3A_147, %swap3A_148] : memref<64x2xf32, #tpu.memory_space<vmem>>, vector<64x2xf32>
    tpu.vector_store %arg19[%swap3A_147, %swap3A_148], %add3A_146 {strides = array<i32>} : memref<64x2xf32, #tpu.memory_space<vmem>>, vector<64x2xf32>,
    %get3A_150 = arith.constant 0 : index
    %get3A_151 = arith.constant 0 : index
    %get3A_152 = vector.load %arg16[%get3A_150, %get3A_151] : memref<64x109xf32, #tpu.memory_space<vmem>>, vector<64x109xf32>
    %dot_general3A_153 = arith.constant dense<0.000000e+00> : vector<64x109xf32>
    %dot_general3A_154 = tpu.matmul %div3A_67, %get3A_152, %dot_general3A_153 {dimension_numbers = #tpu.dot_dimension_numbers<[1], [0], [0], [1], [0, 0, 1, 1], [], []>, transpose_lhs_hint = false} : vector<64x64xf32>, vector<64x109xf32>, vector<64x109xf32> -> vector<64x109xf32>
    %get3A_155 = arith.constant 0 : index
    %get3A_156 = arith.constant 0 : index
    %get3A_157 = vector.load %arg17[%get3A_155, %get3A_156] : memref<45x109xf32, #tpu.memory_space<vmem>>, vector<45x109xf32>
    %dot_general3A_158 = arith.constant dense<0.000000e+00> : vector<64x109xf32>
    %dot_general3A_159 = tpu.matmul %add3A_104, %get3A_157, %dot_general3A_158 {dimension_numbers = #tpu.dot_dimension_numbers<[1], [0], [0], [1], [0, 0, 1, 1], [], []>, transpose_lhs_hint = false} : vector<64x45xf32>, vector<45x109xf32>, vector<64x109xf32> -> vector<64x109xf32>
    %add3A_160 = arith.addf %dot_general3A_154, %dot_general3A_159 : vector<64x109xf32>
    %get3A_161 = arith.constant 0 : index
    %get3A_162 = arith.constant 0 : index
    %get3A_163 = vector.load %arg18[%get3A_161, %get3A_162] : memref<1x109xf32, #tpu.memory_space<vmem>>, vector<1x109xf32>
    %add3A_164 = vector.broadcast %get3A_163 : vector<1x109xf32> to vector<64x109xf32>
    %add3A_165 = arith.addf %add3A_160, %add3A_164 : vector<64x109xf32>
    %swap3A_166 = arith.constant 0 : index
    %swap3A_167 = arith.constant 0 : index
    %swap3A_168 = vector.load %arg20[%swap3A_166, %swap3A_167] : memref<64x109xf32, #tpu.memory_space<vmem>>, vector<64x109xf32>
    tpu.vector_store %arg20[%swap3A_166, %swap3A_167], %add3A_165 {strides = array<i32>} : memref<64x109xf32, #tpu.memory_space<vmem>>, vector<64x109xf32>,
    return
  }
}

</mosaic_0001>

<sc_bundles>
// kernel: kernel.10.cloned.1.call-start
scs
__scs_entry_jumppad:
0x0: {  	(pc) =	sbr.rel $0x88, $3  }
0x1: {  	(tag) =	ssettag $0x0;
	lr =	simm.s32 $0x1  }
0x2: {  	[smem:$0x3F84] =	sst lr;
	_ =	strace $0xD0000000  }
0x3: {  	_ = 	snop  }
0x4: {  	_ = 	snop  }
0x5: {  	_ = 	snop  }
0x6: {  	_ = 	snop  }
0x7: {  	_ = 	snop  }
__scs_overlays_trampoline_lowered:
0x8: {  	[smem:$0x3F93] =	sst s0  }
0x9: {  	[smem:$0x3F94] =	sst s1  }
0xa: {  	[smem:$0x3F95] =	sst s2  }
0xb: {  	[smem:$0x3F96] =	sst s3  }
0xc: {  	[smem:$0x3F97] =	sst s4  }
0xd: {  	[smem:$0x3F98] =	sst s5  }
0xe: {  	[smem:$0x3F99] =	sst s6  }
0xf: {  	[smem:$0x3F9A] =	sst s7  }
0x10: {  	[smem:$0x3F9B] =	sst s8  }
0x11: {  	[smem:$0x3F9C] =	sst s9;
	s0 =	simm.s32 @!p0 $0x0  }
0x12: {  	s1 =	sld [smem:$0x3F82];
	s0 =	simm.s32 @p0 $0x1  }
0x13: {  	[smem:$0x3F9D] =	sst s0;
	s0 =	simm.s32 @!p1 $0x0  }
0x14: {  	s2 =	sld [smem:$0x3F81];
	s0 =	simm.s32 @p1 $0x1  }
0x15: {  	[smem:$0x3F9E] =	sst s0;
	s0 =	simm.s32 @!p2 $0x0  }
0x16: {  	s3 =	sld [smem:$0x3FDB];
	s0 =	simm.s32 @p2 $0x1  }
0x17: {  	s4 =	simm.s32 $0x1BF5;
	[smem:$0x3FA0] =	sst s0  }
0x18: {  	s0 =	sld [smem:$0x3F83];
	_ =	swait.ge [sflag:s4], $0x0  }
0x19: {  	s7 =	sld [smem:$0x3F84]  }
0x1a: {  	s8 =	sadd.s32 $0xFFFFE003, lr  }
0x1b: {  	s9 =	sadd.s32 $0xFFFFFEF7, lr;
	s5 =	simm.s32 $0xFFFFFFFF;
	p2 =	slt.u32 s8, $0xFFFFF086  }
0x1c: {  	p1 =	slt.u32 s9, $0xF7A;
	s5 =	simm.s32 @!p2 $0x0  }
0x1d: {  	s5 =	simm.s32 @p1 $0x1;
	p0 =	seq.s32 s7, s2  }
0x1e: {  	s7 =	smul.u32 @!p0 $0xF7A, s2;
	p2 =	seq.s32 @!p0 s5, $0x0  }
0x1f: {  	s9 =	smul.u32 $0xF7A, s1;
	s8 =	simm.s32 @!p0 $0x1BF5;
	p2 =	por !p2, p0  }
0x20: {  	[sflag:s8] =	ssyncset.s32 @!p0 $0xFFFFF086;
	s6 =	sadd.s32 @!p0 s3, s7;
	s7 =	simm.s32 @!p0 $0x108  }
0x21: {  	s3 =	sadd.s32 s3, s9;
	s6 =	sadd.s32 @!p0 $0x88, s6;
	s7 =	simm.s32 @p2 $0x1082  }
0x22: {  	[simem:s7], [sflag:s8] =	dma.local @!p0 [hbm:s6], $0xF7A  }
0x23: {  	s9 =	sor.u32 $0xD0000000, s2;
	s6 =	simm.s32 $0x108;
	_ =	swait.ge @!p0 [sflag:s8], $0x0  }
0x24: {  	s3 =	sadd.s32 $0x88, s3;
	s6 =	simm.s32 @!p1 $0x1082;
	[sflag:s4] =	ssyncset.s32 $0xFFFFF086  }
0x25: {  	[simem:s6], [sflag:s4] =	dma.local [hbm:s3], $0xF7A  }
0x26: {  	[smem:$0x3F84] =	sst s1;
	(tag) =	ssettag s2;
	_ =	strace s9  }
0x27: {  	s1 =	sld [smem:$0x3F94]  }
0x28: {  	s2 =	sld [smem:$0x3F95]  }
0x29: {  	s4 =	sld [smem:$0x3F97]  }
0x2a: {  	p0 =	seq.s32 s5, $0x0;
	s5 =	sld [smem:$0x3F98]  }
0x2b: {  	s6 =	sld [smem:$0x3F99]  }
0x2c: {  	s7 =	sld [smem:$0x3F9A]  }
0x2d: {  	s3 =	simm.s32 $0x108;
	s8 =	sld [smem:$0x3F9B]  }
0x2e: {  	s3 =	simm.s32 @!p0 $0x1082;
	s9 =	sld [smem:$0x3F9C]  }
0x2f: {  	lr =	sadd.s32 s0, s3;
	s0 =	sld [smem:$0x3F93]  }
0x30: {  	s3 =	sld [smem:$0x3F96]  }
0x31: {  	[smem:$0x3F9F] =	sst s10  }
0x32: {  	s10 =	sld [smem:$0x3F9D];
	_ =	sdelay $0x3  }
0x33: {  	p0 =	seq.s32 s10, $0x1;
	s10 =	sld [smem:$0x3F9F];
	_ =	sdelay $0x3  }
0x34: {  	[smem:$0x3F9F] =	sst s10  }
0x35: {  	s10 =	sld [smem:$0x3F9E];
	_ =	sdelay $0x3  }
0x36: {  	p1 =	seq.s32 s10, $0x1;
	s10 =	sld [smem:$0x3F9F];
	_ =	sdelay $0x3  }
0x37: {  	[smem:$0x3F9F] =	sst s10  }
0x38: {  	s10 =	sld [smem:$0x3FA0]  }
0x39: {  	_ = 	snop;
	(pc) =	sbr.ind lr, $3  }
0x3a: {  	_ = 	snop  }
0x3b: {  	_ = 	snop  }
0x3c: {  	p2 =	seq.s32 s10, $0x1;
	s10 =	sld [smem:$0x3F9F]  }
0x3d: {  	_ =	shalt  }
0x3e: {  	_ =	shalt  }
0x3f: {  	_ =	shalt  }
0x40: {  	_ =	shalt  }
0x41: {  	_ =	shalt  }
0x42: {  	_ =	shalt  }
0x43: {  	_ =	shalt  }
0x44: {  	_ =	shalt  }
0x45: {  	_ =	shalt  }
0x46: {  	_ =	shalt  }
0x47: {  	_ =	shalt  }
0x48: {  	_ =	shalt  }
0x49: {  	_ =	shalt  }
0x4a: {  	_ =	shalt  }
0x4b: {  	_ =	shalt  }
0x4c: {  	_ =	shalt  }
0x4d: {  	_ =	shalt  }
0x4e: {  	_ =	shalt  }
0x4f: {  	_ =	shalt  }
0x50: {  	_ =	shalt  }
0x51: {  	_ =	shalt  }
0x52: {  	_ =	shalt  }
0x53: {  	_ =	shalt  }
0x54: {  	_ =	shalt  }
0x55: {  	_ =	shalt  }
0x56: {  	_ =	shalt  }
0x57: {  	_ =	shalt  }
0x58: {  	_ =	shalt  }
0x59: {  	_ =	shalt  }
0x5a: {  	_ =	shalt  }
0x5b: {  	_ =	shalt  }
0x5c: {  	_ =	shalt  }
0x5d: {  	_ =	shalt  }
0x5e: {  	_ =	shalt  }
0x5f: {  	_ =	shalt  }
0x60: {  	_ =	shalt  }
0x61: {  	_ =	shalt  }
0x62: {  	_ =	shalt  }
0x63: {  	_ =	shalt  }
0x64: {  	_ =	shalt  }
0x65: {  	_ =	shalt  }
0x66: {  	_ =	shalt  }
0x67: {  	_ =	shalt  }
0x68: {  	_ =	shalt  }
0x69: {  	_ =	shalt  }
0x6a: {  	_ =	shalt  }
0x6b: {  	_ =	shalt  }
0x6c: {  	_ =	shalt  }
0x6d: {  	_ =	shalt  }
0x6e: {  	_ =	shalt  }
0x6f: {  	_ =	shalt  }
0x70: {  	_ =	shalt  }
0x71: {  	_ =	shalt  }
0x72: {  	_ =	shalt  }
0x73: {  	_ =	shalt  }
0x74: {  	_ =	shalt  }
0x75: {  	_ =	shalt  }
0x76: {  	_ =	shalt  }
0x77: {  	_ =	shalt  }
0x78: {  	_ =	shalt  }
0x79: {  	_ =	shalt  }
0x7a: {  	_ =	shalt  }
0x7b: {  	_ =	shalt  }
0x7c: {  	_ =	shalt  }
0x7d: {  	_ =	shalt  }
0x7e: {  	_ =	shalt  }
0x7f: {  	_ =	shalt  }
0x80: {  	_ =	shalt  }
0x81: {  	_ =	shalt  }
0x82: {  	_ =	shalt  }
0x83: {  	_ =	shalt  }
0x84: {  	_ =	shalt  }
0x85: {  	_ =	shalt  }
0x86: {  	_ =	shalt  }
0x87: {  	_ =	shalt  }
.Lfunc_end0:
.L_simem_size_0:
called_computation_lowered:
.L_overlay_start_0:
0x88: {  	s2 =	sld [smem:$0x3FD9]  }
0x89: {  	s3 =	sld [smem:$0x3FFE];
	_ =	sdelay $0x1  }
0x8a: {  	s1 =	srdreg.scid  }
0x8b: {  	s0 =	sand.u32 $0x1, s1  }
0x8c: {  	s16 =	sshll.u32 s0, $0xA;
	s2 =	sadd.s32 s3, s2  }
0x8d: {  	s2 =	sadd.s32 s2, s16  }
0x8e: {  	[smem:$0x3FAB] =	sst s2  }
0x8f: {  	_ = 	snop  }
0x90: {  	(tm) =	ssettm $0x1  }
0x91: {  	s17 =	sld [smem:$0x3FFB];
	_ =	sdelay $0x3  }
0x92: {  	_ =	strace s17  }
0x93: {  	s2 =	sld [smem:$0x3FFC];
	_ =	sdelay $0x3  }
0x94: {  	_ =	strace s2  }
0x95: {  	s2 =	sld [smem:$0x3FFD];
	_ =	sdelay $0x3  }
0x96: {  	_ =	strace s2  }
0x97: {  	_ =	strace $0x8FFFFFFF  }
0x98: {  	s18 =	sld [smem:$0x3FDB];
	_ =	sdelay $0x1  }
0x99: {  	s19 =	simm.s32 $_scs_section_size  }
0x9a: {  	s4 =	simm.s32 $_size__tile_overlayer_lowered;
	s5 =	simm.s32 $_tile_overlayer_lowered  }
0x9b: {  	s22 =	simm.s32 $0x1BFF;
	s21 =	sshll.u32 s5, $0x1;
	s2 =	sadd.s32 s19, s18  }
0x9c: {  	s6 =	simm.s32 $0x0;
	s20 =	sshll.u32 s4, $0x1;
	s4 =	sadd.s32 s21, s2  }
0x9d: {  	[timem:s6], [sflag:s22] =	dma.local [hbm:s4], s20  }
0x9e: {  	_ =	swait.ge [sflag:s22], s20  }
0x9f: {  	s3 =	ssub.s32 $0x0, s20;
	[sflag:s22] =	ssyncset.done $0x0  }
0xa0: {  	[sflag:s22] =	ssyncadd.s32 s3;
	_ =	sdelay $0x1  }
0xa1: {  	s23 =	simm.s32 $0x1B8B  }
0xa2: {  	_ =	swait.ge [sflag:s23], $0x1  }
0xa3: {  	[sflag:s23] =	ssyncset.done $0x0  }
0xa4: {  	s25 =	simm.s32 $0x1B8E;
	s24 =	sld [smem:$0x3FFE];
	[sflag:s23] =	ssyncadd.s32 $0xFFFFFFFF  }
0xa5: {  	s26 =	simm.s32 $execute0_lowered;
	[smem:$0x3FD2] =	sst s25  }
0xa6: {  	s4 =	sshll.u32 s26, $0x1;
	_ =	strace $0x80000046;
	[dreg:$0x1] =	wrdreg $0xFFFFFFFF  }
0xa7: {  	s28 =	simm.s32 $_size_execute0_lowered;
	s2 =	sadd.s32 s2, s4;
	[dreg:$0x0] =	wrdreg $0x0  }
0xa8: {  	s4 =	sshll.u32 s28, $0x1;
	[dreg:$0x2] =	wrdreg s2  }
0xa9: {  	[dreg:$0x3] =	wrdreg s4  }
0xaa: {  	[dreg:$0x4] =	wrdreg $0xC0  }
0xab: {  	_ =	task [dreg:s6], $0x5FFFF  }
0xac: {  	[dreg:$0x1] =	wrdreg $0xFFFFFFFF  }
0xad: {  	[dreg:$0x0] =	wrdreg $0x60  }
0xae: {  	[dreg:$0x2] =	wrdreg s24  }
0xaf: {  	[dreg:$0x3] =	wrdreg $0xCB200  }
0xb0: {  	[dreg:$0x4] =	wrdreg $0x9  }
0xb1: {  	_ =	task.clear_ibuf [dreg:s6], $0x5FFFF;
	_ =	strace $0x90000046  }
0xb2: {  	s29 =	simm.s32 $0x9;
	_ =	strace $0x80000048  }
0xb3: {  	_ =	swait.ge [sflag:s29], $0x1  }
0xb4: {  	[sflag:s29] =	ssyncadd.s32 $0xFFFFFFFF  }
0xb5: {  	_ =	strace $0x90000048  }
0xb6: {  	_ =	sfence  }
0xb7: {  	s30 =	sld [smem:$0x0];
	_ =	sdelay $0x2  }
0xb8: {  	s31 =	sshll.u32 s1, $0xD;
	s1 =	sshrl.u32 s1, $0x2  }
0xb9: {  	s3 =	sand.u32 $0x4000, s31;
	s1 =	sadd.s32 s1, s30  }
0xba: {  	s0 =	sor.u32 s3, s0;
	s1 =	sshll.u32 s1, $0x11  }
0xbb: {  	s0 =	sor.u32 s1, s0  }
0xbc: {  	s0 =	sadd.s32 $0x8F2B, s0  }
0xbd: {  	[sflag:s0] =	ssyncadd.remote.s32 $0x1  }
0xbe: {  	_ =	sfence.sel $0xFFFF  }
0xbf: {  	[dreg:$0x0] =	wrdreg $0xFFFFFFFF;
	(pc) =	sbr.abs _section_cstart, $3  }
0xc0: {  	[dreg:$0x1] =	wrdreg $0xFFFFFFFF  }
0xc1: {  	_ =	task.clear_ibuf [dreg:s6], $0x2FFFF;
	_ =	strace $0x9FFFFFFF  }
0xc2: {  	(tm) =	ssettm $0x7FFFFFFF  }
0xc3: {  	_ =	shalt  }
tec
execute0_lowered:
.L_overlay_start_1:
0x0: {  	(tag) =	ssettag $0x1  }
0x1: {  	s0 =	srdreg.scid  }
0x2: {  	s12 =	stileid.u32;
	s5 =	rddreg [dreg:$0x0]  }
0x3: {  	s2 =	rddreg [dreg:$0x1];
	s3 =	simm.s32 $0x0;
	s14 =	simm.s32 $0x50  }
0x4: {  	s15 =	simm.s32 $0x4E20;
	s16 =	simm.s32 $0x6720;
	s18 =	simm.s32 $0x8020  }
0x5: {  	s20 =	simm.s32 $0x9920;
	s22 =	simm.s32 $0xB220;
	s23 =	simm.s32 $0x1  }
0x6: {  	s24 =	simm.s32 $0x2;
	s25 =	simm.s32 $0x3;
	s28 =	simm.s32 $0x5  }
0x7: {  	s29 =	simm.s32 $0x6;
	s30 =	simm.s32 $0x7;
	s31 =	simm.s32 $0x8  }
0x8: {  	s17 =	simm.s32 $0x0;
	s0 =	sand.u32 $0x1, s0;
	s1 =	sshll.u32 s12, $0x1  }
0x9: {  	s6 =	smul.u32 $0xC580, s12;
	[smem:$0x7FF] =	sst s3;
	s4 =	sadd.s32 $0x18400, s5  }
0xa: {  	s26 =	sshll.u32 s12, $0x6;
	s12 =	simm.s32 $0xB;
	s1 =	sor.u32 s0, s1  }
0xb: {  	s7 =	smul.u32 $0xC5800, s0;
	_ =	strace $0x80000047;
	s0 =	ssub.s32 $0x2, s0  }
0xc: {  	s1 =	smul.u32 $0x2710, s1;
	s8 =	sshrl.u32 s6, $0x3;
	s9 =	sshrl.u32 s0, $0x1  }
0xd: {  	s11 =	sadd.s32 s6, s2;
	s7 =	sadd.s32 s6, s7;
	s8 =	sadd.s32 s8, s5  }
0xe: {  	s0 =	ssub.s32 s0, s9;
	s6 =	sor.u32 $0x1C0B, s26;
	s11 =	sshrl.u32 s11, $0x3  }
0xf: {  	s26 =	simm.s32 $0x4;
	s1 =	sshrl.u32 s1, $0x3;
	s7 =	sshrl.u32 s7, $0x3  }
0x10: {  	s1 =	sadd.s32 s1, s5;
	s10 =	sadd.s32 s7, s5;
	s5 =	sadd.s32 $0x31000, s8  }
0x11: {  	s7 =	sadd.s32 $0x4A00, s1;
	s8 =	sadd.s32 $0xE640, s1;
	s9 =	sadd.s32 $0x49C00, s10  }
0x12: {  	s10 =	smax.u32 s0, $0x1;
	s1 =	simm.s32 $0x9;
	s0 =	simm.s32 $0xA  }
.LBB2_1:
0x13: {  	[spmem:s11], [sflag:s6] =	dma.local [hbm:s5], $0x18B0  }
0x14: {  	_ =	swait.ge [sflag:s12], $0x18B0  }
0x15: {  	[sflag:s12] =	ssyncset.done $0x0  }
0x16: {  	[sflag:s12] =	ssyncadd.s32 $0xFFFFE750  }
0x17: {  	[tilespmem:s3], [sflag:$0xB] =	stream.linear.gather [hbm4b:s7+s3], $0x2710, $0x38;
	[tilespmem:$0x190A0] =	vst v63  }
0x18: {  	_ =	swait.ge [sflag:s12], $0x2710  }
0x19: {  	[sflag:s12] =	ssyncset.done $0x0  }
0x1a: {  	s13 =	simm.s32 $0x2710;
	[sflag:s12] =	ssyncadd.s32 $0xFFFFD8F0  }
0x1b: {  	[tilespmem:s13], [sflag:$0xB] =	stream.linear.gather [hbm4b:s8+s3], $0x2710, $0x38;
	[tilespmem:$0x190A0] =	vst v63  }
0x1c: {  	_ =	swait.ge [sflag:s12], $0x2710  }
0x1d: {  	[sflag:s12] =	ssyncset.done $0x0  }
0x1e: {  	[sflag:s12] =	ssyncadd.s32 $0xFFFFD8F0  }
0x1f: {  	[tilespmem:s15], [sflag:$0x1] =	stream.indirect.gather [hbm4b:s4+s14], $0x50, s3, s14, $0xb8;
	[tilespmem:$0x190A0] =	vst v63  }
0x20: {  	_ = 	snop  }
0x21: {  	[tilespmem:s16], [sflag:$0x2] =	stream.indirect.gather [hbm4b:s4+s14], $0x50, s14, s14, $0xb8;
	[tilespmem:$0x190A0] =	vst v63  }
0x22: {  	s21 =	simm.s32 $0xA0  }
0x23: {  	[tilespmem:s18], [sflag:$0x3] =	stream.indirect.gather [hbm4b:s4+s14], $0x50, s21, s14, $0xb8;
	[tilespmem:$0x190A0] =	vst v63  }
0x24: {  	s19 =	simm.s32 $0xF0  }
0x25: {  	[tilespmem:s20], [sflag:$0x4] =	stream.indirect.gather [hbm4b:s4+s14], $0x50, s19, s14, $0xb8;
	[tilespmem:$0x190A0] =	vst v63  }
0x26: {  	s21 =	simm.s32 $0x140  }
0x27: {  	[tilespmem:s22], [sflag:$0x5] =	stream.indirect.gather [hbm4b:s4+s14], $0x50, s21, s14, $0xb8;
	[tilespmem:$0x190A0] =	vst v63  }
0x28: {  	[bflag:$0x0] =	sbarrier.arrive $0xFFFF  }
0x29: {  	_ =	swait.ge [sflag:s23], $0x1900  }
0x2a: {  	[sflag:s23] =	ssyncset.done $0x0  }
0x2b: {  	s19 =	simm.s32 $0x2710;
	[sflag:s23] =	ssyncadd.s32 $0xFFFFE700  }
0x2c: {  	[spmem:s2] =	stream.indirect.scatter.add.f32 [tilespmem:s15], [sflag:$0x6], $0x50, s19, s14, $0xb8;
	[tilespmem:$0x190A0] =	vst v63  }
0x2d: {  	_ =	swait.ge [sflag:s24], $0x1900  }
0x2e: {  	[sflag:s24] =	ssyncset.done $0x0  }
0x2f: {  	s13 =	simm.s32 $0x2760;
	[sflag:s24] =	ssyncadd.s32 $0xFFFFE700  }
0x30: {  	[spmem:s2] =	stream.indirect.scatter.add.f32 [tilespmem:s16], [sflag:$0x7], $0x50, s13, s14, $0xb8;
	[tilespmem:$0x190A0] =	vst v63  }
0x31: {  	_ =	swait.ge [sflag:s25], $0x1900  }
0x32: {  	[sflag:s25] =	ssyncset.done $0x0  }
0x33: {  	s21 =	simm.s32 $0x27B0;
	[sflag:s25] =	ssyncadd.s32 $0xFFFFE700  }
0x34: {  	[spmem:s2] =	stream.indirect.scatter.add.f32 [tilespmem:s18], [sflag:$0x8], $0x50, s21, s14, $0xb8;
	[tilespmem:$0x190A0] =	vst v63  }
0x35: {  	_ =	swait.ge [sflag:s26], $0x1900  }
0x36: {  	[sflag:s26] =	ssyncset.done $0x0  }
0x37: {  	s13 =	simm.s32 $0x2800;
	[sflag:s26] =	ssyncadd.s32 $0xFFFFE700  }
0x38: {  	[spmem:s2] =	stream.indirect.scatter.add.f32 [tilespmem:s20], [sflag:$0x9], $0x50, s13, s14, $0xb8;
	[tilespmem:$0x190A0] =	vst v63  }
0x39: {  	_ =	swait.ge [sflag:s28], $0x1900  }
0x3a: {  	[sflag:s28] =	ssyncset.done $0x0  }
0x3b: {  	s21 =	simm.s32 $0x2850;
	[sflag:s28] =	ssyncadd.s32 $0xFFFFE700  }
0x3c: {  	[spmem:s2] =	stream.indirect.scatter.add.f32 [tilespmem:s22], [sflag:$0xA], $0x50, s21, s14, $0xb8;
	[tilespmem:$0x190A0] =	vst v63  }
0x3d: {  	_ =	swait.ge [sflag:s29], $0x1900  }
0x3e: {  	[sflag:s29] =	ssyncset.done $0x0  }
0x3f: {  	s13 =	simm.s32 $0x190;
	[sflag:s29] =	ssyncadd.s32 $0xFFFFE700  }
0x40: {  	[tilespmem:s15], [sflag:$0x1] =	stream.indirect.gather [hbm4b:s4+s14], $0x50, s13, s14, $0xb8;
	[tilespmem:$0x190A0] =	vst v63  }
0x41: {  	_ =	swait.ge [sflag:s30], $0x1900  }
0x42: {  	[sflag:s30] =	ssyncset.done $0x0  }
0x43: {  	s21 =	simm.s32 $0x1E0;
	[sflag:s30] =	ssyncadd.s32 $0xFFFFE700  }
0x44: {  	[tilespmem:s16], [sflag:$0x2] =	stream.indirect.gather [hbm4b:s4+s14], $0x50, s21, s14, $0xb8;
	[tilespmem:$0x190A0] =	vst v63  }
0x45: {  	_ =	swait.ge [sflag:s31], $0x1900  }
0x46: {  	[sflag:s31] =	ssyncset.done $0x0  }
0x47: {  	s13 =	simm.s32 $0x230;
	[sflag:s31] =	ssyncadd.s32 $0xFFFFE700  }
0x48: {  	[tilespmem:s18], [sflag:$0x3] =	stream.indirect.gather [hbm4b:s4+s14], $0x50, s13, s14, $0xb8;
	[tilespmem:$0x190A0] =	vst v63  }
0x49: {  	_ =	swait.ge [sflag:s1], $0x1900  }
0x4a: {  	[sflag:s1] =	ssyncset.done $0x0  }
0x4b: {  	s21 =	simm.s32 $0x280;
	[sflag:s1] =	ssyncadd.s32 $0xFFFFE700  }
0x4c: {  	[tilespmem:s20], [sflag:$0x4] =	stream.indirect.gather [hbm4b:s4+s14], $0x50, s21, s14, $0xb8;
	[tilespmem:$0x190A0] =	vst v63  }
0x4d: {  	_ =	swait.ge [sflag:s0], $0x1900  }
0x4e: {  	[sflag:s0] =	ssyncset.done $0x0  }
0x4f: {  	s19 =	simm.s32 $0x640;
	s21 =	simm.s32 $0x2D0;
	[sflag:s0] =	ssyncadd.s32 $0xFFFFE700  }
.LBB2_2:
0x50: {  	[tilespmem:s22], [sflag:$0x5] =	stream.indirect.gather [hbm4b:s4+s14], $0x50, s21, s14, $0xb8;
	[tilespmem:$0x190A0] =	vst v63  }
0x51: {  	s21 =	smov.u32 s19  }
0x52: {  	p0 =	sne.s32 s19, $0x8FC0;
	s19 =	sadd.s32 $0x640, s19;
	_ =	swait.ge [sflag:s23], $0x1900  }
0x53: {  	s21 =	sshra.s32 s21, $0x2;
	[sflag:s23] =	ssyncset.done $0x0  }
0x54: {  	s13 =	sadd.s32 $0x2710, s21;
	[sflag:s23] =	ssyncadd.s32 $0xFFFFE700  }
0x55: {  	[spmem:s2] =	stream.indirect.scatter.add.f32 [tilespmem:s15], [sflag:$0x6], $0x50, s13, s14, $0xb8;
	[tilespmem:$0x190A0] =	vst v63  }
0x56: {  	_ =	swait.ge [sflag:s24], $0x1900  }
0x57: {  	[sflag:s24] =	ssyncset.done $0x0  }
0x58: {  	s13 =	sadd.s32 $0x2760, s21;
	[sflag:s24] =	ssyncadd.s32 $0xFFFFE700  }
0x59: {  	[spmem:s2] =	stream.indirect.scatter.add.f32 [tilespmem:s16], [sflag:$0x7], $0x50, s13, s14, $0xb8;
	[tilespmem:$0x190A0] =	vst v63  }
0x5a: {  	_ =	swait.ge [sflag:s25], $0x1900  }
0x5b: {  	[sflag:s25] =	ssyncset.done $0x0  }
0x5c: {  	s13 =	sadd.s32 $0x27B0, s21;
	[sflag:s25] =	ssyncadd.s32 $0xFFFFE700  }
0x5d: {  	[spmem:s2] =	stream.indirect.scatter.add.f32 [tilespmem:s18], [sflag:$0x8], $0x50, s13, s14, $0xb8;
	[tilespmem:$0x190A0] =	vst v63  }
0x5e: {  	_ =	swait.ge [sflag:s26], $0x1900  }
0x5f: {  	[sflag:s26] =	ssyncset.done $0x0  }
0x60: {  	s13 =	sadd.s32 $0x2800, s21;
	[sflag:s26] =	ssyncadd.s32 $0xFFFFE700  }
0x61: {  	[spmem:s2] =	stream.indirect.scatter.add.f32 [tilespmem:s20], [sflag:$0x9], $0x50, s13, s14, $0xb8;
	[tilespmem:$0x190A0] =	vst v63  }
0x62: {  	_ =	swait.ge [sflag:s28], $0x1900  }
0x63: {  	[sflag:s28] =	ssyncset.done $0x0  }
0x64: {  	s13 =	sadd.s32 $0x2850, s21;
	[sflag:s28] =	ssyncadd.s32 $0xFFFFE700  }
0x65: {  	[spmem:s2] =	stream.indirect.scatter.add.f32 [tilespmem:s22], [sflag:$0xA], $0x50, s13, s14, $0xb8;
	[tilespmem:$0x190A0] =	vst v63  }
0x66: {  	_ =	swait.ge [sflag:s29], $0x1900  }
0x67: {  	[sflag:s29] =	ssyncset.done $0x0  }
0x68: {  	s13 =	sadd.s32 $0x190, s21;
	[sflag:s29] =	ssyncadd.s32 $0xFFFFE700  }
0x69: {  	[tilespmem:s15], [sflag:$0x1] =	stream.indirect.gather [hbm4b:s4+s14], $0x50, s13, s14, $0xb8;
	[tilespmem:$0x190A0] =	vst v63  }
0x6a: {  	_ =	swait.ge [sflag:s30], $0x1900  }
0x6b: {  	[sflag:s30] =	ssyncset.done $0x0  }
0x6c: {  	s13 =	sadd.s32 $0x1E0, s21;
	[sflag:s30] =	ssyncadd.s32 $0xFFFFE700  }
0x6d: {  	[tilespmem:s16], [sflag:$0x2] =	stream.indirect.gather [hbm4b:s4+s14], $0x50, s13, s14, $0xb8;
	[tilespmem:$0x190A0] =	vst v63  }
0x6e: {  	_ =	swait.ge [sflag:s31], $0x1900  }
0x6f: {  	[sflag:s31] =	ssyncset.done $0x0  }
0x70: {  	s13 =	sadd.s32 $0x230, s21;
	[sflag:s31] =	ssyncadd.s32 $0xFFFFE700  }
0x71: {  	[tilespmem:s18], [sflag:$0x3] =	stream.indirect.gather [hbm4b:s4+s14], $0x50, s13, s14, $0xb8;
	[tilespmem:$0x190A0] =	vst v63  }
0x72: {  	_ =	swait.ge [sflag:s1], $0x1900  }
0x73: {  	[sflag:s1] =	ssyncset.done $0x0  }
.Ltmp0:
0x74: {  	s13 =	sadd.s32 $0x280, s21;
	[sflag:s1] =	ssyncadd.s32 $0xFFFFE700;
	(pc) =	sbr.rel @p0 .LBB2_2-.Ltmp0, $4  }
0x75: {  	[tilespmem:s20], [sflag:$0x4] =	stream.indirect.gather [hbm4b:s4+s14], $0x50, s13, s14, $0xb8;
	[tilespmem:$0x190A0] =	vst v63  }
0x76: {  	_ =	swait.ge [sflag:s0], $0x1900  }
0x77: {  	[sflag:s0] =	ssyncset.done $0x0  }
0x78: {  	s21 =	sadd.s32 $0x2D0, s21;
	[sflag:s0] =	ssyncadd.s32 $0xFFFFE700  }
0x79: {  	[tilespmem:s22], [sflag:$0x5] =	stream.indirect.gather [hbm4b:s4+s14], $0x50, s21, s14, $0xb8;
	[tilespmem:$0x190A0] =	vst v63  }
0x7a: {  	_ =	swait.ge [sflag:s23], $0x1900  }
0x7b: {  	[sflag:s23] =	ssyncset.done $0x0  }
0x7c: {  	s13 =	simm.s32 $0x4C90;
	[sflag:s23] =	ssyncadd.s32 $0xFFFFE700  }
0x7d: {  	[spmem:s2] =	stream.indirect.scatter.add.f32 [tilespmem:s15], [sflag:$0x6], $0x50, s13, s14, $0xb8;
	[tilespmem:$0x190A0] =	vst v63  }
0x7e: {  	_ =	swait.ge [sflag:s24], $0x1900  }
0x7f: {  	[sflag:s24] =	ssyncset.done $0x0  }
0x80: {  	s19 =	simm.s32 $0x4CE0;
	[sflag:s24] =	ssyncadd.s32 $0xFFFFE700  }
0x81: {  	[spmem:s2] =	stream.indirect.scatter.add.f32 [tilespmem:s16], [sflag:$0x7], $0x50, s19, s14, $0xb8;
	[tilespmem:$0x190A0] =	vst v63  }
0x82: {  	_ =	swait.ge [sflag:s25], $0x1900  }
0x83: {  	[sflag:s25] =	ssyncset.done $0x0  }
0x84: {  	s21 =	simm.s32 $0x4D30;
	[sflag:s25] =	ssyncadd.s32 $0xFFFFE700  }
0x85: {  	[spmem:s2] =	stream.indirect.scatter.add.f32 [tilespmem:s18], [sflag:$0x8], $0x50, s21, s14, $0xb8;
	[tilespmem:$0x190A0] =	vst v63  }
0x86: {  	_ =	swait.ge [sflag:s26], $0x1900  }
0x87: {  	[sflag:s26] =	ssyncset.done $0x0  }
0x88: {  	s19 =	simm.s32 $0x4D80;
	[sflag:s26] =	ssyncadd.s32 $0xFFFFE700  }
0x89: {  	[spmem:s2] =	stream.indirect.scatter.add.f32 [tilespmem:s20], [sflag:$0x9], $0x50, s19, s14, $0xb8;
	[tilespmem:$0x190A0] =	vst v63  }
0x8a: {  	_ =	swait.ge [sflag:s28], $0x1900  }
0x8b: {  	[sflag:s28] =	ssyncset.done $0x0  }
0x8c: {  	s21 =	simm.s32 $0x4DD0;
	[sflag:s28] =	ssyncadd.s32 $0xFFFFE700  }
0x8d: {  	[spmem:s2] =	stream.indirect.scatter.add.f32 [tilespmem:s22], [sflag:$0xA], $0x50, s21, s14, $0xb8;
	[tilespmem:$0x190A0] =	vst v63  }
0x8e: {  	_ =	swait.ge [sflag:s29], $0x1900  }
0x8f: {  	[sflag:s29] =	ssyncset.done $0x0  }
0x90: {  	[sflag:s29] =	ssyncadd.s32 $0xFFFFE700  }
0x91: {  	_ =	swait.ge [sflag:s30], $0x1900  }
0x92: {  	[sflag:s30] =	ssyncset.done $0x0  }
0x93: {  	[sflag:s30] =	ssyncadd.s32 $0xFFFFE700  }
0x94: {  	_ =	swait.ge [sflag:s31], $0x1900  }
0x95: {  	[sflag:s31] =	ssyncset.done $0x0  }
0x96: {  	[sflag:s31] =	ssyncadd.s32 $0xFFFFE700  }
0x97: {  	_ =	swait.ge [sflag:s1], $0x1900  }
0x98: {  	[sflag:s1] =	ssyncset.done $0x0  }
0x99: {  	[sflag:s1] =	ssyncadd.s32 $0xFFFFE700  }
0x9a: {  	_ =	swait.ge [sflag:s0], $0x1900  }
0x9b: {  	s17 =	sadd.s32 $0x1, s17;
	[sflag:s0] =	ssyncset.done $0x0  }
0x9c: {  	p0 =	sne.s32 s17, s10;
	[sflag:s0] =	ssyncadd.s32 $0xFFFFE700  }
.Ltmp1:
0x9d: {  	[bflag:$0x0] =	sbarrier.arrive $0xFFFF;
	(pc) =	sbr.rel @p0 .LBB2_1-.Ltmp1, $4  }
0x9e: {  	[hbm:s9], [sflag:s6] =	dma.local [spmem:s11], $0x18B0  }
0x9f: {  	_ =	swait.ge [sflag:s12], $0x18B0  }
0xa0: {  	[sflag:s12] =	ssyncset.done $0x0  }
0xa1: {  	[sflag:s12] =	ssyncadd.s32 $0xFFFFE750  }
0xa2: {  	_ =	sfence.sel $0x180000  }
0xa3: {  	[bflag:$0x0] =	sbarrier.arrive $0xFFFF  }
0xa4: {  	_ =	strace $0x90000047  }
0xa5: {  	s0 =	stileid.u32;
	[bflag:$0x2] =	sbarrier.arrive $0xFFFF  }
0xa6: {  	p0 =	sne.s32 s0, $0x0;
	s0 =	rddreg [dreg:$0x2]  }
0xa7: {  	s0 =	sadd.s32 @!p0 $0x100000, s0  }
0xa8: {  	[sflag:s0] =	ssyncadd.tile.s32 @!p0 $0x1;
	_ =	shalt  }
.Lfunc_end2:
_tile_overlayer_lowered:
.L_overlay_start_2:
0xa9: {  	(tag) =	ssettag $0x2  }
0xaa: {  	s0 =	rddreg [dreg:$0x0];
	s2 =	stileid.u32  }
0xab: {  	s1 =	rddreg [dreg:$0x1];
	p0 =	sne.s32 s2, $0x0  }
0xac: {  	s3 =	rddreg [dreg:$0x2];
	[bflag:$0x3] =	sbarrier.arrive $0xFFFF;
	s2 =	simm.s32 @!p0 $0x1C0B  }
0xad: {  	[timem:s3], [sflag:s2] =	dma.local @!p0 [hbm:s0], s1  }
0xae: {  	s0 =	simm.s32 @!p0 $0xB  }
0xaf: {  	_ =	swait.ge @!p0 [sflag:s0], s1  }
0xb0: {  	s1 =	ssub.s32 @!p0 $0x0, s1;
	[sflag:s0] =	ssyncset.done @!p0 $0x0  }
0xb1: {  	[sflag:s0] =	ssyncadd.s32 @!p0 s1  }
0xb2: {  	[bflag:$0x3] =	sbarrier.arrive $0xFFFF  }
0xb3: {  	_ =	shalt  }

// kernel: kernel.13.cloned.1.call-start
scs
__scs_entry_jumppad:
0x0: {  	(pc) =	sbr.rel $0x88, $3  }
0x1: {  	(tag) =	ssettag $0x0;
	lr =	simm.s32 $0x1  }
0x2: {  	[smem:$0x3F84] =	sst lr;
	_ =	strace $0xD0000000  }
0x3: {  	_ = 	snop  }
0x4: {  	_ = 	snop  }
0x5: {  	_ = 	snop  }
0x6: {  	_ = 	snop  }
0x7: {  	_ = 	snop  }
__scs_overlays_trampoline_lowered:
0x8: {  	[smem:$0x3F93] =	sst s0  }
0x9: {  	[smem:$0x3F94] =	sst s1  }
0xa: {  	[smem:$0x3F95] =	sst s2  }
0xb: {  	[smem:$0x3F96] =	sst s3  }
0xc: {  	[smem:$0x3F97] =	sst s4  }
0xd: {  	[smem:$0x3F98] =	sst s5  }
0xe: {  	[smem:$0x3F99] =	sst s6  }
0xf: {  	[smem:$0x3F9A] =	sst s7  }
0x10: {  	[smem:$0x3F9B] =	sst s8  }
0x11: {  	[smem:$0x3F9C] =	sst s9;
	s0 =	simm.s32 @!p0 $0x0  }
0x12: {  	s1 =	sld [smem:$0x3F82];
	s0 =	simm.s32 @p0 $0x1  }
0x13: {  	[smem:$0x3F9D] =	sst s0;
	s0 =	simm.s32 @!p1 $0x0  }
0x14: {  	s2 =	sld [smem:$0x3F81];
	s0 =	simm.s32 @p1 $0x1  }
0x15: {  	[smem:$0x3F9E] =	sst s0;
	s0 =	simm.s32 @!p2 $0x0  }
0x16: {  	s3 =	sld [smem:$0x3FDB];
	s0 =	simm.s32 @p2 $0x1  }
0x17: {  	s4 =	simm.s32 $0x1BF5;
	[smem:$0x3FA0] =	sst s0  }
0x18: {  	s0 =	sld [smem:$0x3F83];
	_ =	swait.ge [sflag:s4], $0x0  }
0x19: {  	s7 =	sld [smem:$0x3F84]  }
0x1a: {  	s8 =	sadd.s32 $0xFFFFE003, lr  }
0x1b: {  	s9 =	sadd.s32 $0xFFFFFEF7, lr;
	s5 =	simm.s32 $0xFFFFFFFF;
	p2 =	slt.u32 s8, $0xFFFFF086  }
0x1c: {  	p1 =	slt.u32 s9, $0xF7A;
	s5 =	simm.s32 @!p2 $0x0  }
0x1d: {  	s5 =	simm.s32 @p1 $0x1;
	p0 =	seq.s32 s7, s2  }
0x1e: {  	s7 =	smul.u32 @!p0 $0xF7A, s2;
	p2 =	seq.s32 @!p0 s5, $0x0  }
0x1f: {  	s9 =	smul.u32 $0xF7A, s1;
	s8 =	simm.s32 @!p0 $0x1BF5;
	p2 =	por !p2, p0  }
0x20: {  	[sflag:s8] =	ssyncset.s32 @!p0 $0xFFFFF086;
	s6 =	sadd.s32 @!p0 s3, s7;
	s7 =	simm.s32 @!p0 $0x108  }
0x21: {  	s3 =	sadd.s32 s3, s9;
	s6 =	sadd.s32 @!p0 $0x88, s6;
	s7 =	simm.s32 @p2 $0x1082  }
0x22: {  	[simem:s7], [sflag:s8] =	dma.local @!p0 [hbm:s6], $0xF7A  }
0x23: {  	s9 =	sor.u32 $0xD0000000, s2;
	s6 =	simm.s32 $0x108;
	_ =	swait.ge @!p0 [sflag:s8], $0x0  }
0x24: {  	s3 =	sadd.s32 $0x88, s3;
	s6 =	simm.s32 @!p1 $0x1082;
	[sflag:s4] =	ssyncset.s32 $0xFFFFF086  }
0x25: {  	[simem:s6], [sflag:s4] =	dma.local [hbm:s3], $0xF7A  }
0x26: {  	[smem:$0x3F84] =	sst s1;
	(tag) =	ssettag s2;
	_ =	strace s9  }
0x27: {  	s1 =	sld [smem:$0x3F94]  }
0x28: {  	s2 =	sld [smem:$0x3F95]  }
0x29: {  	s4 =	sld [smem:$0x3F97]  }
0x2a: {  	p0 =	seq.s32 s5, $0x0;
	s5 =	sld [smem:$0x3F98]  }
0x2b: {  	s6 =	sld [smem:$0x3F99]  }
0x2c: {  	s7 =	sld [smem:$0x3F9A]  }
0x2d: {  	s3 =	simm.s32 $0x108;
	s8 =	sld [smem:$0x3F9B]  }
0x2e: {  	s3 =	simm.s32 @!p0 $0x1082;
	s9 =	sld [smem:$0x3F9C]  }
0x2f: {  	lr =	sadd.s32 s0, s3;
	s0 =	sld [smem:$0x3F93]  }
0x30: {  	s3 =	sld [smem:$0x3F96]  }
0x31: {  	[smem:$0x3F9F] =	sst s10  }
0x32: {  	s10 =	sld [smem:$0x3F9D];
	_ =	sdelay $0x3  }
0x33: {  	p0 =	seq.s32 s10, $0x1;
	s10 =	sld [smem:$0x3F9F];
	_ =	sdelay $0x3  }
0x34: {  	[smem:$0x3F9F] =	sst s10  }
0x35: {  	s10 =	sld [smem:$0x3F9E];
	_ =	sdelay $0x3  }
0x36: {  	p1 =	seq.s32 s10, $0x1;
	s10 =	sld [smem:$0x3F9F];
	_ =	sdelay $0x3  }
0x37: {  	[smem:$0x3F9F] =	sst s10  }
0x38: {  	s10 =	sld [smem:$0x3FA0]  }
0x39: {  	_ = 	snop;
	(pc) =	sbr.ind lr, $3  }
0x3a: {  	_ = 	snop  }
0x3b: {  	_ = 	snop  }
0x3c: {  	p2 =	seq.s32 s10, $0x1;
	s10 =	sld [smem:$0x3F9F]  }
0x3d: {  	_ =	shalt  }
0x3e: {  	_ =	shalt  }
0x3f: {  	_ =	shalt  }
0x40: {  	_ =	shalt  }
0x41: {  	_ =	shalt  }
0x42: {  	_ =	shalt  }
0x43: {  	_ =	shalt  }
0x44: {  	_ =	shalt  }
0x45: {  	_ =	shalt  }
0x46: {  	_ =	shalt  }
0x47: {  	_ =	shalt  }
0x48: {  	_ =	shalt  }
0x49: {  	_ =	shalt  }
0x4a: {  	_ =	shalt  }
0x4b: {  	_ =	shalt  }
0x4c: {  	_ =	shalt  }
0x4d: {  	_ =	shalt  }
0x4e: {  	_ =	shalt  }
0x4f: {  	_ =	shalt  }
0x50: {  	_ =	shalt  }
0x51: {  	_ =	shalt  }
0x52: {  	_ =	shalt  }
0x53: {  	_ =	shalt  }
0x54: {  	_ =	shalt  }
0x55: {  	_ =	shalt  }
0x56: {  	_ =	shalt  }
0x57: {  	_ =	shalt  }
0x58: {  	_ =	shalt  }
0x59: {  	_ =	shalt  }
0x5a: {  	_ =	shalt  }
0x5b: {  	_ =	shalt  }
0x5c: {  	_ =	shalt  }
0x5d: {  	_ =	shalt  }
0x5e: {  	_ =	shalt  }
0x5f: {  	_ =	shalt  }
0x60: {  	_ =	shalt  }
0x61: {  	_ =	shalt  }
0x62: {  	_ =	shalt  }
0x63: {  	_ =	shalt  }
0x64: {  	_ =	shalt  }
0x65: {  	_ =	shalt  }
0x66: {  	_ =	shalt  }
0x67: {  	_ =	shalt  }
0x68: {  	_ =	shalt  }
0x69: {  	_ =	shalt  }
0x6a: {  	_ =	shalt  }
0x6b: {  	_ =	shalt  }
0x6c: {  	_ =	shalt  }
0x6d: {  	_ =	shalt  }
0x6e: {  	_ =	shalt  }
0x6f: {  	_ =	shalt  }
0x70: {  	_ =	shalt  }
0x71: {  	_ =	shalt  }
0x72: {  	_ =	shalt  }
0x73: {  	_ =	shalt  }
0x74: {  	_ =	shalt  }
0x75: {  	_ =	shalt  }
0x76: {  	_ =	shalt  }
0x77: {  	_ =	shalt  }
0x78: {  	_ =	shalt  }
0x79: {  	_ =	shalt  }
0x7a: {  	_ =	shalt  }
0x7b: {  	_ =	shalt  }
0x7c: {  	_ =	shalt  }
0x7d: {  	_ =	shalt  }
0x7e: {  	_ =	shalt  }
0x7f: {  	_ =	shalt  }
0x80: {  	_ =	shalt  }
0x81: {  	_ =	shalt  }
0x82: {  	_ =	shalt  }
0x83: {  	_ =	shalt  }
0x84: {  	_ =	shalt  }
0x85: {  	_ =	shalt  }
0x86: {  	_ =	shalt  }
0x87: {  	_ =	shalt  }
.Lfunc_end0:
.L_simem_size_0:
called_computation.1_lowered:
.L_overlay_start_0:
0x88: {  	s2 =	sld [smem:$0x3FD9]  }
0x89: {  	s3 =	sld [smem:$0x3FFE];
	_ =	sdelay $0x1  }
0x8a: {  	s1 =	srdreg.scid  }
0x8b: {  	s0 =	sand.u32 $0x1, s1  }
0x8c: {  	s14 =	sshll.u32 s0, $0xA;
	s2 =	sadd.s32 s3, s2  }
0x8d: {  	s2 =	sadd.s32 s2, s14  }
0x8e: {  	[smem:$0x3FAB] =	sst s2  }
0x8f: {  	_ = 	snop  }
0x90: {  	s2 =	sld [smem:$0x3FD0];
	_ =	sdelay $0x2  }
0x91: {  	s15 =	simm.s32 $0xA;
	s4 =	simm.s32 $0x10  }
0x92: {  	[smem:s4], [sflag:s15] =	dma.local [hbm:s2], $0x1  }
0x93: {  	_ =	swait.eq [sflag:s15], $0x1  }
0x94: {  	[sflag:s15] =	ssyncset.done $0x0  }
0x95: {  	[sflag:s15] =	ssyncadd.s32 $0xFFFFFFFF  }
0x96: {  	s16 =	sld [smem:$0x12];
	(tm) =	ssettm $0x1  }
0x97: {  	s17 =	sld [smem:$0x3FFB];
	_ =	sdelay $0x3  }
0x98: {  	_ =	strace s17  }
0x99: {  	s3 =	sld [smem:$0x3FFC];
	_ =	sdelay $0x3  }
0x9a: {  	_ =	strace s3  }
0x9b: {  	s3 =	sld [smem:$0x3FFD];
	_ =	sdelay $0x3  }
0x9c: {  	_ =	strace s3  }
0x9d: {  	_ =	strace $0x8FFFFFFF  }
0x9e: {  	s18 =	sld [smem:$0x3FDB];
	_ =	sdelay $0x1  }
0x9f: {  	s19 =	simm.s32 $_scs_section_size  }
0xa0: {  	s5 =	simm.s32 $_size__tile_overlayer_lowered;
	s6 =	simm.s32 $_tile_overlayer_lowered  }
0xa1: {  	s22 =	simm.s32 $0x1BFF;
	s21 =	sshll.u32 s6, $0x1;
	s3 =	sadd.s32 s19, s18  }
0xa2: {  	s7 =	simm.s32 $0x0;
	s20 =	sshll.u32 s5, $0x1;
	s5 =	sadd.s32 s21, s3  }
0xa3: {  	[timem:s7], [sflag:s22] =	dma.local [hbm:s5], s20  }
0xa4: {  	_ =	swait.ge [sflag:s22], s20  }
0xa5: {  	s4 =	ssub.s32 $0x0, s20;
	[sflag:s22] =	ssyncset.done $0x0  }
0xa6: {  	[sflag:s22] =	ssyncadd.s32 s4;
	_ =	sdelay $0x1  }
0xa7: {  	s23 =	simm.s32 $0x1B8B  }
0xa8: {  	_ =	swait.ge [sflag:s23], $0x1  }
0xa9: {  	[sflag:s23] =	ssyncset.done $0x0  }
0xaa: {  	s25 =	simm.s32 $0x1B8E;
	s24 =	sld [smem:$0x3FFE];
	[sflag:s23] =	ssyncadd.s32 $0xFFFFFFFF  }
0xab: {  	s26 =	simm.s32 $execute0_lowered;
	[smem:$0x3FD2] =	sst s25  }
0xac: {  	s5 =	sshll.u32 s26, $0x1;
	_ =	strace $0x80000049;
	[dreg:$0x1] =	wrdreg $0xFFFFFFFF  }
0xad: {  	s28 =	simm.s32 $_size_execute0_lowered;
	s3 =	sadd.s32 s3, s5;
	[dreg:$0x0] =	wrdreg $0x0  }
0xae: {  	s5 =	sshll.u32 s28, $0x1;
	[dreg:$0x2] =	wrdreg s3  }
0xaf: {  	[dreg:$0x3] =	wrdreg s5  }
0xb0: {  	[dreg:$0x4] =	wrdreg $0xC0  }
0xb1: {  	_ =	task [dreg:s7], $0x5FFFF  }
0xb2: {  	[dreg:$0x1] =	wrdreg $0xFFFFFFFF  }
0xb3: {  	[dreg:$0x0] =	wrdreg $0x60  }
0xb4: {  	[dreg:$0x2] =	wrdreg s16  }
0xb5: {  	[dreg:$0x3] =	wrdreg s24  }
0xb6: {  	[dreg:$0x4] =	wrdreg $0xB2200  }
0xb7: {  	[dreg:$0x5] =	wrdreg $0x9  }
0xb8: {  	_ =	task.clear_ibuf [dreg:s7], $0x6FFFF;
	_ =	strace $0x90000049  }
0xb9: {  	s29 =	simm.s32 $0x9;
	_ =	strace $0x8000004B  }
0xba: {  	_ =	swait.ge [sflag:s29], $0x1  }
0xbb: {  	[sflag:s29] =	ssyncadd.s32 $0xFFFFFFFF  }
0xbc: {  	_ =	strace $0x9000004B  }
0xbd: {  	_ =	sfence  }
0xbe: {  	s30 =	sld [smem:$0x0];
	_ =	sdelay $0x2  }
0xbf: {  	s31 =	sshll.u32 s1, $0xD;
	s1 =	sshrl.u32 s1, $0x2  }
0xc0: {  	s3 =	sand.u32 $0x4000, s31;
	s1 =	sadd.s32 s1, s30  }
0xc1: {  	s0 =	sor.u32 s3, s0;
	s1 =	sshll.u32 s1, $0x11  }
0xc2: {  	s0 =	sor.u32 s1, s0  }
0xc3: {  	s0 =	sadd.s32 $0x8F2B, s0  }
0xc4: {  	[sflag:s0] =	ssyncadd.remote.s32 $0x1  }
0xc5: {  	_ =	sfence.sel $0xFFFF  }
0xc6: {  	[dreg:$0x0] =	wrdreg $0xFFFFFFFF;
	(pc) =	sbr.abs _section_cstart, $3  }
0xc7: {  	[dreg:$0x1] =	wrdreg $0xFFFFFFFF  }
0xc8: {  	_ =	task.clear_ibuf [dreg:s7], $0x2FFFF;
	_ =	strace $0x9FFFFFFF  }
0xc9: {  	(tm) =	ssettm $0x7FFFFFFF  }
tec
execute0_lowered:
.L_overlay_start_1:
0x0: {  	(tag) =	ssettag $0x1  }
0x1: {  	s1 =	rddreg [dreg:$0x0]  }
0x2: {  	s0 =	srdreg.scid;
	s5 =	rddreg [dreg:$0x1]  }
0x3: {  	s12 =	stileid.u32;
	s3 =	rddreg [dreg:$0x2];
	s4 =	simm.s32 $0x0  }
0x4: {  	s14 =	simm.s32 $0x50;
	s15 =	simm.s32 $0x4E20;
	s16 =	simm.s32 $0x6220  }
0x5: {  	s18 =	simm.s32 $0x7620;
	s20 =	simm.s32 $0x8A20;
	s22 =	simm.s32 $0x9E20  }
0x6: {  	s23 =	simm.s32 $0x1;
	s24 =	simm.s32 $0x2;
	s25 =	simm.s32 $0x3  }
0x7: {  	s28 =	simm.s32 $0x5;
	s29 =	simm.s32 $0x6;
	s30 =	simm.s32 $0x7  }
0x8: {  	s31 =	simm.s32 $0x8;
	s17 =	simm.s32 $0x0;
	s0 =	sand.u32 $0x1, s0  }
0x9: {  	s2 =	sshll.u32 s12, $0x1;
	s6 =	smul.u32 $0x9E00, s12;
	[smem:$0x7FF] =	sst s4  }
0xa: {  	s26 =	sshll.u32 s12, $0x6;
	s12 =	simm.s32 $0xB;
	s2 =	sor.u32 s0, s2  }
0xb: {  	s7 =	smul.u32 $0x9E000, s0;
	_ =	strace $0x8000004A;
	s0 =	ssub.s32 $0x2, s0  }
0xc: {  	s2 =	smul.u32 $0x2710, s2;
	s8 =	sshrl.u32 s6, $0x3;
	s9 =	sshrl.u32 s0, $0x1  }
0xd: {  	s11 =	sadd.s32 s6, s3;
	s7 =	sadd.s32 s6, s7;
	s8 =	sadd.s32 s8, s5  }
0xe: {  	s0 =	ssub.s32 s0, s9;
	s6 =	sor.u32 $0x1C0B, s26;
	s11 =	sshrl.u32 s11, $0x3  }
0xf: {  	s26 =	simm.s32 $0x4;
	s2 =	sshrl.u32 s2, $0x3;
	s7 =	sshrl.u32 s7, $0x3  }
0x10: {  	s2 =	sadd.s32 s2, s5;
	s10 =	sadd.s32 s7, s5;
	s5 =	sadd.s32 $0x18400, s8  }
0x11: {  	s7 =	sadd.s32 $0x4A00, s2;
	s8 =	sadd.s32 $0xE640, s2;
	s9 =	sadd.s32 $0x2C000, s10  }
0x12: {  	s10 =	smax.u32 s0, $0x1;
	s2 =	simm.s32 $0x9;
	s0 =	simm.s32 $0xA  }
.LBB2_1:
0x13: {  	[spmem:s11], [sflag:s6] =	dma.local [hbm:s5], $0x13C0  }
0x14: {  	_ =	swait.ge [sflag:s12], $0x13C0  }
0x15: {  	[sflag:s12] =	ssyncset.done $0x0  }
0x16: {  	[sflag:s12] =	ssyncadd.s32 $0xFFFFEC40  }
0x17: {  	[tilespmem:s4], [sflag:$0xB] =	stream.linear.gather [hbm4b:s7+s4], $0x2710, $0x38;
	[tilespmem:$0x15020] =	vst v63  }
0x18: {  	_ =	swait.ge [sflag:s12], $0x2710  }
0x19: {  	[sflag:s12] =	ssyncset.done $0x0  }
0x1a: {  	s13 =	simm.s32 $0x2710;
	[sflag:s12] =	ssyncadd.s32 $0xFFFFD8F0  }
0x1b: {  	[tilespmem:s13], [sflag:$0xB] =	stream.linear.gather [hbm4b:s8+s4], $0x2710, $0x38;
	[tilespmem:$0x15020] =	vst v63  }
0x1c: {  	_ =	swait.ge [sflag:s12], $0x2710  }
0x1d: {  	[sflag:s12] =	ssyncset.done $0x0  }
0x1e: {  	[sflag:s12] =	ssyncadd.s32 $0xFFFFD8F0  }
0x1f: {  	[tilespmem:s15], [sflag:$0x1] =	stream.indirect.gather [hbm4b:s1+s14], $0x40, s4, s14, $0xb8;
	[tilespmem:$0x15020] =	vst v63  }
0x20: {  	_ = 	snop  }
0x21: {  	[tilespmem:s16], [sflag:$0x2] =	stream.indirect.gather [hbm4b:s1+s14], $0x40, s14, s14, $0xb8;
	[tilespmem:$0x15020] =	vst v63  }
0x22: {  	s21 =	simm.s32 $0xA0  }
0x23: {  	[tilespmem:s18], [sflag:$0x3] =	stream.indirect.gather [hbm4b:s1+s14], $0x40, s21, s14, $0xb8;
	[tilespmem:$0x15020] =	vst v63  }
0x24: {  	s19 =	simm.s32 $0xF0  }
0x25: {  	[tilespmem:s20], [sflag:$0x4] =	stream.indirect.gather [hbm4b:s1+s14], $0x40, s19, s14, $0xb8;
	[tilespmem:$0x15020] =	vst v63  }
0x26: {  	s21 =	simm.s32 $0x140  }
0x27: {  	[tilespmem:s22], [sflag:$0x5] =	stream.indirect.gather [hbm4b:s1+s14], $0x40, s21, s14, $0xb8;
	[tilespmem:$0x15020] =	vst v63  }
0x28: {  	[bflag:$0x0] =	sbarrier.arrive $0xFFFF  }
0x29: {  	_ =	swait.ge [sflag:s23], $0x1400  }
0x2a: {  	[sflag:s23] =	ssyncset.done $0x0  }
0x2b: {  	s19 =	simm.s32 $0x2710;
	[sflag:s23] =	ssyncadd.s32 $0xFFFFEC00  }
0x2c: {  	[spmem:s3] =	stream.indirect.scatter.add.f32 [tilespmem:s15], [sflag:$0x6], $0x40, s19, s14, $0xb8;
	[tilespmem:$0x15020] =	vst v63  }
0x2d: {  	_ =	swait.ge [sflag:s24], $0x1400  }
0x2e: {  	[sflag:s24] =	ssyncset.done $0x0  }
0x2f: {  	s13 =	simm.s32 $0x2760;
	[sflag:s24] =	ssyncadd.s32 $0xFFFFEC00  }
0x30: {  	[spmem:s3] =	stream.indirect.scatter.add.f32 [tilespmem:s16], [sflag:$0x7], $0x40, s13, s14, $0xb8;
	[tilespmem:$0x15020] =	vst v63  }
0x31: {  	_ =	swait.ge [sflag:s25], $0x1400  }
0x32: {  	[sflag:s25] =	ssyncset.done $0x0  }
0x33: {  	s21 =	simm.s32 $0x27B0;
	[sflag:s25] =	ssyncadd.s32 $0xFFFFEC00  }
0x34: {  	[spmem:s3] =	stream.indirect.scatter.add.f32 [tilespmem:s18], [sflag:$0x8], $0x40, s21, s14, $0xb8;
	[tilespmem:$0x15020] =	vst v63  }
0x35: {  	_ =	swait.ge [sflag:s26], $0x1400  }
0x36: {  	[sflag:s26] =	ssyncset.done $0x0  }
0x37: {  	s13 =	simm.s32 $0x2800;
	[sflag:s26] =	ssyncadd.s32 $0xFFFFEC00  }
0x38: {  	[spmem:s3] =	stream.indirect.scatter.add.f32 [tilespmem:s20], [sflag:$0x9], $0x40, s13, s14, $0xb8;
	[tilespmem:$0x15020] =	vst v63  }
0x39: {  	_ =	swait.ge [sflag:s28], $0x1400  }
0x3a: {  	[sflag:s28] =	ssyncset.done $0x0  }
0x3b: {  	s21 =	simm.s32 $0x2850;
	[sflag:s28] =	ssyncadd.s32 $0xFFFFEC00  }
0x3c: {  	[spmem:s3] =	stream.indirect.scatter.add.f32 [tilespmem:s22], [sflag:$0xA], $0x40, s21, s14, $0xb8;
	[tilespmem:$0x15020] =	vst v63  }
0x3d: {  	_ =	swait.ge [sflag:s29], $0x1400  }
0x3e: {  	[sflag:s29] =	ssyncset.done $0x0  }
0x3f: {  	s13 =	simm.s32 $0x190;
	[sflag:s29] =	ssyncadd.s32 $0xFFFFEC00  }
0x40: {  	[tilespmem:s15], [sflag:$0x1] =	stream.indirect.gather [hbm4b:s1+s14], $0x40, s13, s14, $0xb8;
	[tilespmem:$0x15020] =	vst v63  }
0x41: {  	_ =	swait.ge [sflag:s30], $0x1400  }
0x42: {  	[sflag:s30] =	ssyncset.done $0x0  }
0x43: {  	s21 =	simm.s32 $0x1E0;
	[sflag:s30] =	ssyncadd.s32 $0xFFFFEC00  }
0x44: {  	[tilespmem:s16], [sflag:$0x2] =	stream.indirect.gather [hbm4b:s1+s14], $0x40, s21, s14, $0xb8;
	[tilespmem:$0x15020] =	vst v63  }
0x45: {  	_ =	swait.ge [sflag:s31], $0x1400  }
0x46: {  	[sflag:s31] =	ssyncset.done $0x0  }
0x47: {  	s13 =	simm.s32 $0x230;
	[sflag:s31] =	ssyncadd.s32 $0xFFFFEC00  }
0x48: {  	[tilespmem:s18], [sflag:$0x3] =	stream.indirect.gather [hbm4b:s1+s14], $0x40, s13, s14, $0xb8;
	[tilespmem:$0x15020] =	vst v63  }
0x49: {  	_ =	swait.ge [sflag:s2], $0x1400  }
0x4a: {  	[sflag:s2] =	ssyncset.done $0x0  }
0x4b: {  	s21 =	simm.s32 $0x280;
	[sflag:s2] =	ssyncadd.s32 $0xFFFFEC00  }
0x4c: {  	[tilespmem:s20], [sflag:$0x4] =	stream.indirect.gather [hbm4b:s1+s14], $0x40, s21, s14, $0xb8;
	[tilespmem:$0x15020] =	vst v63  }
0x4d: {  	_ =	swait.ge [sflag:s0], $0x1400  }
0x4e: {  	[sflag:s0] =	ssyncset.done $0x0  }
0x4f: {  	s19 =	simm.s32 $0x640;
	s21 =	simm.s32 $0x2D0;
	[sflag:s0] =	ssyncadd.s32 $0xFFFFEC00  }
.LBB2_2:
0x50: {  	[tilespmem:s22], [sflag:$0x5] =	stream.indirect.gather [hbm4b:s1+s14], $0x40, s21, s14, $0xb8;
	[tilespmem:$0x15020] =	vst v63  }
0x51: {  	s21 =	smov.u32 s19  }
0x52: {  	p0 =	sne.s32 s19, $0x8FC0;
	s19 =	sadd.s32 $0x640, s19;
	_ =	swait.ge [sflag:s23], $0x1400  }
0x53: {  	s21 =	sshra.s32 s21, $0x2;
	[sflag:s23] =	ssyncset.done $0x0  }
0x54: {  	s13 =	sadd.s32 $0x2710, s21;
	[sflag:s23] =	ssyncadd.s32 $0xFFFFEC00  }
0x55: {  	[spmem:s3] =	stream.indirect.scatter.add.f32 [tilespmem:s15], [sflag:$0x6], $0x40, s13, s14, $0xb8;
	[tilespmem:$0x15020] =	vst v63  }
0x56: {  	_ =	swait.ge [sflag:s24], $0x1400  }
0x57: {  	[sflag:s24] =	ssyncset.done $0x0  }
0x58: {  	s13 =	sadd.s32 $0x2760, s21;
	[sflag:s24] =	ssyncadd.s32 $0xFFFFEC00  }
0x59: {  	[spmem:s3] =	stream.indirect.scatter.add.f32 [tilespmem:s16], [sflag:$0x7], $0x40, s13, s14, $0xb8;
	[tilespmem:$0x15020] =	vst v63  }
0x5a: {  	_ =	swait.ge [sflag:s25], $0x1400  }
0x5b: {  	[sflag:s25] =	ssyncset.done $0x0  }
0x5c: {  	s13 =	sadd.s32 $0x27B0, s21;
	[sflag:s25] =	ssyncadd.s32 $0xFFFFEC00  }
0x5d: {  	[spmem:s3] =	stream.indirect.scatter.add.f32 [tilespmem:s18], [sflag:$0x8], $0x40, s13, s14, $0xb8;
	[tilespmem:$0x15020] =	vst v63  }
0x5e: {  	_ =	swait.ge [sflag:s26], $0x1400  }
0x5f: {  	[sflag:s26] =	ssyncset.done $0x0  }
0x60: {  	s13 =	sadd.s32 $0x2800, s21;
	[sflag:s26] =	ssyncadd.s32 $0xFFFFEC00  }
0x61: {  	[spmem:s3] =	stream.indirect.scatter.add.f32 [tilespmem:s20], [sflag:$0x9], $0x40, s13, s14, $0xb8;
	[tilespmem:$0x15020] =	vst v63  }
0x62: {  	_ =	swait.ge [sflag:s28], $0x1400  }
0x63: {  	[sflag:s28] =	ssyncset.done $0x0  }
0x64: {  	s13 =	sadd.s32 $0x2850, s21;
	[sflag:s28] =	ssyncadd.s32 $0xFFFFEC00  }
0x65: {  	[spmem:s3] =	stream.indirect.scatter.add.f32 [tilespmem:s22], [sflag:$0xA], $0x40, s13, s14, $0xb8;
	[tilespmem:$0x15020] =	vst v63  }
0x66: {  	_ =	swait.ge [sflag:s29], $0x1400  }
0x67: {  	[sflag:s29] =	ssyncset.done $0x0  }
0x68: {  	s13 =	sadd.s32 $0x190, s21;
	[sflag:s29] =	ssyncadd.s32 $0xFFFFEC00  }
0x69: {  	[tilespmem:s15], [sflag:$0x1] =	stream.indirect.gather [hbm4b:s1+s14], $0x40, s13, s14, $0xb8;
	[tilespmem:$0x15020] =	vst v63  }
0x6a: {  	_ =	swait.ge [sflag:s30], $0x1400  }
0x6b: {  	[sflag:s30] =	ssyncset.done $0x0  }
0x6c: {  	s13 =	sadd.s32 $0x1E0, s21;
	[sflag:s30] =	ssyncadd.s32 $0xFFFFEC00  }
0x6d: {  	[tilespmem:s16], [sflag:$0x2] =	stream.indirect.gather [hbm4b:s1+s14], $0x40, s13, s14, $0xb8;
	[tilespmem:$0x15020] =	vst v63  }
0x6e: {  	_ =	swait.ge [sflag:s31], $0x1400  }
0x6f: {  	[sflag:s31] =	ssyncset.done $0x0  }
0x70: {  	s13 =	sadd.s32 $0x230, s21;
	[sflag:s31] =	ssyncadd.s32 $0xFFFFEC00  }
0x71: {  	[tilespmem:s18], [sflag:$0x3] =	stream.indirect.gather [hbm4b:s1+s14], $0x40, s13, s14, $0xb8;
	[tilespmem:$0x15020] =	vst v63  }
0x72: {  	_ =	swait.ge [sflag:s2], $0x1400  }
0x73: {  	[sflag:s2] =	ssyncset.done $0x0  }
.Ltmp0:
0x74: {  	s13 =	sadd.s32 $0x280, s21;
	[sflag:s2] =	ssyncadd.s32 $0xFFFFEC00;
	(pc) =	sbr.rel @p0 .LBB2_2-.Ltmp0, $4  }
0x75: {  	[tilespmem:s20], [sflag:$0x4] =	stream.indirect.gather [hbm4b:s1+s14], $0x40, s13, s14, $0xb8;
	[tilespmem:$0x15020] =	vst v63  }
0x76: {  	_ =	swait.ge [sflag:s0], $0x1400  }
0x77: {  	[sflag:s0] =	ssyncset.done $0x0  }
0x78: {  	s21 =	sadd.s32 $0x2D0, s21;
	[sflag:s0] =	ssyncadd.s32 $0xFFFFEC00  }
0x79: {  	[tilespmem:s22], [sflag:$0x5] =	stream.indirect.gather [hbm4b:s1+s14], $0x40, s21, s14, $0xb8;
	[tilespmem:$0x15020] =	vst v63  }
0x7a: {  	_ =	swait.ge [sflag:s23], $0x1400  }
0x7b: {  	[sflag:s23] =	ssyncset.done $0x0  }
0x7c: {  	s13 =	simm.s32 $0x4C90;
	[sflag:s23] =	ssyncadd.s32 $0xFFFFEC00  }
0x7d: {  	[spmem:s3] =	stream.indirect.scatter.add.f32 [tilespmem:s15], [sflag:$0x6], $0x40, s13, s14, $0xb8;
	[tilespmem:$0x15020] =	vst v63  }
0x7e: {  	_ =	swait.ge [sflag:s24], $0x1400  }
0x7f: {  	[sflag:s24] =	ssyncset.done $0x0  }
0x80: {  	s19 =	simm.s32 $0x4CE0;
	[sflag:s24] =	ssyncadd.s32 $0xFFFFEC00  }
0x81: {  	[spmem:s3] =	stream.indirect.scatter.add.f32 [tilespmem:s16], [sflag:$0x7], $0x40, s19, s14, $0xb8;
	[tilespmem:$0x15020] =	vst v63  }
0x82: {  	_ =	swait.ge [sflag:s25], $0x1400  }
0x83: {  	[sflag:s25] =	ssyncset.done $0x0  }
0x84: {  	s21 =	simm.s32 $0x4D30;
	[sflag:s25] =	ssyncadd.s32 $0xFFFFEC00  }
0x85: {  	[spmem:s3] =	stream.indirect.scatter.add.f32 [tilespmem:s18], [sflag:$0x8], $0x40, s21, s14, $0xb8;
	[tilespmem:$0x15020] =	vst v63  }
0x86: {  	_ =	swait.ge [sflag:s26], $0x1400  }
0x87: {  	[sflag:s26] =	ssyncset.done $0x0  }
0x88: {  	s19 =	simm.s32 $0x4D80;
	[sflag:s26] =	ssyncadd.s32 $0xFFFFEC00  }
0x89: {  	[spmem:s3] =	stream.indirect.scatter.add.f32 [tilespmem:s20], [sflag:$0x9], $0x40, s19, s14, $0xb8;
	[tilespmem:$0x15020] =	vst v63  }
0x8a: {  	_ =	swait.ge [sflag:s28], $0x1400  }
0x8b: {  	[sflag:s28] =	ssyncset.done $0x0  }
0x8c: {  	s21 =	simm.s32 $0x4DD0;
	[sflag:s28] =	ssyncadd.s32 $0xFFFFEC00  }
0x8d: {  	[spmem:s3] =	stream.indirect.scatter.add.f32 [tilespmem:s22], [sflag:$0xA], $0x40, s21, s14, $0xb8;
	[tilespmem:$0x15020] =	vst v63  }
0x8e: {  	_ =	swait.ge [sflag:s29], $0x1400  }
0x8f: {  	[sflag:s29] =	ssyncset.done $0x0  }
0x90: {  	[sflag:s29] =	ssyncadd.s32 $0xFFFFEC00  }
0x91: {  	_ =	swait.ge [sflag:s30], $0x1400  }
0x92: {  	[sflag:s30] =	ssyncset.done $0x0  }
0x93: {  	[sflag:s30] =	ssyncadd.s32 $0xFFFFEC00  }
0x94: {  	_ =	swait.ge [sflag:s31], $0x1400  }
0x95: {  	[sflag:s31] =	ssyncset.done $0x0  }
0x96: {  	[sflag:s31] =	ssyncadd.s32 $0xFFFFEC00  }
0x97: {  	_ =	swait.ge [sflag:s2], $0x1400  }
0x98: {  	[sflag:s2] =	ssyncset.done $0x0  }
0x99: {  	[sflag:s2] =	ssyncadd.s32 $0xFFFFEC00  }
0x9a: {  	_ =	swait.ge [sflag:s0], $0x1400  }
0x9b: {  	s17 =	sadd.s32 $0x1, s17;
	[sflag:s0] =	ssyncset.done $0x0  }
0x9c: {  	p0 =	sne.s32 s17, s10;
	[sflag:s0] =	ssyncadd.s32 $0xFFFFEC00  }
.Ltmp1:
0x9d: {  	[bflag:$0x0] =	sbarrier.arrive $0xFFFF;
	(pc) =	sbr.rel @p0 .LBB2_1-.Ltmp1, $4  }
0x9e: {  	[hbm:s9], [sflag:s6] =	dma.local [spmem:s11], $0x13C0  }
0x9f: {  	_ =	swait.ge [sflag:s12], $0x13C0  }
0xa0: {  	[sflag:s12] =	ssyncset.done $0x0  }
0xa1: {  	[sflag:s12] =	ssyncadd.s32 $0xFFFFEC40  }
0xa2: {  	_ =	sfence.sel $0x180000  }
0xa3: {  	[bflag:$0x0] =	sbarrier.arrive $0xFFFF  }
0xa4: {  	_ =	strace $0x9000004A  }
0xa5: {  	s0 =	stileid.u32;
	[bflag:$0x2] =	sbarrier.arrive $0xFFFF  }
0xa6: {  	p0 =	sne.s32 s0, $0x0;
	s0 =	rddreg [dreg:$0x3]  }
0xa7: {  	s0 =	sadd.s32 @!p0 $0x100000, s0  }
0xa8: {  	[sflag:s0] =	ssyncadd.tile.s32 @!p0 $0x1;
	_ =	shalt  }
.Lfunc_end2:
_tile_overlayer_lowered:
.L_overlay_start_2:
0xa9: {  	(tag) =	ssettag $0x2  }
0xaa: {  	s0 =	rddreg [dreg:$0x0];
	s2 =	stileid.u32  }
0xab: {  	s1 =	rddreg [dreg:$0x1];
	p0 =	sne.s32 s2, $0x0  }
0xac: {  	s3 =	rddreg [dreg:$0x2];
	[bflag:$0x3] =	sbarrier.arrive $0xFFFF;
	s2 =	simm.s32 @!p0 $0x1C0B  }
0xad: {  	[timem:s3], [sflag:s2] =	dma.local @!p0 [hbm:s0], s1  }
0xae: {  	s0 =	simm.s32 @!p0 $0xB  }
0xaf: {  	_ =	swait.ge @!p0 [sflag:s0], s1  }
0xb0: {  	s1 =	ssub.s32 @!p0 $0x0, s1;
	[sflag:s0] =	ssyncset.done @!p0 $0x0  }
0xb1: {  	[sflag:s0] =	ssyncadd.s32 @!p0 s1  }
0xb2: {  	[bflag:$0x3] =	sbarrier.arrive $0xFFFF  }
0xb3: {  	_ =	shalt  }

// kernel: kernel.16.cloned.1.call-start
scs
__scs_entry_jumppad:
0x0: {  	(pc) =	sbr.rel $0x88, $3  }
0x1: {  	(tag) =	ssettag $0x0;
	lr =	simm.s32 $0x1  }
0x2: {  	[smem:$0x3F84] =	sst lr;
	_ =	strace $0xD0000000  }
0x3: {  	_ = 	snop  }
0x4: {  	_ = 	snop  }
0x5: {  	_ = 	snop  }
0x6: {  	_ = 	snop  }
0x7: {  	_ = 	snop  }
__scs_overlays_trampoline_lowered:
0x8: {  	[smem:$0x3F93] =	sst s0  }
0x9: {  	[smem:$0x3F94] =	sst s1  }
0xa: {  	[smem:$0x3F95] =	sst s2  }
0xb: {  	[smem:$0x3F96] =	sst s3  }
0xc: {  	[smem:$0x3F97] =	sst s4  }
0xd: {  	[smem:$0x3F98] =	sst s5  }
0xe: {  	[smem:$0x3F99] =	sst s6  }
0xf: {  	[smem:$0x3F9A] =	sst s7  }
0x10: {  	[smem:$0x3F9B] =	sst s8  }
0x11: {  	[smem:$0x3F9C] =	sst s9;
	s0 =	simm.s32 @!p0 $0x0  }
0x12: {  	s1 =	sld [smem:$0x3F82];
	s0 =	simm.s32 @p0 $0x1  }
0x13: {  	[smem:$0x3F9D] =	sst s0;
	s0 =	simm.s32 @!p1 $0x0  }
0x14: {  	s2 =	sld [smem:$0x3F81];
	s0 =	simm.s32 @p1 $0x1  }
0x15: {  	[smem:$0x3F9E] =	sst s0;
	s0 =	simm.s32 @!p2 $0x0  }
0x16: {  	s3 =	sld [smem:$0x3FDB];
	s0 =	simm.s32 @p2 $0x1  }
0x17: {  	s4 =	simm.s32 $0x1BF5;
	[smem:$0x3FA0] =	sst s0  }
0x18: {  	s0 =	sld [smem:$0x3F83];
	_ =	swait.ge [sflag:s4], $0x0  }
0x19: {  	s7 =	sld [smem:$0x3F84]  }
0x1a: {  	s8 =	sadd.s32 $0xFFFFE003, lr  }
0x1b: {  	s9 =	sadd.s32 $0xFFFFFEF7, lr;
	s5 =	simm.s32 $0xFFFFFFFF;
	p2 =	slt.u32 s8, $0xFFFFF086  }
0x1c: {  	p1 =	slt.u32 s9, $0xF7A;
	s5 =	simm.s32 @!p2 $0x0  }
0x1d: {  	s5 =	simm.s32 @p1 $0x1;
	p0 =	seq.s32 s7, s2  }
0x1e: {  	s7 =	smul.u32 @!p0 $0xF7A, s2;
	p2 =	seq.s32 @!p0 s5, $0x0  }
0x1f: {  	s9 =	smul.u32 $0xF7A, s1;
	s8 =	simm.s32 @!p0 $0x1BF5;
	p2 =	por !p2, p0  }
0x20: {  	[sflag:s8] =	ssyncset.s32 @!p0 $0xFFFFF086;
	s6 =	sadd.s32 @!p0 s3, s7;
	s7 =	simm.s32 @!p0 $0x108  }
0x21: {  	s3 =	sadd.s32 s3, s9;
	s6 =	sadd.s32 @!p0 $0x88, s6;
	s7 =	simm.s32 @p2 $0x1082  }
0x22: {  	[simem:s7], [sflag:s8] =	dma.local @!p0 [hbm:s6], $0xF7A  }
0x23: {  	s9 =	sor.u32 $0xD0000000, s2;
	s6 =	simm.s32 $0x108;
	_ =	swait.ge @!p0 [sflag:s8], $0x0  }
0x24: {  	s3 =	sadd.s32 $0x88, s3;
	s6 =	simm.s32 @!p1 $0x1082;
	[sflag:s4] =	ssyncset.s32 $0xFFFFF086  }
0x25: {  	[simem:s6], [sflag:s4] =	dma.local [hbm:s3], $0xF7A  }
0x26: {  	[smem:$0x3F84] =	sst s1;
	(tag) =	ssettag s2;
	_ =	strace s9  }
0x27: {  	s1 =	sld [smem:$0x3F94]  }
0x28: {  	s2 =	sld [smem:$0x3F95]  }
0x29: {  	s4 =	sld [smem:$0x3F97]  }
0x2a: {  	p0 =	seq.s32 s5, $0x0;
	s5 =	sld [smem:$0x3F98]  }
0x2b: {  	s6 =	sld [smem:$0x3F99]  }
0x2c: {  	s7 =	sld [smem:$0x3F9A]  }
0x2d: {  	s3 =	simm.s32 $0x108;
	s8 =	sld [smem:$0x3F9B]  }
0x2e: {  	s3 =	simm.s32 @!p0 $0x1082;
	s9 =	sld [smem:$0x3F9C]  }
0x2f: {  	lr =	sadd.s32 s0, s3;
	s0 =	sld [smem:$0x3F93]  }
0x30: {  	s3 =	sld [smem:$0x3F96]  }
0x31: {  	[smem:$0x3F9F] =	sst s10  }
0x32: {  	s10 =	sld [smem:$0x3F9D];
	_ =	sdelay $0x3  }
0x33: {  	p0 =	seq.s32 s10, $0x1;
	s10 =	sld [smem:$0x3F9F];
	_ =	sdelay $0x3  }
0x34: {  	[smem:$0x3F9F] =	sst s10  }
0x35: {  	s10 =	sld [smem:$0x3F9E];
	_ =	sdelay $0x3  }
0x36: {  	p1 =	seq.s32 s10, $0x1;
	s10 =	sld [smem:$0x3F9F];
	_ =	sdelay $0x3  }
0x37: {  	[smem:$0x3F9F] =	sst s10  }
0x38: {  	s10 =	sld [smem:$0x3FA0]  }
0x39: {  	_ = 	snop;
	(pc) =	sbr.ind lr, $3  }
0x3a: {  	_ = 	snop  }
0x3b: {  	_ = 	snop  }
0x3c: {  	p2 =	seq.s32 s10, $0x1;
	s10 =	sld [smem:$0x3F9F]  }
0x3d: {  	_ =	shalt  }
0x3e: {  	_ =	shalt  }
0x3f: {  	_ =	shalt  }
0x40: {  	_ =	shalt  }
0x41: {  	_ =	shalt  }
0x42: {  	_ =	shalt  }
0x43: {  	_ =	shalt  }
0x44: {  	_ =	shalt  }
0x45: {  	_ =	shalt  }
0x46: {  	_ =	shalt  }
0x47: {  	_ =	shalt  }
0x48: {  	_ =	shalt  }
0x49: {  	_ =	shalt  }
0x4a: {  	_ =	shalt  }
0x4b: {  	_ =	shalt  }
0x4c: {  	_ =	shalt  }
0x4d: {  	_ =	shalt  }
0x4e: {  	_ =	shalt  }
0x4f: {  	_ =	shalt  }
0x50: {  	_ =	shalt  }
0x51: {  	_ =	shalt  }
0x52: {  	_ =	shalt  }
0x53: {  	_ =	shalt  }
0x54: {  	_ =	shalt  }
0x55: {  	_ =	shalt  }
0x56: {  	_ =	shalt  }
0x57: {  	_ =	shalt  }
0x58: {  	_ =	shalt  }
0x59: {  	_ =	shalt  }
0x5a: {  	_ =	shalt  }
0x5b: {  	_ =	shalt  }
0x5c: {  	_ =	shalt  }
0x5d: {  	_ =	shalt  }
0x5e: {  	_ =	shalt  }
0x5f: {  	_ =	shalt  }
0x60: {  	_ =	shalt  }
0x61: {  	_ =	shalt  }
0x62: {  	_ =	shalt  }
0x63: {  	_ =	shalt  }
0x64: {  	_ =	shalt  }
0x65: {  	_ =	shalt  }
0x66: {  	_ =	shalt  }
0x67: {  	_ =	shalt  }
0x68: {  	_ =	shalt  }
0x69: {  	_ =	shalt  }
0x6a: {  	_ =	shalt  }
0x6b: {  	_ =	shalt  }
0x6c: {  	_ =	shalt  }
0x6d: {  	_ =	shalt  }
0x6e: {  	_ =	shalt  }
0x6f: {  	_ =	shalt  }
0x70: {  	_ =	shalt  }
0x71: {  	_ =	shalt  }
0x72: {  	_ =	shalt  }
0x73: {  	_ =	shalt  }
0x74: {  	_ =	shalt  }
0x75: {  	_ =	shalt  }
0x76: {  	_ =	shalt  }
0x77: {  	_ =	shalt  }
0x78: {  	_ =	shalt  }
0x79: {  	_ =	shalt  }
0x7a: {  	_ =	shalt  }
0x7b: {  	_ =	shalt  }
0x7c: {  	_ =	shalt  }
0x7d: {  	_ =	shalt  }
0x7e: {  	_ =	shalt  }
0x7f: {  	_ =	shalt  }
0x80: {  	_ =	shalt  }
0x81: {  	_ =	shalt  }
0x82: {  	_ =	shalt  }
0x83: {  	_ =	shalt  }
0x84: {  	_ =	shalt  }
0x85: {  	_ =	shalt  }
0x86: {  	_ =	shalt  }
0x87: {  	_ =	shalt  }
.Lfunc_end0:
.L_simem_size_0:
called_computation.2_lowered:
.L_overlay_start_0:
0x88: {  	s2 =	sld [smem:$0x3FD9]  }
0x89: {  	s3 =	sld [smem:$0x3FFE];
	_ =	sdelay $0x1  }
0x8a: {  	s1 =	srdreg.scid  }
0x8b: {  	s0 =	sand.u32 $0x1, s1  }
0x8c: {  	s14 =	sshll.u32 s0, $0xA;
	s2 =	sadd.s32 s3, s2  }
0x8d: {  	s2 =	sadd.s32 s2, s14  }
0x8e: {  	[smem:$0x3FAB] =	sst s2  }
0x8f: {  	_ = 	snop  }
0x90: {  	s2 =	sld [smem:$0x3FD0];
	_ =	sdelay $0x2  }
0x91: {  	s15 =	simm.s32 $0xA;
	s4 =	simm.s32 $0x10  }
0x92: {  	[smem:s4], [sflag:s15] =	dma.local [hbm:s2], $0x1  }
0x93: {  	_ =	swait.eq [sflag:s15], $0x1  }
0x94: {  	[sflag:s15] =	ssyncset.done $0x0  }
0x95: {  	[sflag:s15] =	ssyncadd.s32 $0xFFFFFFFF  }
0x96: {  	s16 =	sld [smem:$0x12];
	(tm) =	ssettm $0x1  }
0x97: {  	s17 =	sld [smem:$0x3FFB];
	_ =	sdelay $0x3  }
0x98: {  	_ =	strace s17  }
0x99: {  	s3 =	sld [smem:$0x3FFC];
	_ =	sdelay $0x3  }
0x9a: {  	_ =	strace s3  }
0x9b: {  	s3 =	sld [smem:$0x3FFD];
	_ =	sdelay $0x3  }
0x9c: {  	_ =	strace s3  }
0x9d: {  	_ =	strace $0x8FFFFFFF  }
0x9e: {  	s18 =	sld [smem:$0x3FDB];
	_ =	sdelay $0x1  }
0x9f: {  	s19 =	simm.s32 $_scs_section_size  }
0xa0: {  	s5 =	simm.s32 $_size__tile_overlayer_lowered;
	s6 =	simm.s32 $_tile_overlayer_lowered  }
0xa1: {  	s22 =	simm.s32 $0x1BFF;
	s21 =	sshll.u32 s6, $0x1;
	s3 =	sadd.s32 s19, s18  }
0xa2: {  	s7 =	simm.s32 $0x0;
	s20 =	sshll.u32 s5, $0x1;
	s5 =	sadd.s32 s21, s3  }
0xa3: {  	[timem:s7], [sflag:s22] =	dma.local [hbm:s5], s20  }
0xa4: {  	_ =	swait.ge [sflag:s22], s20  }
0xa5: {  	s4 =	ssub.s32 $0x0, s20;
	[sflag:s22] =	ssyncset.done $0x0  }
0xa6: {  	[sflag:s22] =	ssyncadd.s32 s4;
	_ =	sdelay $0x1  }
0xa7: {  	s23 =	simm.s32 $0x1B8B  }
0xa8: {  	_ =	swait.ge [sflag:s23], $0x1  }
0xa9: {  	[sflag:s23] =	ssyncset.done $0x0  }
0xaa: {  	s25 =	simm.s32 $0x1B8E;
	s24 =	sld [smem:$0x3FFE];
	[sflag:s23] =	ssyncadd.s32 $0xFFFFFFFF  }
0xab: {  	s26 =	simm.s32 $execute0_lowered;
	[smem:$0x3FD2] =	sst s25  }
0xac: {  	s5 =	sshll.u32 s26, $0x1;
	_ =	strace $0x8000004C;
	[dreg:$0x1] =	wrdreg $0xFFFFFFFF  }
0xad: {  	s28 =	simm.s32 $_size_execute0_lowered;
	s3 =	sadd.s32 s3, s5;
	[dreg:$0x0] =	wrdreg $0x0  }
0xae: {  	s5 =	sshll.u32 s28, $0x1;
	[dreg:$0x2] =	wrdreg s3  }
0xaf: {  	[dreg:$0x3] =	wrdreg s5  }
0xb0: {  	[dreg:$0x4] =	wrdreg $0xC0  }
0xb1: {  	_ =	task [dreg:s7], $0x5FFFF  }
0xb2: {  	[dreg:$0x1] =	wrdreg $0xFFFFFFFF  }
0xb3: {  	[dreg:$0x0] =	wrdreg $0x60  }
0xb4: {  	[dreg:$0x2] =	wrdreg s16  }
0xb5: {  	[dreg:$0x3] =	wrdreg s24  }
0xb6: {  	[dreg:$0x4] =	wrdreg $0xB2200  }
0xb7: {  	[dreg:$0x5] =	wrdreg $0x9  }
0xb8: {  	_ =	task.clear_ibuf [dreg:s7], $0x6FFFF;
	_ =	strace $0x9000004C  }
0xb9: {  	s29 =	simm.s32 $0x9;
	_ =	strace $0x8000004E  }
0xba: {  	_ =	swait.ge [sflag:s29], $0x1  }
0xbb: {  	[sflag:s29] =	ssyncadd.s32 $0xFFFFFFFF  }
0xbc: {  	_ =	strace $0x9000004E  }
0xbd: {  	_ =	sfence  }
0xbe: {  	s30 =	sld [smem:$0x0];
	_ =	sdelay $0x2  }
0xbf: {  	s31 =	sshll.u32 s1, $0xD;
	s1 =	sshrl.u32 s1, $0x2  }
0xc0: {  	s3 =	sand.u32 $0x4000, s31;
	s1 =	sadd.s32 s1, s30  }
0xc1: {  	s0 =	sor.u32 s3, s0;
	s1 =	sshll.u32 s1, $0x11  }
0xc2: {  	s0 =	sor.u32 s1, s0  }
0xc3: {  	s0 =	sadd.s32 $0x8F2B, s0  }
0xc4: {  	[sflag:s0] =	ssyncadd.remote.s32 $0x1  }
0xc5: {  	_ =	sfence.sel $0xFFFF  }
0xc6: {  	[dreg:$0x0] =	wrdreg $0xFFFFFFFF;
	(pc) =	sbr.abs _section_cstart, $3  }
0xc7: {  	[dreg:$0x1] =	wrdreg $0xFFFFFFFF  }
0xc8: {  	_ =	task.clear_ibuf [dreg:s7], $0x2FFFF;
	_ =	strace $0x9FFFFFFF  }
0xc9: {  	(tm) =	ssettm $0x7FFFFFFF  }
tec
execute0_lowered:
.L_overlay_start_1:
0x0: {  	(tag) =	ssettag $0x1  }
0x1: {  	s1 =	rddreg [dreg:$0x0]  }
0x2: {  	s0 =	srdreg.scid;
	s5 =	rddreg [dreg:$0x1]  }
0x3: {  	s12 =	stileid.u32;
	s3 =	rddreg [dreg:$0x2];
	s4 =	simm.s32 $0x0  }
0x4: {  	s14 =	simm.s32 $0x50;
	s15 =	simm.s32 $0x4E20;
	s16 =	simm.s32 $0x6220  }
0x5: {  	s18 =	simm.s32 $0x7620;
	s20 =	simm.s32 $0x8A20;
	s22 =	simm.s32 $0x9E20  }
0x6: {  	s23 =	simm.s32 $0x1;
	s24 =	simm.s32 $0x2;
	s25 =	simm.s32 $0x3  }
0x7: {  	s28 =	simm.s32 $0x5;
	s29 =	simm.s32 $0x6;
	s30 =	simm.s32 $0x7  }
0x8: {  	s31 =	simm.s32 $0x8;
	s17 =	simm.s32 $0x0;
	s0 =	sand.u32 $0x1, s0  }
0x9: {  	s2 =	sshll.u32 s12, $0x1;
	s6 =	smul.u32 $0x9E00, s12;
	[smem:$0x7FF] =	sst s4  }
0xa: {  	s26 =	sshll.u32 s12, $0x6;
	s12 =	simm.s32 $0xB;
	s2 =	sor.u32 s0, s2  }
0xb: {  	s7 =	smul.u32 $0x9E000, s0;
	_ =	strace $0x8000004D;
	s0 =	ssub.s32 $0x2, s0  }
0xc: {  	s2 =	smul.u32 $0x2710, s2;
	s8 =	sshrl.u32 s6, $0x3;
	s9 =	sshrl.u32 s0, $0x1  }
0xd: {  	s11 =	sadd.s32 s6, s3;
	s7 =	sadd.s32 s6, s7;
	s8 =	sadd.s32 s8, s5  }
0xe: {  	s0 =	ssub.s32 s0, s9;
	s6 =	sor.u32 $0x1C0B, s26;
	s11 =	sshrl.u32 s11, $0x3  }
0xf: {  	s26 =	simm.s32 $0x4;
	s2 =	sshrl.u32 s2, $0x3;
	s7 =	sshrl.u32 s7, $0x3  }
0x10: {  	s2 =	sadd.s32 s2, s5;
	s10 =	sadd.s32 s7, s5;
	s5 =	sadd.s32 $0x18400, s8  }
0x11: {  	s7 =	sadd.s32 $0x4A00, s2;
	s8 =	sadd.s32 $0xE640, s2;
	s9 =	sadd.s32 $0x2C000, s10  }
0x12: {  	s10 =	smax.u32 s0, $0x1;
	s2 =	simm.s32 $0x9;
	s0 =	simm.s32 $0xA  }
.LBB2_1:
0x13: {  	[spmem:s11], [sflag:s6] =	dma.local [hbm:s5], $0x13C0  }
0x14: {  	_ =	swait.ge [sflag:s12], $0x13C0  }
0x15: {  	[sflag:s12] =	ssyncset.done $0x0  }
0x16: {  	[sflag:s12] =	ssyncadd.s32 $0xFFFFEC40  }
0x17: {  	[tilespmem:s4], [sflag:$0xB] =	stream.linear.gather [hbm4b:s7+s4], $0x2710, $0x38;
	[tilespmem:$0x15020] =	vst v63  }
0x18: {  	_ =	swait.ge [sflag:s12], $0x2710  }
0x19: {  	[sflag:s12] =	ssyncset.done $0x0  }
0x1a: {  	s13 =	simm.s32 $0x2710;
	[sflag:s12] =	ssyncadd.s32 $0xFFFFD8F0  }
0x1b: {  	[tilespmem:s13], [sflag:$0xB] =	stream.linear.gather [hbm4b:s8+s4], $0x2710, $0x38;
	[tilespmem:$0x15020] =	vst v63  }
0x1c: {  	_ =	swait.ge [sflag:s12], $0x2710  }
0x1d: {  	[sflag:s12] =	ssyncset.done $0x0  }
0x1e: {  	[sflag:s12] =	ssyncadd.s32 $0xFFFFD8F0  }
0x1f: {  	[tilespmem:s15], [sflag:$0x1] =	stream.indirect.gather [hbm4b:s1+s14], $0x40, s4, s14, $0xb8;
	[tilespmem:$0x15020] =	vst v63  }
0x20: {  	_ = 	snop  }
0x21: {  	[tilespmem:s16], [sflag:$0x2] =	stream.indirect.gather [hbm4b:s1+s14], $0x40, s14, s14, $0xb8;
	[tilespmem:$0x15020] =	vst v63  }
0x22: {  	s21 =	simm.s32 $0xA0  }
0x23: {  	[tilespmem:s18], [sflag:$0x3] =	stream.indirect.gather [hbm4b:s1+s14], $0x40, s21, s14, $0xb8;
	[tilespmem:$0x15020] =	vst v63  }
0x24: {  	s19 =	simm.s32 $0xF0  }
0x25: {  	[tilespmem:s20], [sflag:$0x4] =	stream.indirect.gather [hbm4b:s1+s14], $0x40, s19, s14, $0xb8;
	[tilespmem:$0x15020] =	vst v63  }
0x26: {  	s21 =	simm.s32 $0x140  }
0x27: {  	[tilespmem:s22], [sflag:$0x5] =	stream.indirect.gather [hbm4b:s1+s14], $0x40, s21, s14, $0xb8;
	[tilespmem:$0x15020] =	vst v63  }
0x28: {  	[bflag:$0x0] =	sbarrier.arrive $0xFFFF  }
0x29: {  	_ =	swait.ge [sflag:s23], $0x1400  }
0x2a: {  	[sflag:s23] =	ssyncset.done $0x0  }
0x2b: {  	s19 =	simm.s32 $0x2710;
	[sflag:s23] =	ssyncadd.s32 $0xFFFFEC00  }
0x2c: {  	[spmem:s3] =	stream.indirect.scatter.add.f32 [tilespmem:s15], [sflag:$0x6], $0x40, s19, s14, $0xb8;
	[tilespmem:$0x15020] =	vst v63  }
0x2d: {  	_ =	swait.ge [sflag:s24], $0x1400  }
0x2e: {  	[sflag:s24] =	ssyncset.done $0x0  }
0x2f: {  	s13 =	simm.s32 $0x2760;
	[sflag:s24] =	ssyncadd.s32 $0xFFFFEC00  }
0x30: {  	[spmem:s3] =	stream.indirect.scatter.add.f32 [tilespmem:s16], [sflag:$0x7], $0x40, s13, s14, $0xb8;
	[tilespmem:$0x15020] =	vst v63  }
0x31: {  	_ =	swait.ge [sflag:s25], $0x1400  }
0x32: {  	[sflag:s25] =	ssyncset.done $0x0  }
0x33: {  	s21 =	simm.s32 $0x27B0;
	[sflag:s25] =	ssyncadd.s32 $0xFFFFEC00  }
0x34: {  	[spmem:s3] =	stream.indirect.scatter.add.f32 [tilespmem:s18], [sflag:$0x8], $0x40, s21, s14, $0xb8;
	[tilespmem:$0x15020] =	vst v63  }
0x35: {  	_ =	swait.ge [sflag:s26], $0x1400  }
0x36: {  	[sflag:s26] =	ssyncset.done $0x0  }
0x37: {  	s13 =	simm.s32 $0x2800;
	[sflag:s26] =	ssyncadd.s32 $0xFFFFEC00  }
0x38: {  	[spmem:s3] =	stream.indirect.scatter.add.f32 [tilespmem:s20], [sflag:$0x9], $0x40, s13, s14, $0xb8;
	[tilespmem:$0x15020] =	vst v63  }
0x39: {  	_ =	swait.ge [sflag:s28], $0x1400  }
0x3a: {  	[sflag:s28] =	ssyncset.done $0x0  }
0x3b: {  	s21 =	simm.s32 $0x2850;
	[sflag:s28] =	ssyncadd.s32 $0xFFFFEC00  }
0x3c: {  	[spmem:s3] =	stream.indirect.scatter.add.f32 [tilespmem:s22], [sflag:$0xA], $0x40, s21, s14, $0xb8;
	[tilespmem:$0x15020] =	vst v63  }
0x3d: {  	_ =	swait.ge [sflag:s29], $0x1400  }
0x3e: {  	[sflag:s29] =	ssyncset.done $0x0  }
0x3f: {  	s13 =	simm.s32 $0x190;
	[sflag:s29] =	ssyncadd.s32 $0xFFFFEC00  }
0x40: {  	[tilespmem:s15], [sflag:$0x1] =	stream.indirect.gather [hbm4b:s1+s14], $0x40, s13, s14, $0xb8;
	[tilespmem:$0x15020] =	vst v63  }
0x41: {  	_ =	swait.ge [sflag:s30], $0x1400  }
0x42: {  	[sflag:s30] =	ssyncset.done $0x0  }
0x43: {  	s21 =	simm.s32 $0x1E0;
	[sflag:s30] =	ssyncadd.s32 $0xFFFFEC00  }
0x44: {  	[tilespmem:s16], [sflag:$0x2] =	stream.indirect.gather [hbm4b:s1+s14], $0x40, s21, s14, $0xb8;
	[tilespmem:$0x15020] =	vst v63  }
0x45: {  	_ =	swait.ge [sflag:s31], $0x1400  }
0x46: {  	[sflag:s31] =	ssyncset.done $0x0  }
0x47: {  	s13 =	simm.s32 $0x230;
	[sflag:s31] =	ssyncadd.s32 $0xFFFFEC00  }
0x48: {  	[tilespmem:s18], [sflag:$0x3] =	stream.indirect.gather [hbm4b:s1+s14], $0x40, s13, s14, $0xb8;
	[tilespmem:$0x15020] =	vst v63  }
0x49: {  	_ =	swait.ge [sflag:s2], $0x1400  }
0x4a: {  	[sflag:s2] =	ssyncset.done $0x0  }
0x4b: {  	s21 =	simm.s32 $0x280;
	[sflag:s2] =	ssyncadd.s32 $0xFFFFEC00  }
0x4c: {  	[tilespmem:s20], [sflag:$0x4] =	stream.indirect.gather [hbm4b:s1+s14], $0x40, s21, s14, $0xb8;
	[tilespmem:$0x15020] =	vst v63  }
0x4d: {  	_ =	swait.ge [sflag:s0], $0x1400  }
0x4e: {  	[sflag:s0] =	ssyncset.done $0x0  }
0x4f: {  	s19 =	simm.s32 $0x640;
	s21 =	simm.s32 $0x2D0;
	[sflag:s0] =	ssyncadd.s32 $0xFFFFEC00  }
.LBB2_2:
0x50: {  	[tilespmem:s22], [sflag:$0x5] =	stream.indirect.gather [hbm4b:s1+s14], $0x40, s21, s14, $0xb8;
	[tilespmem:$0x15020] =	vst v63  }
0x51: {  	s21 =	smov.u32 s19  }
0x52: {  	p0 =	sne.s32 s19, $0x8FC0;
	s19 =	sadd.s32 $0x640, s19;
	_ =	swait.ge [sflag:s23], $0x1400  }
0x53: {  	s21 =	sshra.s32 s21, $0x2;
	[sflag:s23] =	ssyncset.done $0x0  }
0x54: {  	s13 =	sadd.s32 $0x2710, s21;
	[sflag:s23] =	ssyncadd.s32 $0xFFFFEC00  }
0x55: {  	[spmem:s3] =	stream.indirect.scatter.add.f32 [tilespmem:s15], [sflag:$0x6], $0x40, s13, s14, $0xb8;
	[tilespmem:$0x15020] =	vst v63  }
0x56: {  	_ =	swait.ge [sflag:s24], $0x1400  }
0x57: {  	[sflag:s24] =	ssyncset.done $0x0  }
0x58: {  	s13 =	sadd.s32 $0x2760, s21;
	[sflag:s24] =	ssyncadd.s32 $0xFFFFEC00  }
0x59: {  	[spmem:s3] =	stream.indirect.scatter.add.f32 [tilespmem:s16], [sflag:$0x7], $0x40, s13, s14, $0xb8;
	[tilespmem:$0x15020] =	vst v63  }
0x5a: {  	_ =	swait.ge [sflag:s25], $0x1400  }
0x5b: {  	[sflag:s25] =	ssyncset.done $0x0  }
0x5c: {  	s13 =	sadd.s32 $0x27B0, s21;
	[sflag:s25] =	ssyncadd.s32 $0xFFFFEC00  }
0x5d: {  	[spmem:s3] =	stream.indirect.scatter.add.f32 [tilespmem:s18], [sflag:$0x8], $0x40, s13, s14, $0xb8;
	[tilespmem:$0x15020] =	vst v63  }
0x5e: {  	_ =	swait.ge [sflag:s26], $0x1400  }
0x5f: {  	[sflag:s26] =	ssyncset.done $0x0  }
0x60: {  	s13 =	sadd.s32 $0x2800, s21;
	[sflag:s26] =	ssyncadd.s32 $0xFFFFEC00  }
0x61: {  	[spmem:s3] =	stream.indirect.scatter.add.f32 [tilespmem:s20], [sflag:$0x9], $0x40, s13, s14, $0xb8;
	[tilespmem:$0x15020] =	vst v63  }
0x62: {  	_ =	swait.ge [sflag:s28], $0x1400  }
0x63: {  	[sflag:s28] =	ssyncset.done $0x0  }
0x64: {  	s13 =	sadd.s32 $0x2850, s21;
	[sflag:s28] =	ssyncadd.s32 $0xFFFFEC00  }
0x65: {  	[spmem:s3] =	stream.indirect.scatter.add.f32 [tilespmem:s22], [sflag:$0xA], $0x40, s13, s14, $0xb8;
	[tilespmem:$0x15020] =	vst v63  }
0x66: {  	_ =	swait.ge [sflag:s29], $0x1400  }
0x67: {  	[sflag:s29] =	ssyncset.done $0x0  }
0x68: {  	s13 =	sadd.s32 $0x190, s21;
	[sflag:s29] =	ssyncadd.s32 $0xFFFFEC00  }
0x69: {  	[tilespmem:s15], [sflag:$0x1] =	stream.indirect.gather [hbm4b:s1+s14], $0x40, s13, s14, $0xb8;
	[tilespmem:$0x15020] =	vst v63  }
0x6a: {  	_ =	swait.ge [sflag:s30], $0x1400  }
0x6b: {  	[sflag:s30] =	ssyncset.done $0x0  }
0x6c: {  	s13 =	sadd.s32 $0x1E0, s21;
	[sflag:s30] =	ssyncadd.s32 $0xFFFFEC00  }
0x6d: {  	[tilespmem:s16], [sflag:$0x2] =	stream.indirect.gather [hbm4b:s1+s14], $0x40, s13, s14, $0xb8;
	[tilespmem:$0x15020] =	vst v63  }
0x6e: {  	_ =	swait.ge [sflag:s31], $0x1400  }
0x6f: {  	[sflag:s31] =	ssyncset.done $0x0  }
0x70: {  	s13 =	sadd.s32 $0x230, s21;
	[sflag:s31] =	ssyncadd.s32 $0xFFFFEC00  }
0x71: {  	[tilespmem:s18], [sflag:$0x3] =	stream.indirect.gather [hbm4b:s1+s14], $0x40, s13, s14, $0xb8;
	[tilespmem:$0x15020] =	vst v63  }
0x72: {  	_ =	swait.ge [sflag:s2], $0x1400  }
0x73: {  	[sflag:s2] =	ssyncset.done $0x0  }
.Ltmp0:
0x74: {  	s13 =	sadd.s32 $0x280, s21;
	[sflag:s2] =	ssyncadd.s32 $0xFFFFEC00;
	(pc) =	sbr.rel @p0 .LBB2_2-.Ltmp0, $4  }
0x75: {  	[tilespmem:s20], [sflag:$0x4] =	stream.indirect.gather [hbm4b:s1+s14], $0x40, s13, s14, $0xb8;
	[tilespmem:$0x15020] =	vst v63  }
0x76: {  	_ =	swait.ge [sflag:s0], $0x1400  }
0x77: {  	[sflag:s0] =	ssyncset.done $0x0  }
0x78: {  	s21 =	sadd.s32 $0x2D0, s21;
	[sflag:s0] =	ssyncadd.s32 $0xFFFFEC00  }
0x79: {  	[tilespmem:s22], [sflag:$0x5] =	stream.indirect.gather [hbm4b:s1+s14], $0x40, s21, s14, $0xb8;
	[tilespmem:$0x15020] =	vst v63  }
0x7a: {  	_ =	swait.ge [sflag:s23], $0x1400  }
0x7b: {  	[sflag:s23] =	ssyncset.done $0x0  }
0x7c: {  	s13 =	simm.s32 $0x4C90;
	[sflag:s23] =	ssyncadd.s32 $0xFFFFEC00  }
0x7d: {  	[spmem:s3] =	stream.indirect.scatter.add.f32 [tilespmem:s15], [sflag:$0x6], $0x40, s13, s14, $0xb8;
	[tilespmem:$0x15020] =	vst v63  }
0x7e: {  	_ =	swait.ge [sflag:s24], $0x1400  }
0x7f: {  	[sflag:s24] =	ssyncset.done $0x0  }
0x80: {  	s19 =	simm.s32 $0x4CE0;
	[sflag:s24] =	ssyncadd.s32 $0xFFFFEC00  }
0x81: {  	[spmem:s3] =	stream.indirect.scatter.add.f32 [tilespmem:s16], [sflag:$0x7], $0x40, s19, s14, $0xb8;
	[tilespmem:$0x15020] =	vst v63  }
0x82: {  	_ =	swait.ge [sflag:s25], $0x1400  }
0x83: {  	[sflag:s25] =	ssyncset.done $0x0  }
0x84: {  	s21 =	simm.s32 $0x4D30;
	[sflag:s25] =	ssyncadd.s32 $0xFFFFEC00  }
0x85: {  	[spmem:s3] =	stream.indirect.scatter.add.f32 [tilespmem:s18], [sflag:$0x8], $0x40, s21, s14, $0xb8;
	[tilespmem:$0x15020] =	vst v63  }
0x86: {  	_ =	swait.ge [sflag:s26], $0x1400  }
0x87: {  	[sflag:s26] =	ssyncset.done $0x0  }
0x88: {  	s19 =	simm.s32 $0x4D80;
	[sflag:s26] =	ssyncadd.s32 $0xFFFFEC00  }
0x89: {  	[spmem:s3] =	stream.indirect.scatter.add.f32 [tilespmem:s20], [sflag:$0x9], $0x40, s19, s14, $0xb8;
	[tilespmem:$0x15020] =	vst v63  }
0x8a: {  	_ =	swait.ge [sflag:s28], $0x1400  }
0x8b: {  	[sflag:s28] =	ssyncset.done $0x0  }
0x8c: {  	s21 =	simm.s32 $0x4DD0;
	[sflag:s28] =	ssyncadd.s32 $0xFFFFEC00  }
0x8d: {  	[spmem:s3] =	stream.indirect.scatter.add.f32 [tilespmem:s22], [sflag:$0xA], $0x40, s21, s14, $0xb8;
	[tilespmem:$0x15020] =	vst v63  }
0x8e: {  	_ =	swait.ge [sflag:s29], $0x1400  }
0x8f: {  	[sflag:s29] =	ssyncset.done $0x0  }
0x90: {  	[sflag:s29] =	ssyncadd.s32 $0xFFFFEC00  }
0x91: {  	_ =	swait.ge [sflag:s30], $0x1400  }
0x92: {  	[sflag:s30] =	ssyncset.done $0x0  }
0x93: {  	[sflag:s30] =	ssyncadd.s32 $0xFFFFEC00  }
0x94: {  	_ =	swait.ge [sflag:s31], $0x1400  }
0x95: {  	[sflag:s31] =	ssyncset.done $0x0  }
0x96: {  	[sflag:s31] =	ssyncadd.s32 $0xFFFFEC00  }
0x97: {  	_ =	swait.ge [sflag:s2], $0x1400  }
0x98: {  	[sflag:s2] =	ssyncset.done $0x0  }
0x99: {  	[sflag:s2] =	ssyncadd.s32 $0xFFFFEC00  }
0x9a: {  	_ =	swait.ge [sflag:s0], $0x1400  }
0x9b: {  	s17 =	sadd.s32 $0x1, s17;
	[sflag:s0] =	ssyncset.done $0x0  }
0x9c: {  	p0 =	sne.s32 s17, s10;
	[sflag:s0] =	ssyncadd.s32 $0xFFFFEC00  }
.Ltmp1:
0x9d: {  	[bflag:$0x0] =	sbarrier.arrive $0xFFFF;
	(pc) =	sbr.rel @p0 .LBB2_1-.Ltmp1, $4  }
0x9e: {  	[hbm:s9], [sflag:s6] =	dma.local [spmem:s11], $0x13C0  }
0x9f: {  	_ =	swait.ge [sflag:s12], $0x13C0  }
0xa0: {  	[sflag:s12] =	ssyncset.done $0x0  }
0xa1: {  	[sflag:s12] =	ssyncadd.s32 $0xFFFFEC40  }
0xa2: {  	_ =	sfence.sel $0x180000  }
0xa3: {  	[bflag:$0x0] =	sbarrier.arrive $0xFFFF  }
0xa4: {  	_ =	strace $0x9000004D  }
0xa5: {  	s0 =	stileid.u32;
	[bflag:$0x2] =	sbarrier.arrive $0xFFFF  }
0xa6: {  	p0 =	sne.s32 s0, $0x0;
	s0 =	rddreg [dreg:$0x3]  }
0xa7: {  	s0 =	sadd.s32 @!p0 $0x100000, s0  }
0xa8: {  	[sflag:s0] =	ssyncadd.tile.s32 @!p0 $0x1;
	_ =	shalt  }
.Lfunc_end2:
_tile_overlayer_lowered:
.L_overlay_start_2:
0xa9: {  	(tag) =	ssettag $0x2  }
0xaa: {  	s0 =	rddreg [dreg:$0x0];
	s2 =	stileid.u32  }
0xab: {  	s1 =	rddreg [dreg:$0x1];
	p0 =	sne.s32 s2, $0x0  }
0xac: {  	s3 =	rddreg [dreg:$0x2];
	[bflag:$0x3] =	sbarrier.arrive $0xFFFF;
	s2 =	simm.s32 @!p0 $0x1C0B  }
0xad: {  	[timem:s3], [sflag:s2] =	dma.local @!p0 [hbm:s0], s1  }
0xae: {  	s0 =	simm.s32 @!p0 $0xB  }
0xaf: {  	_ =	swait.ge @!p0 [sflag:s0], s1  }
0xb0: {  	s1 =	ssub.s32 @!p0 $0x0, s1;
	[sflag:s0] =	ssyncset.done @!p0 $0x0  }
0xb1: {  	[sflag:s0] =	ssyncadd.s32 @!p0 s1  }
0xb2: {  	[bflag:$0x3] =	sbarrier.arrive $0xFFFF  }
0xb3: {  	_ =	shalt  }

</sc_bundles>
